<compile_context>
chip_gen: v7x
topology: tpu7x:2x2x1
jax: 0.10.2.dev20260603
libtpu: 0.0.44.dev20260713+nightly
codegen_flags: <defaults>
</compile_context>

<pallas_src>
import functools

import jax
import jax.numpy as jnp
from jax import lax
from jax.experimental import pallas as pl
from jax.experimental.pallas import tpu as pltpu
from jax.experimental.pallas import tpu_sc as plsc

_SC_DELAYS = ((3, 8), (4, 16), (5, 32))
_TC_DELAYS = ((0, 1), (1, 2), (2, 4))
_K = 6
_COL = 256
_CH = 32
_NCH = _COL // _CH
_TC_BLOCK = 256


def _sc_part(embeddings):
    B, S, D = embeddings.shape

    info = plsc.get_sparse_core_info()
    nw = info.num_cores * info.num_subcores
    ncol = S // _COL
    assert nw == B * ncol
    mesh = plsc.VectorSubcoreMesh(core_axis_name="c", subcore_axis_name="s")

    @functools.partial(
        pl.kernel,
        out_type=jax.ShapeDtypeStruct((B, S, _K * D), jnp.float32),
        mesh=mesh,
        scratch_types=[
            pltpu.VMEM((3 * _CH, D), jnp.float32),
            pltpu.SemaphoreType.DMA,
            pltpu.SemaphoreType.DMA,
            pltpu.SemaphoreType.DMA,
        ],
    )
    def run(emb_hbm, out_hbm, ring, sem0, sem1, sem2):
        cid = lax.axis_index("c")
        sid = lax.axis_index("s")
        wid = sid * info.num_cores + cid
        b = wid // ncol
        c = wid % ncol
        t0 = c * _COL
        sems = (sem0, sem1, sem2)

        def win(i):
            return ring.at[pl.ds(((i + 1) % 3) * _CH, _CH)]

        def chunk_copies(i, do):
            sem = sems[i % 3]
            r0 = t0 + i * _CH
            adj = i % 3 < 2
            for k, d in _SC_DELAYS:
                ksl = pl.ds(k * D, D)
                if i == 0:
                    @pl.when(c > 0)
                    def _body(k=k, d=d, ksl=ksl):
                        if d == _CH:
                            do(win(-1), out_hbm.at[b, pl.ds(r0, _CH), ksl], sem)
                        else:
                            do(ring.at[pl.ds(_CH - d, _CH)],
                               out_hbm.at[b, pl.ds(r0, _CH), ksl], sem)

                    @pl.when(c == 0)
                    def _head(k=k, d=d, ksl=ksl):
                        if d == _CH:
                            do(win(0), out_hbm.at[b, pl.ds(0, _CH), ksl], sem)
                        else:
                            do(win(0).at[pl.ds(0, d)],
                               out_hbm.at[b, pl.ds(0, d), ksl], sem)
                            do(win(0).at[pl.ds(0, _CH - d)],
                               out_hbm.at[b, pl.ds(d, _CH - d), ksl], sem)
                else:
                    if d == _CH:
                        do(win(i - 1), out_hbm.at[b, pl.ds(r0, _CH), ksl], sem)
                    elif adj:
                        do(ring.at[pl.ds((i % 3) * _CH + _CH - d, _CH)],
                           out_hbm.at[b, pl.ds(r0, _CH), ksl], sem)
                    else:
                        do(win(i - 1).at[pl.ds(_CH - d, d)],
                           out_hbm.at[b, pl.ds(r0, d), ksl], sem)
                        do(win(i).at[pl.ds(0, _CH - d)],
                           out_hbm.at[b, pl.ds(r0 + d, _CH - d), ksl], sem)

        def issue(src, dst, sem):
            pltpu.async_copy(src, dst, sem)

        def drain(src, dst, sem):
            pltpu.make_async_copy(src, dst, sem).wait()

        @pl.when(c > 0)
        def _halo():
            pltpu.sync_copy(emb_hbm.at[b, pl.ds(t0 - _CH, _CH), :], win(-1))

        pltpu.sync_copy(emb_hbm.at[b, pl.ds(t0, _CH), :], win(0))
        chunk_copies(0, issue)
        for i in range(1, _NCH):
            if i >= 2:
                chunk_copies(i - 2, drain)
            pltpu.sync_copy(
                emb_hbm.at[b, pl.ds(t0 + i * _CH, _CH), :], win(i))
            chunk_copies(i, issue)

        chunk_copies(_NCH - 2, drain)
        chunk_copies(_NCH - 1, drain)

    return run(embeddings)


def _tc_kernel(emb_ref, halo_ref, out_sc_ref, out_ref):
    del out_sc_ref
    i = pl.program_id(1)
    T = _TC_BLOCK
    cur = emb_ref[0]
    halo = halo_ref[0]
    row = lax.broadcasted_iota(jnp.int32, (T, 1), 0)
    for k, d in _TC_DELAYS:
        shifted = jnp.concatenate([halo[8 - d:], cur[:T - d]], axis=0)
        val = jnp.where((i == 0) & (row < d), cur, shifted)
        out_ref[0, :, k * cur.shape[1]:(k + 1) * cur.shape[1]] = val


def kernel(embeddings):
    B, S, D = embeddings.shape
    T = _TC_BLOCK
    out_sc = _sc_part(embeddings)

    return pl.pallas_call(
        _tc_kernel,
        grid=(B, S // T),
        in_specs=[
            pl.BlockSpec((1, T, D), lambda b, i: (b, i, 0)),
            pl.BlockSpec((1, 8, D),
                         lambda b, i: (b, jnp.maximum(i * (T // 8) - 1, 0), 0)),
            pl.BlockSpec(memory_space=pl.ANY),
        ],
        out_specs=pl.BlockSpec((1, T, 3 * D), lambda b, i: (b, i, 0)),
        out_shape=jax.ShapeDtypeStruct((B, S, _K * D), jnp.float32),
        input_output_aliases={2: 0},
    )(embeddings, embeddings, out_sc)

# --- scband reference (transcript-rebuilt; emitter-appended) ---
"""Pipeline reference for scband-delay-buffer-85581518340253 (READ-ONLY COPY).

The authoritative reference and input builder live on the scoring server;
editing this copy changes nothing except your own understanding.
"""

import jax, jax.numpy as jnp
import numpy as np

DELAYS = [1, 2, 4, 8, 16, 32]

def setup_inputs(seed: int = 0) -> dict:
    key = jax.random.key(seed)
    embeddings = jax.random.normal(key, (4, 2048, 1024), dtype=jnp.float32)
    return {"embeddings": embeddings}

def reference(embeddings) -> jnp.ndarray:
    # Faithful translation: the torch circular buffer (buffer_size=64 >= max delay 32)
    # always yields embeddings[:, t-delay, :] when delay <= t, else embeddings[:, t, :].
    B, S, D = embeddings.shape
    t = jnp.arange(S)
    outs = []
    for d in DELAYS:
        idx = jnp.where(t >= d, t - d, t)
        outs.append(jnp.take(embeddings, idx, axis=1))
    delayed = jnp.concatenate(outs, axis=-1)
    return delayed

if __name__ == "__main__":
    import jax
    _d = setup_inputs()
    print(jax.jit(kernel)(*tuple(_d.values())))

</pallas_src>

<mosaic_0001>
#map = affine_map<(d0, d1) -> (0, 0, 0)>
module attributes {stable_mosaic.version = 14 : i64} {
  func.func @run(%arg0: i32, %arg1: i32, %arg2: memref<4x2048x1024xf32, #tpu.memory_space<hbm>>, %arg3: memref<4x2048x6144xf32, #tpu.memory_space<hbm>>, %arg4: memref<96x1024xf32, #tpu.memory_space<vmem>>, %arg5: memref<!tpu.dma_semaphore, #tpu.memory_space<semaphore_mem>>, %arg6: memref<!tpu.dma_semaphore, #tpu.memory_space<semaphore_mem>>, %arg7: memref<!tpu.dma_semaphore, #tpu.memory_space<semaphore_mem>>) attributes {dimension_semantics = [#tpu.dimension_semantics<core_parallel>, #tpu.dimension_semantics<subcore_parallel>], iteration_bounds = array<i64: 2, 16>, scalar_prefetch = 0 : i64, scratch_operands = 4 : i64, tpu.core_type = #tpu.core_type<sc_vector_subcore>, window_params = [{transform_indices = #map}, {transform_indices = #map}]} {
    %mul3A = arith.constant 2 : i32
    %mul3A_0 = arith.muli %arg1, %mul3A : i32
    %add3A = arith.addi %mul3A_0, %arg0 : i32
    %jit3A = arith.constant 8 : i32
    %div3A = arith.divsi %add3A, %jit3A : i32
    %sign3A = arith.constant 0 : i32
    %sign3A_1 = arith.cmpi sgt, %add3A, %sign3A : i32
    %sign3A_2 = arith.extui %sign3A_1 : i1 to i32
    %sign3A_3 = arith.constant 0 : i32
    %sign3A_4 = arith.cmpi slt, %add3A, %sign3A_3 : i32
    %sign3A_5 = arith.extui %sign3A_4 : i1 to i32
    %sign3A_6 = arith.subi %sign3A_2, %sign3A_5 : i32
    %sign3A_7 = arith.constant 0 : i32
    %sign3A_8 = arith.cmpi sgt, %jit3A, %sign3A_7 : i32
    %sign3A_9 = arith.extui %sign3A_8 : i1 to i32
    %sign3A_10 = arith.constant 0 : i32
    %sign3A_11 = arith.cmpi slt, %jit3A, %sign3A_10 : i32
    %sign3A_12 = arith.extui %sign3A_11 : i1 to i32
    %sign3A_13 = arith.subi %sign3A_9, %sign3A_12 : i32
    %ne3A = arith.cmpi ne, %sign3A_6, %sign3A_13 : i32
    %rem3A = arith.remsi %add3A, %jit3A : i32
    %ne3A_14 = arith.constant 0 : i32
    %ne3A_15 = arith.cmpi ne, %rem3A, %ne3A_14 : i32
    %and3A = arith.andi %ne3A, %ne3A_15 : i1
    %sub3A = arith.constant 1 : i32
    %sub3A_16 = arith.subi %div3A, %sub3A : i32
    %select_n3A = arith.select %and3A, %sub3A_16, %div3A : i32
    %jit3A_17 = arith.constant 8 : i32
    %eq3A = arith.constant 0 : i32
    %eq3A_18 = arith.cmpi eq, %jit3A_17, %eq3A : i32
    %jit3A_19 = arith.constant 1 : i32
    %select_n3A_20 = arith.select %eq3A_18, %jit3A_19, %jit3A_17 : i32
    %rem3A_21 = arith.remsi %add3A, %select_n3A_20 : i32
    %ne3A_22 = arith.constant 0 : i32
    %ne3A_23 = arith.cmpi ne, %rem3A_21, %ne3A_22 : i32
    %lt3A = arith.constant 0 : i32
    %lt3A_24 = arith.cmpi slt, %rem3A_21, %lt3A : i32
    %lt3A_25 = arith.constant 0 : i32
    %lt3A_26 = arith.cmpi slt, %select_n3A_20, %lt3A_25 : i32
    %ne3A_27 = arith.xori %lt3A_24, %lt3A_26 : i1
    %and3A_28 = arith.andi %ne3A_27, %ne3A_23 : i1
    %add3A_29 = arith.addi %rem3A_21, %select_n3A_20 : i32
    %select_n3A_30 = arith.select %and3A_28, %add3A_29, %rem3A_21 : i32
    %mul3A_31 = arith.constant 256 : i32
    %mul3A_32 = arith.muli %select_n3A_30, %mul3A_31 : i32
    %gt3A = arith.constant 0 : i32
    %gt3A_33 = arith.cmpi sgt, %select_n3A_30, %gt3A : i32
    %convert_element_type3A = arith.extui %gt3A_33 : i1 to i32
    %cond3A = arith.constant 0 : i32
    %cond3A_34 = arith.cmpi ne, %convert_element_type3A, %cond3A : i32
    scf.if %cond3A_34 {
      %sub3A_851 = arith.constant 32 : i32
      %sub3A_852 = arith.subi %mul3A_32, %sub3A_851 : i32
      "tpu.region"() ({
        %run_scoped3A = tpu.sem_alloc : memref<!tpu.dma_semaphore, #tpu.memory_space<semaphore_mem>>
        %dma_start3A_853 = arith.constant 0 : i32
        %dma_start3A_854 = arith.constant 0 : i32
        %dma_start3A_855 = tpu.memref_slice %arg4[%dma_start3A_853, %dma_start3A_854] : memref<96x1024xf32, #tpu.memory_space<vmem>> -> memref<32x1024xf32, #tpu.memory_space<vmem>>
        %dma_start3A_856 = arith.constant 0 : i32
        %dma_start3A_857 = tpu.memref_slice %arg2[%select_n3A, %sub3A_852, %dma_start3A_856] : memref<4x2048x1024xf32, #tpu.memory_space<hbm>> -> memref<1x32x1024xf32, #tpu.memory_space<hbm>>
        %dma_start3A_858 = tpu.memref_squeeze %dma_start3A_857 : memref<1x32x1024xf32, #tpu.memory_space<hbm>> -> memref<32x1024xf32, #tpu.memory_space<hbm>>
        %dma_start3A_859 = arith.constant 0 : i32
        %dma_start3A_860 = arith.constant 0 : i32
        %dma_start3A_861 = tpu.memref_slice %arg4[%dma_start3A_859, %dma_start3A_860] : memref<96x1024xf32, #tpu.memory_space<vmem>> -> memref<32x1024xf32, #tpu.memory_space<vmem>>
        %dma_start3A_862 = arith.constant 0 : i32
        %dma_start3A_863 = tpu.memref_slice %arg2[%select_n3A, %sub3A_852, %dma_start3A_862] : memref<4x2048x1024xf32, #tpu.memory_space<hbm>> -> memref<1x32x1024xf32, #tpu.memory_space<hbm>>
        %dma_start3A_864 = tpu.memref_squeeze %dma_start3A_863 : memref<1x32x1024xf32, #tpu.memory_space<hbm>> -> memref<32x1024xf32, #tpu.memory_space<hbm>>
        tpu.enqueue_dma source(%dma_start3A_864 : memref<32x1024xf32, #tpu.memory_space<hbm>>) target(%dma_start3A_861 : memref<32x1024xf32, #tpu.memory_space<vmem>>) target_semaphore(%run_scoped3A : memref<!tpu.dma_semaphore, #tpu.memory_space<semaphore_mem>>)
        %dma_wait3A_865 = arith.constant 0 : i32
        %dma_wait3A_866 = arith.constant 0 : i32
        %dma_wait3A_867 = tpu.memref_slice %arg4[%dma_wait3A_865, %dma_wait3A_866] : memref<96x1024xf32, #tpu.memory_space<vmem>> -> memref<32x1024xf32, #tpu.memory_space<vmem>>
        %dma_wait3A_868 = arith.constant 0 : i32
        %dma_wait3A_869 = tpu.memref_slice %arg2[%select_n3A, %sub3A_852, %dma_wait3A_868] : memref<4x2048x1024xf32, #tpu.memory_space<hbm>> -> memref<1x32x1024xf32, #tpu.memory_space<hbm>>
        %dma_wait3A_870 = tpu.memref_squeeze %dma_wait3A_869 : memref<1x32x1024xf32, #tpu.memory_space<hbm>> -> memref<32x1024xf32, #tpu.memory_space<hbm>>
        %dma_wait3A_871 = arith.constant 0 : i32
        %dma_wait3A_872 = arith.constant 0 : i32
        %dma_wait3A_873 = tpu.memref_slice %arg4[%dma_wait3A_871, %dma_wait3A_872] : memref<96x1024xf32, #tpu.memory_space<vmem>> -> memref<32x1024xf32, #tpu.memory_space<vmem>>
        %dma_wait3A_874 = arith.constant 0 : i32
        %dma_wait3A_875 = tpu.memref_slice %arg2[%select_n3A, %sub3A_852, %dma_wait3A_874] : memref<4x2048x1024xf32, #tpu.memory_space<hbm>> -> memref<1x32x1024xf32, #tpu.memory_space<hbm>>
        %dma_wait3A_876 = tpu.memref_squeeze %dma_wait3A_875 : memref<1x32x1024xf32, #tpu.memory_space<hbm>> -> memref<32x1024xf32, #tpu.memory_space<hbm>>
        tpu.wait_dma2 semaphore(%run_scoped3A : memref<!tpu.dma_semaphore, #tpu.memory_space<semaphore_mem>>) src(%dma_wait3A_876 : memref<32x1024xf32, #tpu.memory_space<hbm>>) dst(%dma_wait3A_873 : memref<32x1024xf32, #tpu.memory_space<vmem>>)
        tpu.yield
      }) : () -> ()
    } else {
    }
    "tpu.region"() ({
      %run_scoped3A = tpu.sem_alloc : memref<!tpu.dma_semaphore, #tpu.memory_space<semaphore_mem>>
      %dma_start3A_851 = arith.constant 32 : i32
      %dma_start3A_852 = arith.constant 0 : i32
      %dma_start3A_853 = tpu.memref_slice %arg4[%dma_start3A_851, %dma_start3A_852] : memref<96x1024xf32, #tpu.memory_space<vmem>> -> memref<32x1024xf32, #tpu.memory_space<vmem>>
      %dma_start3A_854 = arith.constant 0 : i32
      %dma_start3A_855 = tpu.memref_slice %arg2[%select_n3A, %mul3A_32, %dma_start3A_854] : memref<4x2048x1024xf32, #tpu.memory_space<hbm>> -> memref<1x32x1024xf32, #tpu.memory_space<hbm>>
      %dma_start3A_856 = tpu.memref_squeeze %dma_start3A_855 : memref<1x32x1024xf32, #tpu.memory_space<hbm>> -> memref<32x1024xf32, #tpu.memory_space<hbm>>
      %dma_start3A_857 = arith.constant 32 : i32
      %dma_start3A_858 = arith.constant 0 : i32
      %dma_start3A_859 = tpu.memref_slice %arg4[%dma_start3A_857, %dma_start3A_858] : memref<96x1024xf32, #tpu.memory_space<vmem>> -> memref<32x1024xf32, #tpu.memory_space<vmem>>
      %dma_start3A_860 = arith.constant 0 : i32
      %dma_start3A_861 = tpu.memref_slice %arg2[%select_n3A, %mul3A_32, %dma_start3A_860] : memref<4x2048x1024xf32, #tpu.memory_space<hbm>> -> memref<1x32x1024xf32, #tpu.memory_space<hbm>>
      %dma_start3A_862 = tpu.memref_squeeze %dma_start3A_861 : memref<1x32x1024xf32, #tpu.memory_space<hbm>> -> memref<32x1024xf32, #tpu.memory_space<hbm>>
      tpu.enqueue_dma source(%dma_start3A_862 : memref<32x1024xf32, #tpu.memory_space<hbm>>) target(%dma_start3A_859 : memref<32x1024xf32, #tpu.memory_space<vmem>>) target_semaphore(%run_scoped3A : memref<!tpu.dma_semaphore, #tpu.memory_space<semaphore_mem>>)
      %dma_wait3A_863 = arith.constant 32 : i32
      %dma_wait3A_864 = arith.constant 0 : i32
      %dma_wait3A_865 = tpu.memref_slice %arg4[%dma_wait3A_863, %dma_wait3A_864] : memref<96x1024xf32, #tpu.memory_space<vmem>> -> memref<32x1024xf32, #tpu.memory_space<vmem>>
      %dma_wait3A_866 = arith.constant 0 : i32
      %dma_wait3A_867 = tpu.memref_slice %arg2[%select_n3A, %mul3A_32, %dma_wait3A_866] : memref<4x2048x1024xf32, #tpu.memory_space<hbm>> -> memref<1x32x1024xf32, #tpu.memory_space<hbm>>
      %dma_wait3A_868 = tpu.memref_squeeze %dma_wait3A_867 : memref<1x32x1024xf32, #tpu.memory_space<hbm>> -> memref<32x1024xf32, #tpu.memory_space<hbm>>
      %dma_wait3A_869 = arith.constant 32 : i32
      %dma_wait3A_870 = arith.constant 0 : i32
      %dma_wait3A_871 = tpu.memref_slice %arg4[%dma_wait3A_869, %dma_wait3A_870] : memref<96x1024xf32, #tpu.memory_space<vmem>> -> memref<32x1024xf32, #tpu.memory_space<vmem>>
      %dma_wait3A_872 = arith.constant 0 : i32
      %dma_wait3A_873 = tpu.memref_slice %arg2[%select_n3A, %mul3A_32, %dma_wait3A_872] : memref<4x2048x1024xf32, #tpu.memory_space<hbm>> -> memref<1x32x1024xf32, #tpu.memory_space<hbm>>
      %dma_wait3A_874 = tpu.memref_squeeze %dma_wait3A_873 : memref<1x32x1024xf32, #tpu.memory_space<hbm>> -> memref<32x1024xf32, #tpu.memory_space<hbm>>
      tpu.wait_dma2 semaphore(%run_scoped3A : memref<!tpu.dma_semaphore, #tpu.memory_space<semaphore_mem>>) src(%dma_wait3A_874 : memref<32x1024xf32, #tpu.memory_space<hbm>>) dst(%dma_wait3A_871 : memref<32x1024xf32, #tpu.memory_space<vmem>>)
      tpu.yield
    }) : () -> ()
    %add3A_35 = arith.constant 0 : i32
    %add3A_36 = arith.addi %mul3A_32, %add3A_35 : i32
    %gt3A_37 = arith.constant 0 : i32
    %gt3A_38 = arith.cmpi sgt, %select_n3A_30, %gt3A_37 : i32
    %convert_element_type3A_39 = arith.extui %gt3A_38 : i1 to i32
    %cond3A_40 = arith.constant 0 : i32
    %cond3A_41 = arith.cmpi ne, %convert_element_type3A_39, %cond3A_40 : i32
    scf.if %cond3A_41 {
      %dma_start3A_851 = arith.constant 24 : i32
      %dma_start3A_852 = arith.constant 0 : i32
      %dma_start3A_853 = tpu.memref_slice %arg4[%dma_start3A_851, %dma_start3A_852] : memref<96x1024xf32, #tpu.memory_space<vmem>> -> memref<32x1024xf32, #tpu.memory_space<vmem>>
      %dma_start3A_854 = arith.constant 3072 : i32
      %dma_start3A_855 = tpu.memref_slice %arg3[%select_n3A, %add3A_36, %dma_start3A_854] : memref<4x2048x6144xf32, #tpu.memory_space<hbm>> -> memref<1x32x1024xf32, #tpu.memory_space<hbm>>
      %dma_start3A_856 = tpu.memref_squeeze %dma_start3A_855 : memref<1x32x1024xf32, #tpu.memory_space<hbm>> -> memref<32x1024xf32, #tpu.memory_space<hbm>>
      %dma_start3A_857 = arith.constant 3072 : i32
      %dma_start3A_858 = tpu.memref_slice %arg3[%select_n3A, %add3A_36, %dma_start3A_857] : memref<4x2048x6144xf32, #tpu.memory_space<hbm>> -> memref<1x32x1024xf32, #tpu.memory_space<hbm>>
      %dma_start3A_859 = tpu.memref_squeeze %dma_start3A_858 : memref<1x32x1024xf32, #tpu.memory_space<hbm>> -> memref<32x1024xf32, #tpu.memory_space<hbm>>
      %dma_start3A_860 = arith.constant 24 : i32
      %dma_start3A_861 = arith.constant 0 : i32
      %dma_start3A_862 = tpu.memref_slice %arg4[%dma_start3A_860, %dma_start3A_861] : memref<96x1024xf32, #tpu.memory_space<vmem>> -> memref<32x1024xf32, #tpu.memory_space<vmem>>
      tpu.enqueue_dma source(%dma_start3A_862 : memref<32x1024xf32, #tpu.memory_space<vmem>>) target(%dma_start3A_859 : memref<32x1024xf32, #tpu.memory_space<hbm>>) target_semaphore(%arg5 : memref<!tpu.dma_semaphore, #tpu.memory_space<semaphore_mem>>)
    } else {
    }
    %eq3A_42 = arith.constant 0 : i32
    %eq3A_43 = arith.cmpi eq, %select_n3A_30, %eq3A_42 : i32
    %convert_element_type3A_44 = arith.extui %eq3A_43 : i1 to i32
    %cond3A_45 = arith.constant 0 : i32
    %cond3A_46 = arith.cmpi ne, %convert_element_type3A_44, %cond3A_45 : i32
    scf.if %cond3A_46 {
      %dma_start3A_851 = arith.constant 32 : i32
      %dma_start3A_852 = arith.constant 0 : i32
      %dma_start3A_853 = tpu.memref_slice %arg4[%dma_start3A_851, %dma_start3A_852] : memref<96x1024xf32, #tpu.memory_space<vmem>> -> memref<32x1024xf32, #tpu.memory_space<vmem>>
      %dma_start3A_854 = arith.constant 0 : i32
      %dma_start3A_855 = arith.constant 0 : i32
      %dma_start3A_856 = tpu.memref_slice %dma_start3A_853[%dma_start3A_854, %dma_start3A_855] : memref<32x1024xf32, #tpu.memory_space<vmem>> -> memref<8x1024xf32, #tpu.memory_space<vmem>>
      %dma_start3A_857 = arith.constant 0 : i32
      %dma_start3A_858 = arith.constant 3072 : i32
      %dma_start3A_859 = tpu.memref_slice %arg3[%select_n3A, %dma_start3A_857, %dma_start3A_858] : memref<4x2048x6144xf32, #tpu.memory_space<hbm>> -> memref<1x8x1024xf32, #tpu.memory_space<hbm>>
      %dma_start3A_860 = tpu.memref_squeeze %dma_start3A_859 : memref<1x8x1024xf32, #tpu.memory_space<hbm>> -> memref<8x1024xf32, #tpu.memory_space<hbm>>
      %dma_start3A_861 = arith.constant 0 : i32
      %dma_start3A_862 = arith.constant 3072 : i32
      %dma_start3A_863 = tpu.memref_slice %arg3[%select_n3A, %dma_start3A_861, %dma_start3A_862] : memref<4x2048x6144xf32, #tpu.memory_space<hbm>> -> memref<1x8x1024xf32, #tpu.memory_space<hbm>>
      %dma_start3A_864 = tpu.memref_squeeze %dma_start3A_863 : memref<1x8x1024xf32, #tpu.memory_space<hbm>> -> memref<8x1024xf32, #tpu.memory_space<hbm>>
      %dma_start3A_865 = arith.constant 32 : i32
      %dma_start3A_866 = arith.constant 0 : i32
      %dma_start3A_867 = tpu.memref_slice %arg4[%dma_start3A_865, %dma_start3A_866] : memref<96x1024xf32, #tpu.memory_space<vmem>> -> memref<32x1024xf32, #tpu.memory_space<vmem>>
      %dma_start3A_868 = arith.constant 0 : i32
      %dma_start3A_869 = arith.constant 0 : i32
      %dma_start3A_870 = tpu.memref_slice %dma_start3A_867[%dma_start3A_868, %dma_start3A_869] : memref<32x1024xf32, #tpu.memory_space<vmem>> -> memref<8x1024xf32, #tpu.memory_space<vmem>>
      tpu.enqueue_dma source(%dma_start3A_870 : memref<8x1024xf32, #tpu.memory_space<vmem>>) target(%dma_start3A_864 : memref<8x1024xf32, #tpu.memory_space<hbm>>) target_semaphore(%arg5 : memref<!tpu.dma_semaphore, #tpu.memory_space<semaphore_mem>>)
      %dma_start3A_871 = arith.constant 32 : i32
      %dma_start3A_872 = arith.constant 0 : i32
      %dma_start3A_873 = tpu.memref_slice %arg4[%dma_start3A_871, %dma_start3A_872] : memref<96x1024xf32, #tpu.memory_space<vmem>> -> memref<32x1024xf32, #tpu.memory_space<vmem>>
      %dma_start3A_874 = arith.constant 0 : i32
      %dma_start3A_875 = arith.constant 0 : i32
      %dma_start3A_876 = tpu.memref_slice %dma_start3A_873[%dma_start3A_874, %dma_start3A_875] : memref<32x1024xf32, #tpu.memory_space<vmem>> -> memref<24x1024xf32, #tpu.memory_space<vmem>>
      %dma_start3A_877 = arith.constant 8 : i32
      %dma_start3A_878 = arith.constant 3072 : i32
      %dma_start3A_879 = tpu.memref_slice %arg3[%select_n3A, %dma_start3A_877, %dma_start3A_878] : memref<4x2048x6144xf32, #tpu.memory_space<hbm>> -> memref<1x24x1024xf32, #tpu.memory_space<hbm>>
      %dma_start3A_880 = tpu.memref_squeeze %dma_start3A_879 : memref<1x24x1024xf32, #tpu.memory_space<hbm>> -> memref<24x1024xf32, #tpu.memory_space<hbm>>
      %dma_start3A_881 = arith.constant 8 : i32
      %dma_start3A_882 = arith.constant 3072 : i32
      %dma_start3A_883 = tpu.memref_slice %arg3[%select_n3A, %dma_start3A_881, %dma_start3A_882] : memref<4x2048x6144xf32, #tpu.memory_space<hbm>> -> memref<1x24x1024xf32, #tpu.memory_space<hbm>>
      %dma_start3A_884 = tpu.memref_squeeze %dma_start3A_883 : memref<1x24x1024xf32, #tpu.memory_space<hbm>> -> memref<24x1024xf32, #tpu.memory_space<hbm>>
      %dma_start3A_885 = arith.constant 32 : i32
      %dma_start3A_886 = arith.constant 0 : i32
      %dma_start3A_887 = tpu.memref_slice %arg4[%dma_start3A_885, %dma_start3A_886] : memref<96x1024xf32, #tpu.memory_space<vmem>> -> memref<32x1024xf32, #tpu.memory_space<vmem>>
      %dma_start3A_888 = arith.constant 0 : i32
      %dma_start3A_889 = arith.constant 0 : i32
      %dma_start3A_890 = tpu.memref_slice %dma_start3A_887[%dma_start3A_888, %dma_start3A_889] : memref<32x1024xf32, #tpu.memory_space<vmem>> -> memref<24x1024xf32, #tpu.memory_space<vmem>>
      tpu.enqueue_dma source(%dma_start3A_890 : memref<24x1024xf32, #tpu.memory_space<vmem>>) target(%dma_start3A_884 : memref<24x1024xf32, #tpu.memory_space<hbm>>) target_semaphore(%arg5 : memref<!tpu.dma_semaphore, #tpu.memory_space<semaphore_mem>>)
    } else {
    }
    %gt3A_47 = arith.constant 0 : i32
    %gt3A_48 = arith.cmpi sgt, %select_n3A_30, %gt3A_47 : i32
    %convert_element_type3A_49 = arith.extui %gt3A_48 : i1 to i32
    %cond3A_50 = arith.constant 0 : i32
    %cond3A_51 = arith.cmpi ne, %convert_element_type3A_49, %cond3A_50 : i32
    scf.if %cond3A_51 {
      %dma_start3A_851 = arith.constant 16 : i32
      %dma_start3A_852 = arith.constant 0 : i32
      %dma_start3A_853 = tpu.memref_slice %arg4[%dma_start3A_851, %dma_start3A_852] : memref<96x1024xf32, #tpu.memory_space<vmem>> -> memref<32x1024xf32, #tpu.memory_space<vmem>>
      %dma_start3A_854 = arith.constant 4096 : i32
      %dma_start3A_855 = tpu.memref_slice %arg3[%select_n3A, %add3A_36, %dma_start3A_854] : memref<4x2048x6144xf32, #tpu.memory_space<hbm>> -> memref<1x32x1024xf32, #tpu.memory_space<hbm>>
      %dma_start3A_856 = tpu.memref_squeeze %dma_start3A_855 : memref<1x32x1024xf32, #tpu.memory_space<hbm>> -> memref<32x1024xf32, #tpu.memory_space<hbm>>
      %dma_start3A_857 = arith.constant 4096 : i32
      %dma_start3A_858 = tpu.memref_slice %arg3[%select_n3A, %add3A_36, %dma_start3A_857] : memref<4x2048x6144xf32, #tpu.memory_space<hbm>> -> memref<1x32x1024xf32, #tpu.memory_space<hbm>>
      %dma_start3A_859 = tpu.memref_squeeze %dma_start3A_858 : memref<1x32x1024xf32, #tpu.memory_space<hbm>> -> memref<32x1024xf32, #tpu.memory_space<hbm>>
      %dma_start3A_860 = arith.constant 16 : i32
      %dma_start3A_861 = arith.constant 0 : i32
      %dma_start3A_862 = tpu.memref_slice %arg4[%dma_start3A_860, %dma_start3A_861] : memref<96x1024xf32, #tpu.memory_space<vmem>> -> memref<32x1024xf32, #tpu.memory_space<vmem>>
      tpu.enqueue_dma source(%dma_start3A_862 : memref<32x1024xf32, #tpu.memory_space<vmem>>) target(%dma_start3A_859 : memref<32x1024xf32, #tpu.memory_space<hbm>>) target_semaphore(%arg5 : memref<!tpu.dma_semaphore, #tpu.memory_space<semaphore_mem>>)
    } else {
    }
    %eq3A_52 = arith.constant 0 : i32
    %eq3A_53 = arith.cmpi eq, %select_n3A_30, %eq3A_52 : i32
    %convert_element_type3A_54 = arith.extui %eq3A_53 : i1 to i32
    %cond3A_55 = arith.constant 0 : i32
    %cond3A_56 = arith.cmpi ne, %convert_element_type3A_54, %cond3A_55 : i32
    scf.if %cond3A_56 {
      %dma_start3A_851 = arith.constant 32 : i32
      %dma_start3A_852 = arith.constant 0 : i32
      %dma_start3A_853 = tpu.memref_slice %arg4[%dma_start3A_851, %dma_start3A_852] : memref<96x1024xf32, #tpu.memory_space<vmem>> -> memref<32x1024xf32, #tpu.memory_space<vmem>>
      %dma_start3A_854 = arith.constant 0 : i32
      %dma_start3A_855 = arith.constant 0 : i32
      %dma_start3A_856 = tpu.memref_slice %dma_start3A_853[%dma_start3A_854, %dma_start3A_855] : memref<32x1024xf32, #tpu.memory_space<vmem>> -> memref<16x1024xf32, #tpu.memory_space<vmem>>
      %dma_start3A_857 = arith.constant 0 : i32
      %dma_start3A_858 = arith.constant 4096 : i32
      %dma_start3A_859 = tpu.memref_slice %arg3[%select_n3A, %dma_start3A_857, %dma_start3A_858] : memref<4x2048x6144xf32, #tpu.memory_space<hbm>> -> memref<1x16x1024xf32, #tpu.memory_space<hbm>>
      %dma_start3A_860 = tpu.memref_squeeze %dma_start3A_859 : memref<1x16x1024xf32, #tpu.memory_space<hbm>> -> memref<16x1024xf32, #tpu.memory_space<hbm>>
      %dma_start3A_861 = arith.constant 0 : i32
      %dma_start3A_862 = arith.constant 4096 : i32
      %dma_start3A_863 = tpu.memref_slice %arg3[%select_n3A, %dma_start3A_861, %dma_start3A_862] : memref<4x2048x6144xf32, #tpu.memory_space<hbm>> -> memref<1x16x1024xf32, #tpu.memory_space<hbm>>
      %dma_start3A_864 = tpu.memref_squeeze %dma_start3A_863 : memref<1x16x1024xf32, #tpu.memory_space<hbm>> -> memref<16x1024xf32, #tpu.memory_space<hbm>>
      %dma_start3A_865 = arith.constant 32 : i32
      %dma_start3A_866 = arith.constant 0 : i32
      %dma_start3A_867 = tpu.memref_slice %arg4[%dma_start3A_865, %dma_start3A_866] : memref<96x1024xf32, #tpu.memory_space<vmem>> -> memref<32x1024xf32, #tpu.memory_space<vmem>>
      %dma_start3A_868 = arith.constant 0 : i32
      %dma_start3A_869 = arith.constant 0 : i32
      %dma_start3A_870 = tpu.memref_slice %dma_start3A_867[%dma_start3A_868, %dma_start3A_869] : memref<32x1024xf32, #tpu.memory_space<vmem>> -> memref<16x1024xf32, #tpu.memory_space<vmem>>
      tpu.enqueue_dma source(%dma_start3A_870 : memref<16x1024xf32, #tpu.memory_space<vmem>>) target(%dma_start3A_864 : memref<16x1024xf32, #tpu.memory_space<hbm>>) target_semaphore(%arg5 : memref<!tpu.dma_semaphore, #tpu.memory_space<semaphore_mem>>)
      %dma_start3A_871 = arith.constant 32 : i32
      %dma_start3A_872 = arith.constant 0 : i32
      %dma_start3A_873 = tpu.memref_slice %arg4[%dma_start3A_871, %dma_start3A_872] : memref<96x1024xf32, #tpu.memory_space<vmem>> -> memref<32x1024xf32, #tpu.memory_space<vmem>>
      %dma_start3A_874 = arith.constant 0 : i32
      %dma_start3A_875 = arith.constant 0 : i32
      %dma_start3A_876 = tpu.memref_slice %dma_start3A_873[%dma_start3A_874, %dma_start3A_875] : memref<32x1024xf32, #tpu.memory_space<vmem>> -> memref<16x1024xf32, #tpu.memory_space<vmem>>
      %dma_start3A_877 = arith.constant 16 : i32
      %dma_start3A_878 = arith.constant 4096 : i32
      %dma_start3A_879 = tpu.memref_slice %arg3[%select_n3A, %dma_start3A_877, %dma_start3A_878] : memref<4x2048x6144xf32, #tpu.memory_space<hbm>> -> memref<1x16x1024xf32, #tpu.memory_space<hbm>>
      %dma_start3A_880 = tpu.memref_squeeze %dma_start3A_879 : memref<1x16x1024xf32, #tpu.memory_space<hbm>> -> memref<16x1024xf32, #tpu.memory_space<hbm>>
      %dma_start3A_881 = arith.constant 16 : i32
      %dma_start3A_882 = arith.constant 4096 : i32
      %dma_start3A_883 = tpu.memref_slice %arg3[%select_n3A, %dma_start3A_881, %dma_start3A_882] : memref<4x2048x6144xf32, #tpu.memory_space<hbm>> -> memref<1x16x1024xf32, #tpu.memory_space<hbm>>
      %dma_start3A_884 = tpu.memref_squeeze %dma_start3A_883 : memref<1x16x1024xf32, #tpu.memory_space<hbm>> -> memref<16x1024xf32, #tpu.memory_space<hbm>>
      %dma_start3A_885 = arith.constant 32 : i32
      %dma_start3A_886 = arith.constant 0 : i32
      %dma_start3A_887 = tpu.memref_slice %arg4[%dma_start3A_885, %dma_start3A_886] : memref<96x1024xf32, #tpu.memory_space<vmem>> -> memref<32x1024xf32, #tpu.memory_space<vmem>>
      %dma_start3A_888 = arith.constant 0 : i32
      %dma_start3A_889 = arith.constant 0 : i32
      %dma_start3A_890 = tpu.memref_slice %dma_start3A_887[%dma_start3A_888, %dma_start3A_889] : memref<32x1024xf32, #tpu.memory_space<vmem>> -> memref<16x1024xf32, #tpu.memory_space<vmem>>
      tpu.enqueue_dma source(%dma_start3A_890 : memref<16x1024xf32, #tpu.memory_space<vmem>>) target(%dma_start3A_884 : memref<16x1024xf32, #tpu.memory_space<hbm>>) target_semaphore(%arg5 : memref<!tpu.dma_semaphore, #tpu.memory_space<semaphore_mem>>)
    } else {
    }
    %gt3A_57 = arith.constant 0 : i32
    %gt3A_58 = arith.cmpi sgt, %select_n3A_30, %gt3A_57 : i32
    %convert_element_type3A_59 = arith.extui %gt3A_58 : i1 to i32
    %cond3A_60 = arith.constant 0 : i32
    %cond3A_61 = arith.cmpi ne, %convert_element_type3A_59, %cond3A_60 : i32
    scf.if %cond3A_61 {
      %dma_start3A_851 = arith.constant 0 : i32
      %dma_start3A_852 = arith.constant 0 : i32
      %dma_start3A_853 = tpu.memref_slice %arg4[%dma_start3A_851, %dma_start3A_852] : memref<96x1024xf32, #tpu.memory_space<vmem>> -> memref<32x1024xf32, #tpu.memory_space<vmem>>
      %dma_start3A_854 = arith.constant 5120 : i32
      %dma_start3A_855 = tpu.memref_slice %arg3[%select_n3A, %add3A_36, %dma_start3A_854] : memref<4x2048x6144xf32, #tpu.memory_space<hbm>> -> memref<1x32x1024xf32, #tpu.memory_space<hbm>>
      %dma_start3A_856 = tpu.memref_squeeze %dma_start3A_855 : memref<1x32x1024xf32, #tpu.memory_space<hbm>> -> memref<32x1024xf32, #tpu.memory_space<hbm>>
      %dma_start3A_857 = arith.constant 5120 : i32
      %dma_start3A_858 = tpu.memref_slice %arg3[%select_n3A, %add3A_36, %dma_start3A_857] : memref<4x2048x6144xf32, #tpu.memory_space<hbm>> -> memref<1x32x1024xf32, #tpu.memory_space<hbm>>
      %dma_start3A_859 = tpu.memref_squeeze %dma_start3A_858 : memref<1x32x1024xf32, #tpu.memory_space<hbm>> -> memref<32x1024xf32, #tpu.memory_space<hbm>>
      %dma_start3A_860 = arith.constant 0 : i32
      %dma_start3A_861 = arith.constant 0 : i32
      %dma_start3A_862 = tpu.memref_slice %arg4[%dma_start3A_860, %dma_start3A_861] : memref<96x1024xf32, #tpu.memory_space<vmem>> -> memref<32x1024xf32, #tpu.memory_space<vmem>>
      tpu.enqueue_dma source(%dma_start3A_862 : memref<32x1024xf32, #tpu.memory_space<vmem>>) target(%dma_start3A_859 : memref<32x1024xf32, #tpu.memory_space<hbm>>) target_semaphore(%arg5 : memref<!tpu.dma_semaphore, #tpu.memory_space<semaphore_mem>>)
    } else {
    }
    %eq3A_62 = arith.constant 0 : i32
    %eq3A_63 = arith.cmpi eq, %select_n3A_30, %eq3A_62 : i32
    %convert_element_type3A_64 = arith.extui %eq3A_63 : i1 to i32
    %cond3A_65 = arith.constant 0 : i32
    %cond3A_66 = arith.cmpi ne, %convert_element_type3A_64, %cond3A_65 : i32
    scf.if %cond3A_66 {
      %dma_start3A_851 = arith.constant 32 : i32
      %dma_start3A_852 = arith.constant 0 : i32
      %dma_start3A_853 = tpu.memref_slice %arg4[%dma_start3A_851, %dma_start3A_852] : memref<96x1024xf32, #tpu.memory_space<vmem>> -> memref<32x1024xf32, #tpu.memory_space<vmem>>
      %dma_start3A_854 = arith.constant 0 : i32
      %dma_start3A_855 = arith.constant 5120 : i32
      %dma_start3A_856 = tpu.memref_slice %arg3[%select_n3A, %dma_start3A_854, %dma_start3A_855] : memref<4x2048x6144xf32, #tpu.memory_space<hbm>> -> memref<1x32x1024xf32, #tpu.memory_space<hbm>>
      %dma_start3A_857 = tpu.memref_squeeze %dma_start3A_856 : memref<1x32x1024xf32, #tpu.memory_space<hbm>> -> memref<32x1024xf32, #tpu.memory_space<hbm>>
      %dma_start3A_858 = arith.constant 0 : i32
      %dma_start3A_859 = arith.constant 5120 : i32
      %dma_start3A_860 = tpu.memref_slice %arg3[%select_n3A, %dma_start3A_858, %dma_start3A_859] : memref<4x2048x6144xf32, #tpu.memory_space<hbm>> -> memref<1x32x1024xf32, #tpu.memory_space<hbm>>
      %dma_start3A_861 = tpu.memref_squeeze %dma_start3A_860 : memref<1x32x1024xf32, #tpu.memory_space<hbm>> -> memref<32x1024xf32, #tpu.memory_space<hbm>>
      %dma_start3A_862 = arith.constant 32 : i32
      %dma_start3A_863 = arith.constant 0 : i32
      %dma_start3A_864 = tpu.memref_slice %arg4[%dma_start3A_862, %dma_start3A_863] : memref<96x1024xf32, #tpu.memory_space<vmem>> -> memref<32x1024xf32, #tpu.memory_space<vmem>>
      tpu.enqueue_dma source(%dma_start3A_864 : memref<32x1024xf32, #tpu.memory_space<vmem>>) target(%dma_start3A_861 : memref<32x1024xf32, #tpu.memory_space<hbm>>) target_semaphore(%arg5 : memref<!tpu.dma_semaphore, #tpu.memory_space<semaphore_mem>>)
    } else {
    }
    %add3A_67 = arith.constant 32 : i32
    %add3A_68 = arith.addi %mul3A_32, %add3A_67 : i32
    "tpu.region"() ({
      %run_scoped3A = tpu.sem_alloc : memref<!tpu.dma_semaphore, #tpu.memory_space<semaphore_mem>>
      %dma_start3A_851 = arith.constant 64 : i32
      %dma_start3A_852 = arith.constant 0 : i32
      %dma_start3A_853 = tpu.memref_slice %arg4[%dma_start3A_851, %dma_start3A_852] : memref<96x1024xf32, #tpu.memory_space<vmem>> -> memref<32x1024xf32, #tpu.memory_space<vmem>>
      %dma_start3A_854 = arith.constant 0 : i32
      %dma_start3A_855 = tpu.memref_slice %arg2[%select_n3A, %add3A_68, %dma_start3A_854] : memref<4x2048x1024xf32, #tpu.memory_space<hbm>> -> memref<1x32x1024xf32, #tpu.memory_space<hbm>>
      %dma_start3A_856 = tpu.memref_squeeze %dma_start3A_855 : memref<1x32x1024xf32, #tpu.memory_space<hbm>> -> memref<32x1024xf32, #tpu.memory_space<hbm>>
      %dma_start3A_857 = arith.constant 64 : i32
      %dma_start3A_858 = arith.constant 0 : i32
      %dma_start3A_859 = tpu.memref_slice %arg4[%dma_start3A_857, %dma_start3A_858] : memref<96x1024xf32, #tpu.memory_space<vmem>> -> memref<32x1024xf32, #tpu.memory_space<vmem>>
      %dma_start3A_860 = arith.constant 0 : i32
      %dma_start3A_861 = tpu.memref_slice %arg2[%select_n3A, %add3A_68, %dma_start3A_860] : memref<4x2048x1024xf32, #tpu.memory_space<hbm>> -> memref<1x32x1024xf32, #tpu.memory_space<hbm>>
      %dma_start3A_862 = tpu.memref_squeeze %dma_start3A_861 : memref<1x32x1024xf32, #tpu.memory_space<hbm>> -> memref<32x1024xf32, #tpu.memory_space<hbm>>
      tpu.enqueue_dma source(%dma_start3A_862 : memref<32x1024xf32, #tpu.memory_space<hbm>>) target(%dma_start3A_859 : memref<32x1024xf32, #tpu.memory_space<vmem>>) target_semaphore(%run_scoped3A : memref<!tpu.dma_semaphore, #tpu.memory_space<semaphore_mem>>)
      %dma_wait3A_863 = arith.constant 64 : i32
      %dma_wait3A_864 = arith.constant 0 : i32
      %dma_wait3A_865 = tpu.memref_slice %arg4[%dma_wait3A_863, %dma_wait3A_864] : memref<96x1024xf32, #tpu.memory_space<vmem>> -> memref<32x1024xf32, #tpu.memory_space<vmem>>
      %dma_wait3A_866 = arith.constant 0 : i32
      %dma_wait3A_867 = tpu.memref_slice %arg2[%select_n3A, %add3A_68, %dma_wait3A_866] : memref<4x2048x1024xf32, #tpu.memory_space<hbm>> -> memref<1x32x1024xf32, #tpu.memory_space<hbm>>
      %dma_wait3A_868 = tpu.memref_squeeze %dma_wait3A_867 : memref<1x32x1024xf32, #tpu.memory_space<hbm>> -> memref<32x1024xf32, #tpu.memory_space<hbm>>
      %dma_wait3A_869 = arith.constant 64 : i32
      %dma_wait3A_870 = arith.constant 0 : i32
      %dma_wait3A_871 = tpu.memref_slice %arg4[%dma_wait3A_869, %dma_wait3A_870] : memref<96x1024xf32, #tpu.memory_space<vmem>> -> memref<32x1024xf32, #tpu.memory_space<vmem>>
      %dma_wait3A_872 = arith.constant 0 : i32
      %dma_wait3A_873 = tpu.memref_slice %arg2[%select_n3A, %add3A_68, %dma_wait3A_872] : memref<4x2048x1024xf32, #tpu.memory_space<hbm>> -> memref<1x32x1024xf32, #tpu.memory_space<hbm>>
      %dma_wait3A_874 = tpu.memref_squeeze %dma_wait3A_873 : memref<1x32x1024xf32, #tpu.memory_space<hbm>> -> memref<32x1024xf32, #tpu.memory_space<hbm>>
      tpu.wait_dma2 semaphore(%run_scoped3A : memref<!tpu.dma_semaphore, #tpu.memory_space<semaphore_mem>>) src(%dma_wait3A_874 : memref<32x1024xf32, #tpu.memory_space<hbm>>) dst(%dma_wait3A_871 : memref<32x1024xf32, #tpu.memory_space<vmem>>)
      tpu.yield
    }) : () -> ()
    %add3A_69 = arith.constant 32 : i32
    %add3A_70 = arith.addi %mul3A_32, %add3A_69 : i32
    %dma_start3A = arith.constant 56 : i32
    %dma_start3A_71 = arith.constant 0 : i32
    %dma_start3A_72 = tpu.memref_slice %arg4[%dma_start3A, %dma_start3A_71] : memref<96x1024xf32, #tpu.memory_space<vmem>> -> memref<32x1024xf32, #tpu.memory_space<vmem>>
    %dma_start3A_73 = arith.constant 3072 : i32
    %dma_start3A_74 = tpu.memref_slice %arg3[%select_n3A, %add3A_70, %dma_start3A_73] : memref<4x2048x6144xf32, #tpu.memory_space<hbm>> -> memref<1x32x1024xf32, #tpu.memory_space<hbm>>
    %dma_start3A_75 = tpu.memref_squeeze %dma_start3A_74 : memref<1x32x1024xf32, #tpu.memory_space<hbm>> -> memref<32x1024xf32, #tpu.memory_space<hbm>>
    %dma_start3A_76 = arith.constant 3072 : i32
    %dma_start3A_77 = tpu.memref_slice %arg3[%select_n3A, %add3A_70, %dma_start3A_76] : memref<4x2048x6144xf32, #tpu.memory_space<hbm>> -> memref<1x32x1024xf32, #tpu.memory_space<hbm>>
    %dma_start3A_78 = tpu.memref_squeeze %dma_start3A_77 : memref<1x32x1024xf32, #tpu.memory_space<hbm>> -> memref<32x1024xf32, #tpu.memory_space<hbm>>
    %dma_start3A_79 = arith.constant 56 : i32
    %dma_start3A_80 = arith.constant 0 : i32
    %dma_start3A_81 = tpu.memref_slice %arg4[%dma_start3A_79, %dma_start3A_80] : memref<96x1024xf32, #tpu.memory_space<vmem>> -> memref<32x1024xf32, #tpu.memory_space<vmem>>
    tpu.enqueue_dma source(%dma_start3A_81 : memref<32x1024xf32, #tpu.memory_space<vmem>>) target(%dma_start3A_78 : memref<32x1024xf32, #tpu.memory_space<hbm>>) target_semaphore(%arg6 : memref<!tpu.dma_semaphore, #tpu.memory_space<semaphore_mem>>)
    %dma_start3A_82 = arith.constant 48 : i32
    %dma_start3A_83 = arith.constant 0 : i32
    %dma_start3A_84 = tpu.memref_slice %arg4[%dma_start3A_82, %dma_start3A_83] : memref<96x1024xf32, #tpu.memory_space<vmem>> -> memref<32x1024xf32, #tpu.memory_space<vmem>>
    %dma_start3A_85 = arith.constant 4096 : i32
    %dma_start3A_86 = tpu.memref_slice %arg3[%select_n3A, %add3A_70, %dma_start3A_85] : memref<4x2048x6144xf32, #tpu.memory_space<hbm>> -> memref<1x32x1024xf32, #tpu.memory_space<hbm>>
    %dma_start3A_87 = tpu.memref_squeeze %dma_start3A_86 : memref<1x32x1024xf32, #tpu.memory_space<hbm>> -> memref<32x1024xf32, #tpu.memory_space<hbm>>
    %dma_start3A_88 = arith.constant 4096 : i32
    %dma_start3A_89 = tpu.memref_slice %arg3[%select_n3A, %add3A_70, %dma_start3A_88] : memref<4x2048x6144xf32, #tpu.memory_space<hbm>> -> memref<1x32x1024xf32, #tpu.memory_space<hbm>>
    %dma_start3A_90 = tpu.memref_squeeze %dma_start3A_89 : memref<1x32x1024xf32, #tpu.memory_space<hbm>> -> memref<32x1024xf32, #tpu.memory_space<hbm>>
    %dma_start3A_91 = arith.constant 48 : i32
    %dma_start3A_92 = arith.constant 0 : i32
    %dma_start3A_93 = tpu.memref_slice %arg4[%dma_start3A_91, %dma_start3A_92] : memref<96x1024xf32, #tpu.memory_space<vmem>> -> memref<32x1024xf32, #tpu.memory_space<vmem>>
    tpu.enqueue_dma source(%dma_start3A_93 : memref<32x1024xf32, #tpu.memory_space<vmem>>) target(%dma_start3A_90 : memref<32x1024xf32, #tpu.memory_space<hbm>>) target_semaphore(%arg6 : memref<!tpu.dma_semaphore, #tpu.memory_space<semaphore_mem>>)
    %dma_start3A_94 = arith.constant 32 : i32
    %dma_start3A_95 = arith.constant 0 : i32
    %dma_start3A_96 = tpu.memref_slice %arg4[%dma_start3A_94, %dma_start3A_95] : memref<96x1024xf32, #tpu.memory_space<vmem>> -> memref<32x1024xf32, #tpu.memory_space<vmem>>
    %dma_start3A_97 = arith.constant 5120 : i32
    %dma_start3A_98 = tpu.memref_slice %arg3[%select_n3A, %add3A_70, %dma_start3A_97] : memref<4x2048x6144xf32, #tpu.memory_space<hbm>> -> memref<1x32x1024xf32, #tpu.memory_space<hbm>>
    %dma_start3A_99 = tpu.memref_squeeze %dma_start3A_98 : memref<1x32x1024xf32, #tpu.memory_space<hbm>> -> memref<32x1024xf32, #tpu.memory_space<hbm>>
    %dma_start3A_100 = arith.constant 5120 : i32
    %dma_start3A_101 = tpu.memref_slice %arg3[%select_n3A, %add3A_70, %dma_start3A_100] : memref<4x2048x6144xf32, #tpu.memory_space<hbm>> -> memref<1x32x1024xf32, #tpu.memory_space<hbm>>
    %dma_start3A_102 = tpu.memref_squeeze %dma_start3A_101 : memref<1x32x1024xf32, #tpu.memory_space<hbm>> -> memref<32x1024xf32, #tpu.memory_space<hbm>>
    %dma_start3A_103 = arith.constant 32 : i32
    %dma_start3A_104 = arith.constant 0 : i32
    %dma_start3A_105 = tpu.memref_slice %arg4[%dma_start3A_103, %dma_start3A_104] : memref<96x1024xf32, #tpu.memory_space<vmem>> -> memref<32x1024xf32, #tpu.memory_space<vmem>>
    tpu.enqueue_dma source(%dma_start3A_105 : memref<32x1024xf32, #tpu.memory_space<vmem>>) target(%dma_start3A_102 : memref<32x1024xf32, #tpu.memory_space<hbm>>) target_semaphore(%arg6 : memref<!tpu.dma_semaphore, #tpu.memory_space<semaphore_mem>>)
    %add3A_106 = arith.constant 0 : i32
    %add3A_107 = arith.addi %mul3A_32, %add3A_106 : i32
    %gt3A_108 = arith.constant 0 : i32
    %gt3A_109 = arith.cmpi sgt, %select_n3A_30, %gt3A_108 : i32
    %convert_element_type3A_110 = arith.extui %gt3A_109 : i1 to i32
    %cond3A_111 = arith.constant 0 : i32
    %cond3A_112 = arith.cmpi ne, %convert_element_type3A_110, %cond3A_111 : i32
    scf.if %cond3A_112 {
      %dma_wait3A_851 = arith.constant 24 : i32
      %dma_wait3A_852 = arith.constant 0 : i32
      %dma_wait3A_853 = tpu.memref_slice %arg4[%dma_wait3A_851, %dma_wait3A_852] : memref<96x1024xf32, #tpu.memory_space<vmem>> -> memref<32x1024xf32, #tpu.memory_space<vmem>>
      %dma_wait3A_854 = arith.constant 3072 : i32
      %dma_wait3A_855 = tpu.memref_slice %arg3[%select_n3A, %add3A_107, %dma_wait3A_854] : memref<4x2048x6144xf32, #tpu.memory_space<hbm>> -> memref<1x32x1024xf32, #tpu.memory_space<hbm>>
      %dma_wait3A_856 = tpu.memref_squeeze %dma_wait3A_855 : memref<1x32x1024xf32, #tpu.memory_space<hbm>> -> memref<32x1024xf32, #tpu.memory_space<hbm>>
      %dma_wait3A_857 = arith.constant 3072 : i32
      %dma_wait3A_858 = tpu.memref_slice %arg3[%select_n3A, %add3A_107, %dma_wait3A_857] : memref<4x2048x6144xf32, #tpu.memory_space<hbm>> -> memref<1x32x1024xf32, #tpu.memory_space<hbm>>
      %dma_wait3A_859 = tpu.memref_squeeze %dma_wait3A_858 : memref<1x32x1024xf32, #tpu.memory_space<hbm>> -> memref<32x1024xf32, #tpu.memory_space<hbm>>
      %dma_wait3A_860 = arith.constant 24 : i32
      %dma_wait3A_861 = arith.constant 0 : i32
      %dma_wait3A_862 = tpu.memref_slice %arg4[%dma_wait3A_860, %dma_wait3A_861] : memref<96x1024xf32, #tpu.memory_space<vmem>> -> memref<32x1024xf32, #tpu.memory_space<vmem>>
      tpu.wait_dma2 semaphore(%arg5 : memref<!tpu.dma_semaphore, #tpu.memory_space<semaphore_mem>>) src(%dma_wait3A_862 : memref<32x1024xf32, #tpu.memory_space<vmem>>) dst(%dma_wait3A_859 : memref<32x1024xf32, #tpu.memory_space<hbm>>)
    } else {
    }
    %eq3A_113 = arith.constant 0 : i32
    %eq3A_114 = arith.cmpi eq, %select_n3A_30, %eq3A_113 : i32
    %convert_element_type3A_115 = arith.extui %eq3A_114 : i1 to i32
    %cond3A_116 = arith.constant 0 : i32
    %cond3A_117 = arith.cmpi ne, %convert_element_type3A_115, %cond3A_116 : i32
    scf.if %cond3A_117 {
      %dma_wait3A_851 = arith.constant 32 : i32
      %dma_wait3A_852 = arith.constant 0 : i32
      %dma_wait3A_853 = tpu.memref_slice %arg4[%dma_wait3A_851, %dma_wait3A_852] : memref<96x1024xf32, #tpu.memory_space<vmem>> -> memref<32x1024xf32, #tpu.memory_space<vmem>>
      %dma_wait3A_854 = arith.constant 0 : i32
      %dma_wait3A_855 = arith.constant 0 : i32
      %dma_wait3A_856 = tpu.memref_slice %dma_wait3A_853[%dma_wait3A_854, %dma_wait3A_855] : memref<32x1024xf32, #tpu.memory_space<vmem>> -> memref<8x1024xf32, #tpu.memory_space<vmem>>
      %dma_wait3A_857 = arith.constant 0 : i32
      %dma_wait3A_858 = arith.constant 3072 : i32
      %dma_wait3A_859 = tpu.memref_slice %arg3[%select_n3A, %dma_wait3A_857, %dma_wait3A_858] : memref<4x2048x6144xf32, #tpu.memory_space<hbm>> -> memref<1x8x1024xf32, #tpu.memory_space<hbm>>
      %dma_wait3A_860 = tpu.memref_squeeze %dma_wait3A_859 : memref<1x8x1024xf32, #tpu.memory_space<hbm>> -> memref<8x1024xf32, #tpu.memory_space<hbm>>
      %dma_wait3A_861 = arith.constant 0 : i32
      %dma_wait3A_862 = arith.constant 3072 : i32
      %dma_wait3A_863 = tpu.memref_slice %arg3[%select_n3A, %dma_wait3A_861, %dma_wait3A_862] : memref<4x2048x6144xf32, #tpu.memory_space<hbm>> -> memref<1x8x1024xf32, #tpu.memory_space<hbm>>
      %dma_wait3A_864 = tpu.memref_squeeze %dma_wait3A_863 : memref<1x8x1024xf32, #tpu.memory_space<hbm>> -> memref<8x1024xf32, #tpu.memory_space<hbm>>
      %dma_wait3A_865 = arith.constant 32 : i32
      %dma_wait3A_866 = arith.constant 0 : i32
      %dma_wait3A_867 = tpu.memref_slice %arg4[%dma_wait3A_865, %dma_wait3A_866] : memref<96x1024xf32, #tpu.memory_space<vmem>> -> memref<32x1024xf32, #tpu.memory_space<vmem>>
      %dma_wait3A_868 = arith.constant 0 : i32
      %dma_wait3A_869 = arith.constant 0 : i32
      %dma_wait3A_870 = tpu.memref_slice %dma_wait3A_867[%dma_wait3A_868, %dma_wait3A_869] : memref<32x1024xf32, #tpu.memory_space<vmem>> -> memref<8x1024xf32, #tpu.memory_space<vmem>>
      tpu.wait_dma2 semaphore(%arg5 : memref<!tpu.dma_semaphore, #tpu.memory_space<semaphore_mem>>) src(%dma_wait3A_870 : memref<8x1024xf32, #tpu.memory_space<vmem>>) dst(%dma_wait3A_864 : memref<8x1024xf32, #tpu.memory_space<hbm>>)
      %dma_wait3A_871 = arith.constant 32 : i32
      %dma_wait3A_872 = arith.constant 0 : i32
      %dma_wait3A_873 = tpu.memref_slice %arg4[%dma_wait3A_871, %dma_wait3A_872] : memref<96x1024xf32, #tpu.memory_space<vmem>> -> memref<32x1024xf32, #tpu.memory_space<vmem>>
      %dma_wait3A_874 = arith.constant 0 : i32
      %dma_wait3A_875 = arith.constant 0 : i32
      %dma_wait3A_876 = tpu.memref_slice %dma_wait3A_873[%dma_wait3A_874, %dma_wait3A_875] : memref<32x1024xf32, #tpu.memory_space<vmem>> -> memref<24x1024xf32, #tpu.memory_space<vmem>>
      %dma_wait3A_877 = arith.constant 8 : i32
      %dma_wait3A_878 = arith.constant 3072 : i32
      %dma_wait3A_879 = tpu.memref_slice %arg3[%select_n3A, %dma_wait3A_877, %dma_wait3A_878] : memref<4x2048x6144xf32, #tpu.memory_space<hbm>> -> memref<1x24x1024xf32, #tpu.memory_space<hbm>>
      %dma_wait3A_880 = tpu.memref_squeeze %dma_wait3A_879 : memref<1x24x1024xf32, #tpu.memory_space<hbm>> -> memref<24x1024xf32, #tpu.memory_space<hbm>>
      %dma_wait3A_881 = arith.constant 8 : i32
      %dma_wait3A_882 = arith.constant 3072 : i32
      %dma_wait3A_883 = tpu.memref_slice %arg3[%select_n3A, %dma_wait3A_881, %dma_wait3A_882] : memref<4x2048x6144xf32, #tpu.memory_space<hbm>> -> memref<1x24x1024xf32, #tpu.memory_space<hbm>>
      %dma_wait3A_884 = tpu.memref_squeeze %dma_wait3A_883 : memref<1x24x1024xf32, #tpu.memory_space<hbm>> -> memref<24x1024xf32, #tpu.memory_space<hbm>>
      %dma_wait3A_885 = arith.constant 32 : i32
      %dma_wait3A_886 = arith.constant 0 : i32
      %dma_wait3A_887 = tpu.memref_slice %arg4[%dma_wait3A_885, %dma_wait3A_886] : memref<96x1024xf32, #tpu.memory_space<vmem>> -> memref<32x1024xf32, #tpu.memory_space<vmem>>
      %dma_wait3A_888 = arith.constant 0 : i32
      %dma_wait3A_889 = arith.constant 0 : i32
      %dma_wait3A_890 = tpu.memref_slice %dma_wait3A_887[%dma_wait3A_888, %dma_wait3A_889] : memref<32x1024xf32, #tpu.memory_space<vmem>> -> memref<24x1024xf32, #tpu.memory_space<vmem>>
      tpu.wait_dma2 semaphore(%arg5 : memref<!tpu.dma_semaphore, #tpu.memory_space<semaphore_mem>>) src(%dma_wait3A_890 : memref<24x1024xf32, #tpu.memory_space<vmem>>) dst(%dma_wait3A_884 : memref<24x1024xf32, #tpu.memory_space<hbm>>)
    } else {
    }
    %gt3A_118 = arith.constant 0 : i32
    %gt3A_119 = arith.cmpi sgt, %select_n3A_30, %gt3A_118 : i32
    %convert_element_type3A_120 = arith.extui %gt3A_119 : i1 to i32
    %cond3A_121 = arith.constant 0 : i32
    %cond3A_122 = arith.cmpi ne, %convert_element_type3A_120, %cond3A_121 : i32
    scf.if %cond3A_122 {
      %dma_wait3A_851 = arith.constant 16 : i32
      %dma_wait3A_852 = arith.constant 0 : i32
      %dma_wait3A_853 = tpu.memref_slice %arg4[%dma_wait3A_851, %dma_wait3A_852] : memref<96x1024xf32, #tpu.memory_space<vmem>> -> memref<32x1024xf32, #tpu.memory_space<vmem>>
      %dma_wait3A_854 = arith.constant 4096 : i32
      %dma_wait3A_855 = tpu.memref_slice %arg3[%select_n3A, %add3A_107, %dma_wait3A_854] : memref<4x2048x6144xf32, #tpu.memory_space<hbm>> -> memref<1x32x1024xf32, #tpu.memory_space<hbm>>
      %dma_wait3A_856 = tpu.memref_squeeze %dma_wait3A_855 : memref<1x32x1024xf32, #tpu.memory_space<hbm>> -> memref<32x1024xf32, #tpu.memory_space<hbm>>
      %dma_wait3A_857 = arith.constant 4096 : i32
      %dma_wait3A_858 = tpu.memref_slice %arg3[%select_n3A, %add3A_107, %dma_wait3A_857] : memref<4x2048x6144xf32, #tpu.memory_space<hbm>> -> memref<1x32x1024xf32, #tpu.memory_space<hbm>>
      %dma_wait3A_859 = tpu.memref_squeeze %dma_wait3A_858 : memref<1x32x1024xf32, #tpu.memory_space<hbm>> -> memref<32x1024xf32, #tpu.memory_space<hbm>>
      %dma_wait3A_860 = arith.constant 16 : i32
      %dma_wait3A_861 = arith.constant 0 : i32
      %dma_wait3A_862 = tpu.memref_slice %arg4[%dma_wait3A_860, %dma_wait3A_861] : memref<96x1024xf32, #tpu.memory_space<vmem>> -> memref<32x1024xf32, #tpu.memory_space<vmem>>
      tpu.wait_dma2 semaphore(%arg5 : memref<!tpu.dma_semaphore, #tpu.memory_space<semaphore_mem>>) src(%dma_wait3A_862 : memref<32x1024xf32, #tpu.memory_space<vmem>>) dst(%dma_wait3A_859 : memref<32x1024xf32, #tpu.memory_space<hbm>>)
    } else {
    }
    %eq3A_123 = arith.constant 0 : i32
    %eq3A_124 = arith.cmpi eq, %select_n3A_30, %eq3A_123 : i32
    %convert_element_type3A_125 = arith.extui %eq3A_124 : i1 to i32
    %cond3A_126 = arith.constant 0 : i32
    %cond3A_127 = arith.cmpi ne, %convert_element_type3A_125, %cond3A_126 : i32
    scf.if %cond3A_127 {
      %dma_wait3A_851 = arith.constant 32 : i32
      %dma_wait3A_852 = arith.constant 0 : i32
      %dma_wait3A_853 = tpu.memref_slice %arg4[%dma_wait3A_851, %dma_wait3A_852] : memref<96x1024xf32, #tpu.memory_space<vmem>> -> memref<32x1024xf32, #tpu.memory_space<vmem>>
      %dma_wait3A_854 = arith.constant 0 : i32
      %dma_wait3A_855 = arith.constant 0 : i32
      %dma_wait3A_856 = tpu.memref_slice %dma_wait3A_853[%dma_wait3A_854, %dma_wait3A_855] : memref<32x1024xf32, #tpu.memory_space<vmem>> -> memref<16x1024xf32, #tpu.memory_space<vmem>>
      %dma_wait3A_857 = arith.constant 0 : i32
      %dma_wait3A_858 = arith.constant 4096 : i32
      %dma_wait3A_859 = tpu.memref_slice %arg3[%select_n3A, %dma_wait3A_857, %dma_wait3A_858] : memref<4x2048x6144xf32, #tpu.memory_space<hbm>> -> memref<1x16x1024xf32, #tpu.memory_space<hbm>>
      %dma_wait3A_860 = tpu.memref_squeeze %dma_wait3A_859 : memref<1x16x1024xf32, #tpu.memory_space<hbm>> -> memref<16x1024xf32, #tpu.memory_space<hbm>>
      %dma_wait3A_861 = arith.constant 0 : i32
      %dma_wait3A_862 = arith.constant 4096 : i32
      %dma_wait3A_863 = tpu.memref_slice %arg3[%select_n3A, %dma_wait3A_861, %dma_wait3A_862] : memref<4x2048x6144xf32, #tpu.memory_space<hbm>> -> memref<1x16x1024xf32, #tpu.memory_space<hbm>>
      %dma_wait3A_864 = tpu.memref_squeeze %dma_wait3A_863 : memref<1x16x1024xf32, #tpu.memory_space<hbm>> -> memref<16x1024xf32, #tpu.memory_space<hbm>>
      %dma_wait3A_865 = arith.constant 32 : i32
      %dma_wait3A_866 = arith.constant 0 : i32
      %dma_wait3A_867 = tpu.memref_slice %arg4[%dma_wait3A_865, %dma_wait3A_866] : memref<96x1024xf32, #tpu.memory_space<vmem>> -> memref<32x1024xf32, #tpu.memory_space<vmem>>
      %dma_wait3A_868 = arith.constant 0 : i32
      %dma_wait3A_869 = arith.constant 0 : i32
      %dma_wait3A_870 = tpu.memref_slice %dma_wait3A_867[%dma_wait3A_868, %dma_wait3A_869] : memref<32x1024xf32, #tpu.memory_space<vmem>> -> memref<16x1024xf32, #tpu.memory_space<vmem>>
      tpu.wait_dma2 semaphore(%arg5 : memref<!tpu.dma_semaphore, #tpu.memory_space<semaphore_mem>>) src(%dma_wait3A_870 : memref<16x1024xf32, #tpu.memory_space<vmem>>) dst(%dma_wait3A_864 : memref<16x1024xf32, #tpu.memory_space<hbm>>)
      %dma_wait3A_871 = arith.constant 32 : i32
      %dma_wait3A_872 = arith.constant 0 : i32
      %dma_wait3A_873 = tpu.memref_slice %arg4[%dma_wait3A_871, %dma_wait3A_872] : memref<96x1024xf32, #tpu.memory_space<vmem>> -> memref<32x1024xf32, #tpu.memory_space<vmem>>
      %dma_wait3A_874 = arith.constant 0 : i32
      %dma_wait3A_875 = arith.constant 0 : i32
      %dma_wait3A_876 = tpu.memref_slice %dma_wait3A_873[%dma_wait3A_874, %dma_wait3A_875] : memref<32x1024xf32, #tpu.memory_space<vmem>> -> memref<16x1024xf32, #tpu.memory_space<vmem>>
      %dma_wait3A_877 = arith.constant 16 : i32
      %dma_wait3A_878 = arith.constant 4096 : i32
      %dma_wait3A_879 = tpu.memref_slice %arg3[%select_n3A, %dma_wait3A_877, %dma_wait3A_878] : memref<4x2048x6144xf32, #tpu.memory_space<hbm>> -> memref<1x16x1024xf32, #tpu.memory_space<hbm>>
      %dma_wait3A_880 = tpu.memref_squeeze %dma_wait3A_879 : memref<1x16x1024xf32, #tpu.memory_space<hbm>> -> memref<16x1024xf32, #tpu.memory_space<hbm>>
      %dma_wait3A_881 = arith.constant 16 : i32
      %dma_wait3A_882 = arith.constant 4096 : i32
      %dma_wait3A_883 = tpu.memref_slice %arg3[%select_n3A, %dma_wait3A_881, %dma_wait3A_882] : memref<4x2048x6144xf32, #tpu.memory_space<hbm>> -> memref<1x16x1024xf32, #tpu.memory_space<hbm>>
      %dma_wait3A_884 = tpu.memref_squeeze %dma_wait3A_883 : memref<1x16x1024xf32, #tpu.memory_space<hbm>> -> memref<16x1024xf32, #tpu.memory_space<hbm>>
      %dma_wait3A_885 = arith.constant 32 : i32
      %dma_wait3A_886 = arith.constant 0 : i32
      %dma_wait3A_887 = tpu.memref_slice %arg4[%dma_wait3A_885, %dma_wait3A_886] : memref<96x1024xf32, #tpu.memory_space<vmem>> -> memref<32x1024xf32, #tpu.memory_space<vmem>>
      %dma_wait3A_888 = arith.constant 0 : i32
      %dma_wait3A_889 = arith.constant 0 : i32
      %dma_wait3A_890 = tpu.memref_slice %dma_wait3A_887[%dma_wait3A_888, %dma_wait3A_889] : memref<32x1024xf32, #tpu.memory_space<vmem>> -> memref<16x1024xf32, #tpu.memory_space<vmem>>
      tpu.wait_dma2 semaphore(%arg5 : memref<!tpu.dma_semaphore, #tpu.memory_space<semaphore_mem>>) src(%dma_wait3A_890 : memref<16x1024xf32, #tpu.memory_space<vmem>>) dst(%dma_wait3A_884 : memref<16x1024xf32, #tpu.memory_space<hbm>>)
    } else {
    }
    %gt3A_128 = arith.constant 0 : i32
    %gt3A_129 = arith.cmpi sgt, %select_n3A_30, %gt3A_128 : i32
    %convert_element_type3A_130 = arith.extui %gt3A_129 : i1 to i32
    %cond3A_131 = arith.constant 0 : i32
    %cond3A_132 = arith.cmpi ne, %convert_element_type3A_130, %cond3A_131 : i32
    scf.if %cond3A_132 {
      %dma_wait3A_851 = arith.constant 0 : i32
      %dma_wait3A_852 = arith.constant 0 : i32
      %dma_wait3A_853 = tpu.memref_slice %arg4[%dma_wait3A_851, %dma_wait3A_852] : memref<96x1024xf32, #tpu.memory_space<vmem>> -> memref<32x1024xf32, #tpu.memory_space<vmem>>
      %dma_wait3A_854 = arith.constant 5120 : i32
      %dma_wait3A_855 = tpu.memref_slice %arg3[%select_n3A, %add3A_107, %dma_wait3A_854] : memref<4x2048x6144xf32, #tpu.memory_space<hbm>> -> memref<1x32x1024xf32, #tpu.memory_space<hbm>>
      %dma_wait3A_856 = tpu.memref_squeeze %dma_wait3A_855 : memref<1x32x1024xf32, #tpu.memory_space<hbm>> -> memref<32x1024xf32, #tpu.memory_space<hbm>>
      %dma_wait3A_857 = arith.constant 5120 : i32
      %dma_wait3A_858 = tpu.memref_slice %arg3[%select_n3A, %add3A_107, %dma_wait3A_857] : memref<4x2048x6144xf32, #tpu.memory_space<hbm>> -> memref<1x32x1024xf32, #tpu.memory_space<hbm>>
      %dma_wait3A_859 = tpu.memref_squeeze %dma_wait3A_858 : memref<1x32x1024xf32, #tpu.memory_space<hbm>> -> memref<32x1024xf32, #tpu.memory_space<hbm>>
      %dma_wait3A_860 = arith.constant 0 : i32
      %dma_wait3A_861 = arith.constant 0 : i32
      %dma_wait3A_862 = tpu.memref_slice %arg4[%dma_wait3A_860, %dma_wait3A_861] : memref<96x1024xf32, #tpu.memory_space<vmem>> -> memref<32x1024xf32, #tpu.memory_space<vmem>>
      tpu.wait_dma2 semaphore(%arg5 : memref<!tpu.dma_semaphore, #tpu.memory_space<semaphore_mem>>) src(%dma_wait3A_862 : memref<32x1024xf32, #tpu.memory_space<vmem>>) dst(%dma_wait3A_859 : memref<32x1024xf32, #tpu.memory_space<hbm>>)
    } else {
    }
    %eq3A_133 = arith.constant 0 : i32
    %eq3A_134 = arith.cmpi eq, %select_n3A_30, %eq3A_133 : i32
    %convert_element_type3A_135 = arith.extui %eq3A_134 : i1 to i32
    %cond3A_136 = arith.constant 0 : i32
    %cond3A_137 = arith.cmpi ne, %convert_element_type3A_135, %cond3A_136 : i32
    scf.if %cond3A_137 {
      %dma_wait3A_851 = arith.constant 32 : i32
      %dma_wait3A_852 = arith.constant 0 : i32
      %dma_wait3A_853 = tpu.memref_slice %arg4[%dma_wait3A_851, %dma_wait3A_852] : memref<96x1024xf32, #tpu.memory_space<vmem>> -> memref<32x1024xf32, #tpu.memory_space<vmem>>
      %dma_wait3A_854 = arith.constant 0 : i32
      %dma_wait3A_855 = arith.constant 5120 : i32
      %dma_wait3A_856 = tpu.memref_slice %arg3[%select_n3A, %dma_wait3A_854, %dma_wait3A_855] : memref<4x2048x6144xf32, #tpu.memory_space<hbm>> -> memref<1x32x1024xf32, #tpu.memory_space<hbm>>
      %dma_wait3A_857 = tpu.memref_squeeze %dma_wait3A_856 : memref<1x32x1024xf32, #tpu.memory_space<hbm>> -> memref<32x1024xf32, #tpu.memory_space<hbm>>
      %dma_wait3A_858 = arith.constant 0 : i32
      %dma_wait3A_859 = arith.constant 5120 : i32
      %dma_wait3A_860 = tpu.memref_slice %arg3[%select_n3A, %dma_wait3A_858, %dma_wait3A_859] : memref<4x2048x6144xf32, #tpu.memory_space<hbm>> -> memref<1x32x1024xf32, #tpu.memory_space<hbm>>
      %dma_wait3A_861 = tpu.memref_squeeze %dma_wait3A_860 : memref<1x32x1024xf32, #tpu.memory_space<hbm>> -> memref<32x1024xf32, #tpu.memory_space<hbm>>
      %dma_wait3A_862 = arith.constant 32 : i32
      %dma_wait3A_863 = arith.constant 0 : i32
      %dma_wait3A_864 = tpu.memref_slice %arg4[%dma_wait3A_862, %dma_wait3A_863] : memref<96x1024xf32, #tpu.memory_space<vmem>> -> memref<32x1024xf32, #tpu.memory_space<vmem>>
      tpu.wait_dma2 semaphore(%arg5 : memref<!tpu.dma_semaphore, #tpu.memory_space<semaphore_mem>>) src(%dma_wait3A_864 : memref<32x1024xf32, #tpu.memory_space<vmem>>) dst(%dma_wait3A_861 : memref<32x1024xf32, #tpu.memory_space<hbm>>)
    } else {
    }
    %add3A_138 = arith.constant 64 : i32
    %add3A_139 = arith.addi %mul3A_32, %add3A_138 : i32
    "tpu.region"() ({
      %run_scoped3A = tpu.sem_alloc : memref<!tpu.dma_semaphore, #tpu.memory_space<semaphore_mem>>
      %dma_start3A_851 = arith.constant 0 : i32
      %dma_start3A_852 = arith.constant 0 : i32
      %dma_start3A_853 = tpu.memref_slice %arg4[%dma_start3A_851, %dma_start3A_852] : memref<96x1024xf32, #tpu.memory_space<vmem>> -> memref<32x1024xf32, #tpu.memory_space<vmem>>
      %dma_start3A_854 = arith.constant 0 : i32
      %dma_start3A_855 = tpu.memref_slice %arg2[%select_n3A, %add3A_139, %dma_start3A_854] : memref<4x2048x1024xf32, #tpu.memory_space<hbm>> -> memref<1x32x1024xf32, #tpu.memory_space<hbm>>
      %dma_start3A_856 = tpu.memref_squeeze %dma_start3A_855 : memref<1x32x1024xf32, #tpu.memory_space<hbm>> -> memref<32x1024xf32, #tpu.memory_space<hbm>>
      %dma_start3A_857 = arith.constant 0 : i32
      %dma_start3A_858 = arith.constant 0 : i32
      %dma_start3A_859 = tpu.memref_slice %arg4[%dma_start3A_857, %dma_start3A_858] : memref<96x1024xf32, #tpu.memory_space<vmem>> -> memref<32x1024xf32, #tpu.memory_space<vmem>>
      %dma_start3A_860 = arith.constant 0 : i32
      %dma_start3A_861 = tpu.memref_slice %arg2[%select_n3A, %add3A_139, %dma_start3A_860] : memref<4x2048x1024xf32, #tpu.memory_space<hbm>> -> memref<1x32x1024xf32, #tpu.memory_space<hbm>>
      %dma_start3A_862 = tpu.memref_squeeze %dma_start3A_861 : memref<1x32x1024xf32, #tpu.memory_space<hbm>> -> memref<32x1024xf32, #tpu.memory_space<hbm>>
      tpu.enqueue_dma source(%dma_start3A_862 : memref<32x1024xf32, #tpu.memory_space<hbm>>) target(%dma_start3A_859 : memref<32x1024xf32, #tpu.memory_space<vmem>>) target_semaphore(%run_scoped3A : memref<!tpu.dma_semaphore, #tpu.memory_space<semaphore_mem>>)
      %dma_wait3A_863 = arith.constant 0 : i32
      %dma_wait3A_864 = arith.constant 0 : i32
      %dma_wait3A_865 = tpu.memref_slice %arg4[%dma_wait3A_863, %dma_wait3A_864] : memref<96x1024xf32, #tpu.memory_space<vmem>> -> memref<32x1024xf32, #tpu.memory_space<vmem>>
      %dma_wait3A_866 = arith.constant 0 : i32
      %dma_wait3A_867 = tpu.memref_slice %arg2[%select_n3A, %add3A_139, %dma_wait3A_866] : memref<4x2048x1024xf32, #tpu.memory_space<hbm>> -> memref<1x32x1024xf32, #tpu.memory_space<hbm>>
      %dma_wait3A_868 = tpu.memref_squeeze %dma_wait3A_867 : memref<1x32x1024xf32, #tpu.memory_space<hbm>> -> memref<32x1024xf32, #tpu.memory_space<hbm>>
      %dma_wait3A_869 = arith.constant 0 : i32
      %dma_wait3A_870 = arith.constant 0 : i32
      %dma_wait3A_871 = tpu.memref_slice %arg4[%dma_wait3A_869, %dma_wait3A_870] : memref<96x1024xf32, #tpu.memory_space<vmem>> -> memref<32x1024xf32, #tpu.memory_space<vmem>>
      %dma_wait3A_872 = arith.constant 0 : i32
      %dma_wait3A_873 = tpu.memref_slice %arg2[%select_n3A, %add3A_139, %dma_wait3A_872] : memref<4x2048x1024xf32, #tpu.memory_space<hbm>> -> memref<1x32x1024xf32, #tpu.memory_space<hbm>>
      %dma_wait3A_874 = tpu.memref_squeeze %dma_wait3A_873 : memref<1x32x1024xf32, #tpu.memory_space<hbm>> -> memref<32x1024xf32, #tpu.memory_space<hbm>>
      tpu.wait_dma2 semaphore(%run_scoped3A : memref<!tpu.dma_semaphore, #tpu.memory_space<semaphore_mem>>) src(%dma_wait3A_874 : memref<32x1024xf32, #tpu.memory_space<hbm>>) dst(%dma_wait3A_871 : memref<32x1024xf32, #tpu.memory_space<vmem>>)
      tpu.yield
    }) : () -> ()
    %add3A_140 = arith.constant 64 : i32
    %add3A_141 = arith.addi %mul3A_32, %add3A_140 : i32
    %dma_start3A_142 = arith.constant 64 : i32
    %dma_start3A_143 = arith.constant 0 : i32
    %dma_start3A_144 = tpu.memref_slice %arg4[%dma_start3A_142, %dma_start3A_143] : memref<96x1024xf32, #tpu.memory_space<vmem>> -> memref<32x1024xf32, #tpu.memory_space<vmem>>
    %dma_start3A_145 = arith.constant 24 : i32
    %dma_start3A_146 = arith.constant 0 : i32
    %dma_start3A_147 = tpu.memref_slice %dma_start3A_144[%dma_start3A_145, %dma_start3A_146] : memref<32x1024xf32, #tpu.memory_space<vmem>> -> memref<8x1024xf32, #tpu.memory_space<vmem>>
    %dma_start3A_148 = arith.constant 3072 : i32
    %dma_start3A_149 = tpu.memref_slice %arg3[%select_n3A, %add3A_141, %dma_start3A_148] : memref<4x2048x6144xf32, #tpu.memory_space<hbm>> -> memref<1x8x1024xf32, #tpu.memory_space<hbm>>
    %dma_start3A_150 = tpu.memref_squeeze %dma_start3A_149 : memref<1x8x1024xf32, #tpu.memory_space<hbm>> -> memref<8x1024xf32, #tpu.memory_space<hbm>>
    %dma_start3A_151 = arith.constant 3072 : i32
    %dma_start3A_152 = tpu.memref_slice %arg3[%select_n3A, %add3A_141, %dma_start3A_151] : memref<4x2048x6144xf32, #tpu.memory_space<hbm>> -> memref<1x8x1024xf32, #tpu.memory_space<hbm>>
    %dma_start3A_153 = tpu.memref_squeeze %dma_start3A_152 : memref<1x8x1024xf32, #tpu.memory_space<hbm>> -> memref<8x1024xf32, #tpu.memory_space<hbm>>
    %dma_start3A_154 = arith.constant 64 : i32
    %dma_start3A_155 = arith.constant 0 : i32
    %dma_start3A_156 = tpu.memref_slice %arg4[%dma_start3A_154, %dma_start3A_155] : memref<96x1024xf32, #tpu.memory_space<vmem>> -> memref<32x1024xf32, #tpu.memory_space<vmem>>
    %dma_start3A_157 = arith.constant 24 : i32
    %dma_start3A_158 = arith.constant 0 : i32
    %dma_start3A_159 = tpu.memref_slice %dma_start3A_156[%dma_start3A_157, %dma_start3A_158] : memref<32x1024xf32, #tpu.memory_space<vmem>> -> memref<8x1024xf32, #tpu.memory_space<vmem>>
    tpu.enqueue_dma source(%dma_start3A_159 : memref<8x1024xf32, #tpu.memory_space<vmem>>) target(%dma_start3A_153 : memref<8x1024xf32, #tpu.memory_space<hbm>>) target_semaphore(%arg7 : memref<!tpu.dma_semaphore, #tpu.memory_space<semaphore_mem>>)
    %add3A_160 = arith.constant 8 : i32
    %add3A_161 = arith.addi %add3A_141, %add3A_160 : i32
    %dma_start3A_162 = arith.constant 0 : i32
    %dma_start3A_163 = arith.constant 0 : i32
    %dma_start3A_164 = tpu.memref_slice %arg4[%dma_start3A_162, %dma_start3A_163] : memref<96x1024xf32, #tpu.memory_space<vmem>> -> memref<32x1024xf32, #tpu.memory_space<vmem>>
    %dma_start3A_165 = arith.constant 0 : i32
    %dma_start3A_166 = arith.constant 0 : i32
    %dma_start3A_167 = tpu.memref_slice %dma_start3A_164[%dma_start3A_165, %dma_start3A_166] : memref<32x1024xf32, #tpu.memory_space<vmem>> -> memref<24x1024xf32, #tpu.memory_space<vmem>>
    %dma_start3A_168 = arith.constant 3072 : i32
    %dma_start3A_169 = tpu.memref_slice %arg3[%select_n3A, %add3A_161, %dma_start3A_168] : memref<4x2048x6144xf32, #tpu.memory_space<hbm>> -> memref<1x24x1024xf32, #tpu.memory_space<hbm>>
    %dma_start3A_170 = tpu.memref_squeeze %dma_start3A_169 : memref<1x24x1024xf32, #tpu.memory_space<hbm>> -> memref<24x1024xf32, #tpu.memory_space<hbm>>
    %dma_start3A_171 = arith.constant 3072 : i32
    %dma_start3A_172 = tpu.memref_slice %arg3[%select_n3A, %add3A_161, %dma_start3A_171] : memref<4x2048x6144xf32, #tpu.memory_space<hbm>> -> memref<1x24x1024xf32, #tpu.memory_space<hbm>>
    %dma_start3A_173 = tpu.memref_squeeze %dma_start3A_172 : memref<1x24x1024xf32, #tpu.memory_space<hbm>> -> memref<24x1024xf32, #tpu.memory_space<hbm>>
    %dma_start3A_174 = arith.constant 0 : i32
    %dma_start3A_175 = arith.constant 0 : i32
    %dma_start3A_176 = tpu.memref_slice %arg4[%dma_start3A_174, %dma_start3A_175] : memref<96x1024xf32, #tpu.memory_space<vmem>> -> memref<32x1024xf32, #tpu.memory_space<vmem>>
    %dma_start3A_177 = arith.constant 0 : i32
    %dma_start3A_178 = arith.constant 0 : i32
    %dma_start3A_179 = tpu.memref_slice %dma_start3A_176[%dma_start3A_177, %dma_start3A_178] : memref<32x1024xf32, #tpu.memory_space<vmem>> -> memref<24x1024xf32, #tpu.memory_space<vmem>>
    tpu.enqueue_dma source(%dma_start3A_179 : memref<24x1024xf32, #tpu.memory_space<vmem>>) target(%dma_start3A_173 : memref<24x1024xf32, #tpu.memory_space<hbm>>) target_semaphore(%arg7 : memref<!tpu.dma_semaphore, #tpu.memory_space<semaphore_mem>>)
    %dma_start3A_180 = arith.constant 64 : i32
    %dma_start3A_181 = arith.constant 0 : i32
    %dma_start3A_182 = tpu.memref_slice %arg4[%dma_start3A_180, %dma_start3A_181] : memref<96x1024xf32, #tpu.memory_space<vmem>> -> memref<32x1024xf32, #tpu.memory_space<vmem>>
    %dma_start3A_183 = arith.constant 16 : i32
    %dma_start3A_184 = arith.constant 0 : i32
    %dma_start3A_185 = tpu.memref_slice %dma_start3A_182[%dma_start3A_183, %dma_start3A_184] : memref<32x1024xf32, #tpu.memory_space<vmem>> -> memref<16x1024xf32, #tpu.memory_space<vmem>>
    %dma_start3A_186 = arith.constant 4096 : i32
    %dma_start3A_187 = tpu.memref_slice %arg3[%select_n3A, %add3A_141, %dma_start3A_186] : memref<4x2048x6144xf32, #tpu.memory_space<hbm>> -> memref<1x16x1024xf32, #tpu.memory_space<hbm>>
    %dma_start3A_188 = tpu.memref_squeeze %dma_start3A_187 : memref<1x16x1024xf32, #tpu.memory_space<hbm>> -> memref<16x1024xf32, #tpu.memory_space<hbm>>
    %dma_start3A_189 = arith.constant 4096 : i32
    %dma_start3A_190 = tpu.memref_slice %arg3[%select_n3A, %add3A_141, %dma_start3A_189] : memref<4x2048x6144xf32, #tpu.memory_space<hbm>> -> memref<1x16x1024xf32, #tpu.memory_space<hbm>>
    %dma_start3A_191 = tpu.memref_squeeze %dma_start3A_190 : memref<1x16x1024xf32, #tpu.memory_space<hbm>> -> memref<16x1024xf32, #tpu.memory_space<hbm>>
    %dma_start3A_192 = arith.constant 64 : i32
    %dma_start3A_193 = arith.constant 0 : i32
    %dma_start3A_194 = tpu.memref_slice %arg4[%dma_start3A_192, %dma_start3A_193] : memref<96x1024xf32, #tpu.memory_space<vmem>> -> memref<32x1024xf32, #tpu.memory_space<vmem>>
    %dma_start3A_195 = arith.constant 16 : i32
    %dma_start3A_196 = arith.constant 0 : i32
    %dma_start3A_197 = tpu.memref_slice %dma_start3A_194[%dma_start3A_195, %dma_start3A_196] : memref<32x1024xf32, #tpu.memory_space<vmem>> -> memref<16x1024xf32, #tpu.memory_space<vmem>>
    tpu.enqueue_dma source(%dma_start3A_197 : memref<16x1024xf32, #tpu.memory_space<vmem>>) target(%dma_start3A_191 : memref<16x1024xf32, #tpu.memory_space<hbm>>) target_semaphore(%arg7 : memref<!tpu.dma_semaphore, #tpu.memory_space<semaphore_mem>>)
    %add3A_198 = arith.constant 16 : i32
    %add3A_199 = arith.addi %add3A_141, %add3A_198 : i32
    %dma_start3A_200 = arith.constant 0 : i32
    %dma_start3A_201 = arith.constant 0 : i32
    %dma_start3A_202 = tpu.memref_slice %arg4[%dma_start3A_200, %dma_start3A_201] : memref<96x1024xf32, #tpu.memory_space<vmem>> -> memref<32x1024xf32, #tpu.memory_space<vmem>>
    %dma_start3A_203 = arith.constant 0 : i32
    %dma_start3A_204 = arith.constant 0 : i32
    %dma_start3A_205 = tpu.memref_slice %dma_start3A_202[%dma_start3A_203, %dma_start3A_204] : memref<32x1024xf32, #tpu.memory_space<vmem>> -> memref<16x1024xf32, #tpu.memory_space<vmem>>
    %dma_start3A_206 = arith.constant 4096 : i32
    %dma_start3A_207 = tpu.memref_slice %arg3[%select_n3A, %add3A_199, %dma_start3A_206] : memref<4x2048x6144xf32, #tpu.memory_space<hbm>> -> memref<1x16x1024xf32, #tpu.memory_space<hbm>>
    %dma_start3A_208 = tpu.memref_squeeze %dma_start3A_207 : memref<1x16x1024xf32, #tpu.memory_space<hbm>> -> memref<16x1024xf32, #tpu.memory_space<hbm>>
    %dma_start3A_209 = arith.constant 4096 : i32
    %dma_start3A_210 = tpu.memref_slice %arg3[%select_n3A, %add3A_199, %dma_start3A_209] : memref<4x2048x6144xf32, #tpu.memory_space<hbm>> -> memref<1x16x1024xf32, #tpu.memory_space<hbm>>
    %dma_start3A_211 = tpu.memref_squeeze %dma_start3A_210 : memref<1x16x1024xf32, #tpu.memory_space<hbm>> -> memref<16x1024xf32, #tpu.memory_space<hbm>>
    %dma_start3A_212 = arith.constant 0 : i32
    %dma_start3A_213 = arith.constant 0 : i32
    %dma_start3A_214 = tpu.memref_slice %arg4[%dma_start3A_212, %dma_start3A_213] : memref<96x1024xf32, #tpu.memory_space<vmem>> -> memref<32x1024xf32, #tpu.memory_space<vmem>>
    %dma_start3A_215 = arith.constant 0 : i32
    %dma_start3A_216 = arith.constant 0 : i32
    %dma_start3A_217 = tpu.memref_slice %dma_start3A_214[%dma_start3A_215, %dma_start3A_216] : memref<32x1024xf32, #tpu.memory_space<vmem>> -> memref<16x1024xf32, #tpu.memory_space<vmem>>
    tpu.enqueue_dma source(%dma_start3A_217 : memref<16x1024xf32, #tpu.memory_space<vmem>>) target(%dma_start3A_211 : memref<16x1024xf32, #tpu.memory_space<hbm>>) target_semaphore(%arg7 : memref<!tpu.dma_semaphore, #tpu.memory_space<semaphore_mem>>)
    %dma_start3A_218 = arith.constant 64 : i32
    %dma_start3A_219 = arith.constant 0 : i32
    %dma_start3A_220 = tpu.memref_slice %arg4[%dma_start3A_218, %dma_start3A_219] : memref<96x1024xf32, #tpu.memory_space<vmem>> -> memref<32x1024xf32, #tpu.memory_space<vmem>>
    %dma_start3A_221 = arith.constant 5120 : i32
    %dma_start3A_222 = tpu.memref_slice %arg3[%select_n3A, %add3A_141, %dma_start3A_221] : memref<4x2048x6144xf32, #tpu.memory_space<hbm>> -> memref<1x32x1024xf32, #tpu.memory_space<hbm>>
    %dma_start3A_223 = tpu.memref_squeeze %dma_start3A_222 : memref<1x32x1024xf32, #tpu.memory_space<hbm>> -> memref<32x1024xf32, #tpu.memory_space<hbm>>
    %dma_start3A_224 = arith.constant 5120 : i32
    %dma_start3A_225 = tpu.memref_slice %arg3[%select_n3A, %add3A_141, %dma_start3A_224] : memref<4x2048x6144xf32, #tpu.memory_space<hbm>> -> memref<1x32x1024xf32, #tpu.memory_space<hbm>>
    %dma_start3A_226 = tpu.memref_squeeze %dma_start3A_225 : memref<1x32x1024xf32, #tpu.memory_space<hbm>> -> memref<32x1024xf32, #tpu.memory_space<hbm>>
    %dma_start3A_227 = arith.constant 64 : i32
    %dma_start3A_228 = arith.constant 0 : i32
    %dma_start3A_229 = tpu.memref_slice %arg4[%dma_start3A_227, %dma_start3A_228] : memref<96x1024xf32, #tpu.memory_space<vmem>> -> memref<32x1024xf32, #tpu.memory_space<vmem>>
    tpu.enqueue_dma source(%dma_start3A_229 : memref<32x1024xf32, #tpu.memory_space<vmem>>) target(%dma_start3A_226 : memref<32x1024xf32, #tpu.memory_space<hbm>>) target_semaphore(%arg7 : memref<!tpu.dma_semaphore, #tpu.memory_space<semaphore_mem>>)
    %add3A_230 = arith.constant 32 : i32
    %add3A_231 = arith.addi %mul3A_32, %add3A_230 : i32
    %dma_wait3A = arith.constant 56 : i32
    %dma_wait3A_232 = arith.constant 0 : i32
    %dma_wait3A_233 = tpu.memref_slice %arg4[%dma_wait3A, %dma_wait3A_232] : memref<96x1024xf32, #tpu.memory_space<vmem>> -> memref<32x1024xf32, #tpu.memory_space<vmem>>
    %dma_wait3A_234 = arith.constant 3072 : i32
    %dma_wait3A_235 = tpu.memref_slice %arg3[%select_n3A, %add3A_231, %dma_wait3A_234] : memref<4x2048x6144xf32, #tpu.memory_space<hbm>> -> memref<1x32x1024xf32, #tpu.memory_space<hbm>>
    %dma_wait3A_236 = tpu.memref_squeeze %dma_wait3A_235 : memref<1x32x1024xf32, #tpu.memory_space<hbm>> -> memref<32x1024xf32, #tpu.memory_space<hbm>>
    %dma_wait3A_237 = arith.constant 3072 : i32
    %dma_wait3A_238 = tpu.memref_slice %arg3[%select_n3A, %add3A_231, %dma_wait3A_237] : memref<4x2048x6144xf32, #tpu.memory_space<hbm>> -> memref<1x32x1024xf32, #tpu.memory_space<hbm>>
    %dma_wait3A_239 = tpu.memref_squeeze %dma_wait3A_238 : memref<1x32x1024xf32, #tpu.memory_space<hbm>> -> memref<32x1024xf32, #tpu.memory_space<hbm>>
    %dma_wait3A_240 = arith.constant 56 : i32
    %dma_wait3A_241 = arith.constant 0 : i32
    %dma_wait3A_242 = tpu.memref_slice %arg4[%dma_wait3A_240, %dma_wait3A_241] : memref<96x1024xf32, #tpu.memory_space<vmem>> -> memref<32x1024xf32, #tpu.memory_space<vmem>>
    tpu.wait_dma2 semaphore(%arg6 : memref<!tpu.dma_semaphore, #tpu.memory_space<semaphore_mem>>) src(%dma_wait3A_242 : memref<32x1024xf32, #tpu.memory_space<vmem>>) dst(%dma_wait3A_239 : memref<32x1024xf32, #tpu.memory_space<hbm>>)
    %dma_wait3A_243 = arith.constant 48 : i32
    %dma_wait3A_244 = arith.constant 0 : i32
    %dma_wait3A_245 = tpu.memref_slice %arg4[%dma_wait3A_243, %dma_wait3A_244] : memref<96x1024xf32, #tpu.memory_space<vmem>> -> memref<32x1024xf32, #tpu.memory_space<vmem>>
    %dma_wait3A_246 = arith.constant 4096 : i32
    %dma_wait3A_247 = tpu.memref_slice %arg3[%select_n3A, %add3A_231, %dma_wait3A_246] : memref<4x2048x6144xf32, #tpu.memory_space<hbm>> -> memref<1x32x1024xf32, #tpu.memory_space<hbm>>
    %dma_wait3A_248 = tpu.memref_squeeze %dma_wait3A_247 : memref<1x32x1024xf32, #tpu.memory_space<hbm>> -> memref<32x1024xf32, #tpu.memory_space<hbm>>
    %dma_wait3A_249 = arith.constant 4096 : i32
    %dma_wait3A_250 = tpu.memref_slice %arg3[%select_n3A, %add3A_231, %dma_wait3A_249] : memref<4x2048x6144xf32, #tpu.memory_space<hbm>> -> memref<1x32x1024xf32, #tpu.memory_space<hbm>>
    %dma_wait3A_251 = tpu.memref_squeeze %dma_wait3A_250 : memref<1x32x1024xf32, #tpu.memory_space<hbm>> -> memref<32x1024xf32, #tpu.memory_space<hbm>>
    %dma_wait3A_252 = arith.constant 48 : i32
    %dma_wait3A_253 = arith.constant 0 : i32
    %dma_wait3A_254 = tpu.memref_slice %arg4[%dma_wait3A_252, %dma_wait3A_253] : memref<96x1024xf32, #tpu.memory_space<vmem>> -> memref<32x1024xf32, #tpu.memory_space<vmem>>
    tpu.wait_dma2 semaphore(%arg6 : memref<!tpu.dma_semaphore, #tpu.memory_space<semaphore_mem>>) src(%dma_wait3A_254 : memref<32x1024xf32, #tpu.memory_space<vmem>>) dst(%dma_wait3A_251 : memref<32x1024xf32, #tpu.memory_space<hbm>>)
    %dma_wait3A_255 = arith.constant 32 : i32
    %dma_wait3A_256 = arith.constant 0 : i32
    %dma_wait3A_257 = tpu.memref_slice %arg4[%dma_wait3A_255, %dma_wait3A_256] : memref<96x1024xf32, #tpu.memory_space<vmem>> -> memref<32x1024xf32, #tpu.memory_space<vmem>>
    %dma_wait3A_258 = arith.constant 5120 : i32
    %dma_wait3A_259 = tpu.memref_slice %arg3[%select_n3A, %add3A_231, %dma_wait3A_258] : memref<4x2048x6144xf32, #tpu.memory_space<hbm>> -> memref<1x32x1024xf32, #tpu.memory_space<hbm>>
    %dma_wait3A_260 = tpu.memref_squeeze %dma_wait3A_259 : memref<1x32x1024xf32, #tpu.memory_space<hbm>> -> memref<32x1024xf32, #tpu.memory_space<hbm>>
    %dma_wait3A_261 = arith.constant 5120 : i32
    %dma_wait3A_262 = tpu.memref_slice %arg3[%select_n3A, %add3A_231, %dma_wait3A_261] : memref<4x2048x6144xf32, #tpu.memory_space<hbm>> -> memref<1x32x1024xf32, #tpu.memory_space<hbm>>
    %dma_wait3A_263 = tpu.memref_squeeze %dma_wait3A_262 : memref<1x32x1024xf32, #tpu.memory_space<hbm>> -> memref<32x1024xf32, #tpu.memory_space<hbm>>
    %dma_wait3A_264 = arith.constant 32 : i32
    %dma_wait3A_265 = arith.constant 0 : i32
    %dma_wait3A_266 = tpu.memref_slice %arg4[%dma_wait3A_264, %dma_wait3A_265] : memref<96x1024xf32, #tpu.memory_space<vmem>> -> memref<32x1024xf32, #tpu.memory_space<vmem>>
    tpu.wait_dma2 semaphore(%arg6 : memref<!tpu.dma_semaphore, #tpu.memory_space<semaphore_mem>>) src(%dma_wait3A_266 : memref<32x1024xf32, #tpu.memory_space<vmem>>) dst(%dma_wait3A_263 : memref<32x1024xf32, #tpu.memory_space<hbm>>)
    %add3A_267 = arith.constant 96 : i32
    %add3A_268 = arith.addi %mul3A_32, %add3A_267 : i32
    "tpu.region"() ({
      %run_scoped3A = tpu.sem_alloc : memref<!tpu.dma_semaphore, #tpu.memory_space<semaphore_mem>>
      %dma_start3A_851 = arith.constant 32 : i32
      %dma_start3A_852 = arith.constant 0 : i32
      %dma_start3A_853 = tpu.memref_slice %arg4[%dma_start3A_851, %dma_start3A_852] : memref<96x1024xf32, #tpu.memory_space<vmem>> -> memref<32x1024xf32, #tpu.memory_space<vmem>>
      %dma_start3A_854 = arith.constant 0 : i32
      %dma_start3A_855 = tpu.memref_slice %arg2[%select_n3A, %add3A_268, %dma_start3A_854] : memref<4x2048x1024xf32, #tpu.memory_space<hbm>> -> memref<1x32x1024xf32, #tpu.memory_space<hbm>>
      %dma_start3A_856 = tpu.memref_squeeze %dma_start3A_855 : memref<1x32x1024xf32, #tpu.memory_space<hbm>> -> memref<32x1024xf32, #tpu.memory_space<hbm>>
      %dma_start3A_857 = arith.constant 32 : i32
      %dma_start3A_858 = arith.constant 0 : i32
      %dma_start3A_859 = tpu.memref_slice %arg4[%dma_start3A_857, %dma_start3A_858] : memref<96x1024xf32, #tpu.memory_space<vmem>> -> memref<32x1024xf32, #tpu.memory_space<vmem>>
      %dma_start3A_860 = arith.constant 0 : i32
      %dma_start3A_861 = tpu.memref_slice %arg2[%select_n3A, %add3A_268, %dma_start3A_860] : memref<4x2048x1024xf32, #tpu.memory_space<hbm>> -> memref<1x32x1024xf32, #tpu.memory_space<hbm>>
      %dma_start3A_862 = tpu.memref_squeeze %dma_start3A_861 : memref<1x32x1024xf32, #tpu.memory_space<hbm>> -> memref<32x1024xf32, #tpu.memory_space<hbm>>
      tpu.enqueue_dma source(%dma_start3A_862 : memref<32x1024xf32, #tpu.memory_space<hbm>>) target(%dma_start3A_859 : memref<32x1024xf32, #tpu.memory_space<vmem>>) target_semaphore(%run_scoped3A : memref<!tpu.dma_semaphore, #tpu.memory_space<semaphore_mem>>)
      %dma_wait3A_863 = arith.constant 32 : i32
      %dma_wait3A_864 = arith.constant 0 : i32
      %dma_wait3A_865 = tpu.memref_slice %arg4[%dma_wait3A_863, %dma_wait3A_864] : memref<96x1024xf32, #tpu.memory_space<vmem>> -> memref<32x1024xf32, #tpu.memory_space<vmem>>
      %dma_wait3A_866 = arith.constant 0 : i32
      %dma_wait3A_867 = tpu.memref_slice %arg2[%select_n3A, %add3A_268, %dma_wait3A_866] : memref<4x2048x1024xf32, #tpu.memory_space<hbm>> -> memref<1x32x1024xf32, #tpu.memory_space<hbm>>
      %dma_wait3A_868 = tpu.memref_squeeze %dma_wait3A_867 : memref<1x32x1024xf32, #tpu.memory_space<hbm>> -> memref<32x1024xf32, #tpu.memory_space<hbm>>
      %dma_wait3A_869 = arith.constant 32 : i32
      %dma_wait3A_870 = arith.constant 0 : i32
      %dma_wait3A_871 = tpu.memref_slice %arg4[%dma_wait3A_869, %dma_wait3A_870] : memref<96x1024xf32, #tpu.memory_space<vmem>> -> memref<32x1024xf32, #tpu.memory_space<vmem>>
      %dma_wait3A_872 = arith.constant 0 : i32
      %dma_wait3A_873 = tpu.memref_slice %arg2[%select_n3A, %add3A_268, %dma_wait3A_872] : memref<4x2048x1024xf32, #tpu.memory_space<hbm>> -> memref<1x32x1024xf32, #tpu.memory_space<hbm>>
      %dma_wait3A_874 = tpu.memref_squeeze %dma_wait3A_873 : memref<1x32x1024xf32, #tpu.memory_space<hbm>> -> memref<32x1024xf32, #tpu.memory_space<hbm>>
      tpu.wait_dma2 semaphore(%run_scoped3A : memref<!tpu.dma_semaphore, #tpu.memory_space<semaphore_mem>>) src(%dma_wait3A_874 : memref<32x1024xf32, #tpu.memory_space<hbm>>) dst(%dma_wait3A_871 : memref<32x1024xf32, #tpu.memory_space<vmem>>)
      tpu.yield
    }) : () -> ()
    %add3A_269 = arith.constant 96 : i32
    %add3A_270 = arith.addi %mul3A_32, %add3A_269 : i32
    %dma_start3A_271 = arith.constant 24 : i32
    %dma_start3A_272 = arith.constant 0 : i32
    %dma_start3A_273 = tpu.memref_slice %arg4[%dma_start3A_271, %dma_start3A_272] : memref<96x1024xf32, #tpu.memory_space<vmem>> -> memref<32x1024xf32, #tpu.memory_space<vmem>>
    %dma_start3A_274 = arith.constant 3072 : i32
    %dma_start3A_275 = tpu.memref_slice %arg3[%select_n3A, %add3A_270, %dma_start3A_274] : memref<4x2048x6144xf32, #tpu.memory_space<hbm>> -> memref<1x32x1024xf32, #tpu.memory_space<hbm>>
    %dma_start3A_276 = tpu.memref_squeeze %dma_start3A_275 : memref<1x32x1024xf32, #tpu.memory_space<hbm>> -> memref<32x1024xf32, #tpu.memory_space<hbm>>
    %dma_start3A_277 = arith.constant 3072 : i32
    %dma_start3A_278 = tpu.memref_slice %arg3[%select_n3A, %add3A_270, %dma_start3A_277] : memref<4x2048x6144xf32, #tpu.memory_space<hbm>> -> memref<1x32x1024xf32, #tpu.memory_space<hbm>>
    %dma_start3A_279 = tpu.memref_squeeze %dma_start3A_278 : memref<1x32x1024xf32, #tpu.memory_space<hbm>> -> memref<32x1024xf32, #tpu.memory_space<hbm>>
    %dma_start3A_280 = arith.constant 24 : i32
    %dma_start3A_281 = arith.constant 0 : i32
    %dma_start3A_282 = tpu.memref_slice %arg4[%dma_start3A_280, %dma_start3A_281] : memref<96x1024xf32, #tpu.memory_space<vmem>> -> memref<32x1024xf32, #tpu.memory_space<vmem>>
    tpu.enqueue_dma source(%dma_start3A_282 : memref<32x1024xf32, #tpu.memory_space<vmem>>) target(%dma_start3A_279 : memref<32x1024xf32, #tpu.memory_space<hbm>>) target_semaphore(%arg5 : memref<!tpu.dma_semaphore, #tpu.memory_space<semaphore_mem>>)
    %dma_start3A_283 = arith.constant 16 : i32
    %dma_start3A_284 = arith.constant 0 : i32
    %dma_start3A_285 = tpu.memref_slice %arg4[%dma_start3A_283, %dma_start3A_284] : memref<96x1024xf32, #tpu.memory_space<vmem>> -> memref<32x1024xf32, #tpu.memory_space<vmem>>
    %dma_start3A_286 = arith.constant 4096 : i32
    %dma_start3A_287 = tpu.memref_slice %arg3[%select_n3A, %add3A_270, %dma_start3A_286] : memref<4x2048x6144xf32, #tpu.memory_space<hbm>> -> memref<1x32x1024xf32, #tpu.memory_space<hbm>>
    %dma_start3A_288 = tpu.memref_squeeze %dma_start3A_287 : memref<1x32x1024xf32, #tpu.memory_space<hbm>> -> memref<32x1024xf32, #tpu.memory_space<hbm>>
    %dma_start3A_289 = arith.constant 4096 : i32
    %dma_start3A_290 = tpu.memref_slice %arg3[%select_n3A, %add3A_270, %dma_start3A_289] : memref<4x2048x6144xf32, #tpu.memory_space<hbm>> -> memref<1x32x1024xf32, #tpu.memory_space<hbm>>
    %dma_start3A_291 = tpu.memref_squeeze %dma_start3A_290 : memref<1x32x1024xf32, #tpu.memory_space<hbm>> -> memref<32x1024xf32, #tpu.memory_space<hbm>>
    %dma_start3A_292 = arith.constant 16 : i32
    %dma_start3A_293 = arith.constant 0 : i32
    %dma_start3A_294 = tpu.memref_slice %arg4[%dma_start3A_292, %dma_start3A_293] : memref<96x1024xf32, #tpu.memory_space<vmem>> -> memref<32x1024xf32, #tpu.memory_space<vmem>>
    tpu.enqueue_dma source(%dma_start3A_294 : memref<32x1024xf32, #tpu.memory_space<vmem>>) target(%dma_start3A_291 : memref<32x1024xf32, #tpu.memory_space<hbm>>) target_semaphore(%arg5 : memref<!tpu.dma_semaphore, #tpu.memory_space<semaphore_mem>>)
    %dma_start3A_295 = arith.constant 0 : i32
    %dma_start3A_296 = arith.constant 0 : i32
    %dma_start3A_297 = tpu.memref_slice %arg4[%dma_start3A_295, %dma_start3A_296] : memref<96x1024xf32, #tpu.memory_space<vmem>> -> memref<32x1024xf32, #tpu.memory_space<vmem>>
    %dma_start3A_298 = arith.constant 5120 : i32
    %dma_start3A_299 = tpu.memref_slice %arg3[%select_n3A, %add3A_270, %dma_start3A_298] : memref<4x2048x6144xf32, #tpu.memory_space<hbm>> -> memref<1x32x1024xf32, #tpu.memory_space<hbm>>
    %dma_start3A_300 = tpu.memref_squeeze %dma_start3A_299 : memref<1x32x1024xf32, #tpu.memory_space<hbm>> -> memref<32x1024xf32, #tpu.memory_space<hbm>>
    %dma_start3A_301 = arith.constant 5120 : i32
    %dma_start3A_302 = tpu.memref_slice %arg3[%select_n3A, %add3A_270, %dma_start3A_301] : memref<4x2048x6144xf32, #tpu.memory_space<hbm>> -> memref<1x32x1024xf32, #tpu.memory_space<hbm>>
    %dma_start3A_303 = tpu.memref_squeeze %dma_start3A_302 : memref<1x32x1024xf32, #tpu.memory_space<hbm>> -> memref<32x1024xf32, #tpu.memory_space<hbm>>
    %dma_start3A_304 = arith.constant 0 : i32
    %dma_start3A_305 = arith.constant 0 : i32
    %dma_start3A_306 = tpu.memref_slice %arg4[%dma_start3A_304, %dma_start3A_305] : memref<96x1024xf32, #tpu.memory_space<vmem>> -> memref<32x1024xf32, #tpu.memory_space<vmem>>
    tpu.enqueue_dma source(%dma_start3A_306 : memref<32x1024xf32, #tpu.memory_space<vmem>>) target(%dma_start3A_303 : memref<32x1024xf32, #tpu.memory_space<hbm>>) target_semaphore(%arg5 : memref<!tpu.dma_semaphore, #tpu.memory_space<semaphore_mem>>)
    %add3A_307 = arith.constant 64 : i32
    %add3A_308 = arith.addi %mul3A_32, %add3A_307 : i32
    %dma_wait3A_309 = arith.constant 64 : i32
    %dma_wait3A_310 = arith.constant 0 : i32
    %dma_wait3A_311 = tpu.memref_slice %arg4[%dma_wait3A_309, %dma_wait3A_310] : memref<96x1024xf32, #tpu.memory_space<vmem>> -> memref<32x1024xf32, #tpu.memory_space<vmem>>
    %dma_wait3A_312 = arith.constant 24 : i32
    %dma_wait3A_313 = arith.constant 0 : i32
    %dma_wait3A_314 = tpu.memref_slice %dma_wait3A_311[%dma_wait3A_312, %dma_wait3A_313] : memref<32x1024xf32, #tpu.memory_space<vmem>> -> memref<8x1024xf32, #tpu.memory_space<vmem>>
    %dma_wait3A_315 = arith.constant 3072 : i32
    %dma_wait3A_316 = tpu.memref_slice %arg3[%select_n3A, %add3A_308, %dma_wait3A_315] : memref<4x2048x6144xf32, #tpu.memory_space<hbm>> -> memref<1x8x1024xf32, #tpu.memory_space<hbm>>
    %dma_wait3A_317 = tpu.memref_squeeze %dma_wait3A_316 : memref<1x8x1024xf32, #tpu.memory_space<hbm>> -> memref<8x1024xf32, #tpu.memory_space<hbm>>
    %dma_wait3A_318 = arith.constant 3072 : i32
    %dma_wait3A_319 = tpu.memref_slice %arg3[%select_n3A, %add3A_308, %dma_wait3A_318] : memref<4x2048x6144xf32, #tpu.memory_space<hbm>> -> memref<1x8x1024xf32, #tpu.memory_space<hbm>>
    %dma_wait3A_320 = tpu.memref_squeeze %dma_wait3A_319 : memref<1x8x1024xf32, #tpu.memory_space<hbm>> -> memref<8x1024xf32, #tpu.memory_space<hbm>>
    %dma_wait3A_321 = arith.constant 64 : i32
    %dma_wait3A_322 = arith.constant 0 : i32
    %dma_wait3A_323 = tpu.memref_slice %arg4[%dma_wait3A_321, %dma_wait3A_322] : memref<96x1024xf32, #tpu.memory_space<vmem>> -> memref<32x1024xf32, #tpu.memory_space<vmem>>
    %dma_wait3A_324 = arith.constant 24 : i32
    %dma_wait3A_325 = arith.constant 0 : i32
    %dma_wait3A_326 = tpu.memref_slice %dma_wait3A_323[%dma_wait3A_324, %dma_wait3A_325] : memref<32x1024xf32, #tpu.memory_space<vmem>> -> memref<8x1024xf32, #tpu.memory_space<vmem>>
    tpu.wait_dma2 semaphore(%arg7 : memref<!tpu.dma_semaphore, #tpu.memory_space<semaphore_mem>>) src(%dma_wait3A_326 : memref<8x1024xf32, #tpu.memory_space<vmem>>) dst(%dma_wait3A_320 : memref<8x1024xf32, #tpu.memory_space<hbm>>)
    %add3A_327 = arith.constant 8 : i32
    %add3A_328 = arith.addi %add3A_308, %add3A_327 : i32
    %dma_wait3A_329 = arith.constant 0 : i32
    %dma_wait3A_330 = arith.constant 0 : i32
    %dma_wait3A_331 = tpu.memref_slice %arg4[%dma_wait3A_329, %dma_wait3A_330] : memref<96x1024xf32, #tpu.memory_space<vmem>> -> memref<32x1024xf32, #tpu.memory_space<vmem>>
    %dma_wait3A_332 = arith.constant 0 : i32
    %dma_wait3A_333 = arith.constant 0 : i32
    %dma_wait3A_334 = tpu.memref_slice %dma_wait3A_331[%dma_wait3A_332, %dma_wait3A_333] : memref<32x1024xf32, #tpu.memory_space<vmem>> -> memref<24x1024xf32, #tpu.memory_space<vmem>>
    %dma_wait3A_335 = arith.constant 3072 : i32
    %dma_wait3A_336 = tpu.memref_slice %arg3[%select_n3A, %add3A_328, %dma_wait3A_335] : memref<4x2048x6144xf32, #tpu.memory_space<hbm>> -> memref<1x24x1024xf32, #tpu.memory_space<hbm>>
    %dma_wait3A_337 = tpu.memref_squeeze %dma_wait3A_336 : memref<1x24x1024xf32, #tpu.memory_space<hbm>> -> memref<24x1024xf32, #tpu.memory_space<hbm>>
    %dma_wait3A_338 = arith.constant 3072 : i32
    %dma_wait3A_339 = tpu.memref_slice %arg3[%select_n3A, %add3A_328, %dma_wait3A_338] : memref<4x2048x6144xf32, #tpu.memory_space<hbm>> -> memref<1x24x1024xf32, #tpu.memory_space<hbm>>
    %dma_wait3A_340 = tpu.memref_squeeze %dma_wait3A_339 : memref<1x24x1024xf32, #tpu.memory_space<hbm>> -> memref<24x1024xf32, #tpu.memory_space<hbm>>
    %dma_wait3A_341 = arith.constant 0 : i32
    %dma_wait3A_342 = arith.constant 0 : i32
    %dma_wait3A_343 = tpu.memref_slice %arg4[%dma_wait3A_341, %dma_wait3A_342] : memref<96x1024xf32, #tpu.memory_space<vmem>> -> memref<32x1024xf32, #tpu.memory_space<vmem>>
    %dma_wait3A_344 = arith.constant 0 : i32
    %dma_wait3A_345 = arith.constant 0 : i32
    %dma_wait3A_346 = tpu.memref_slice %dma_wait3A_343[%dma_wait3A_344, %dma_wait3A_345] : memref<32x1024xf32, #tpu.memory_space<vmem>> -> memref<24x1024xf32, #tpu.memory_space<vmem>>
    tpu.wait_dma2 semaphore(%arg7 : memref<!tpu.dma_semaphore, #tpu.memory_space<semaphore_mem>>) src(%dma_wait3A_346 : memref<24x1024xf32, #tpu.memory_space<vmem>>) dst(%dma_wait3A_340 : memref<24x1024xf32, #tpu.memory_space<hbm>>)
    %dma_wait3A_347 = arith.constant 64 : i32
    %dma_wait3A_348 = arith.constant 0 : i32
    %dma_wait3A_349 = tpu.memref_slice %arg4[%dma_wait3A_347, %dma_wait3A_348] : memref<96x1024xf32, #tpu.memory_space<vmem>> -> memref<32x1024xf32, #tpu.memory_space<vmem>>
    %dma_wait3A_350 = arith.constant 16 : i32
    %dma_wait3A_351 = arith.constant 0 : i32
    %dma_wait3A_352 = tpu.memref_slice %dma_wait3A_349[%dma_wait3A_350, %dma_wait3A_351] : memref<32x1024xf32, #tpu.memory_space<vmem>> -> memref<16x1024xf32, #tpu.memory_space<vmem>>
    %dma_wait3A_353 = arith.constant 4096 : i32
    %dma_wait3A_354 = tpu.memref_slice %arg3[%select_n3A, %add3A_308, %dma_wait3A_353] : memref<4x2048x6144xf32, #tpu.memory_space<hbm>> -> memref<1x16x1024xf32, #tpu.memory_space<hbm>>
    %dma_wait3A_355 = tpu.memref_squeeze %dma_wait3A_354 : memref<1x16x1024xf32, #tpu.memory_space<hbm>> -> memref<16x1024xf32, #tpu.memory_space<hbm>>
    %dma_wait3A_356 = arith.constant 4096 : i32
    %dma_wait3A_357 = tpu.memref_slice %arg3[%select_n3A, %add3A_308, %dma_wait3A_356] : memref<4x2048x6144xf32, #tpu.memory_space<hbm>> -> memref<1x16x1024xf32, #tpu.memory_space<hbm>>
    %dma_wait3A_358 = tpu.memref_squeeze %dma_wait3A_357 : memref<1x16x1024xf32, #tpu.memory_space<hbm>> -> memref<16x1024xf32, #tpu.memory_space<hbm>>
    %dma_wait3A_359 = arith.constant 64 : i32
    %dma_wait3A_360 = arith.constant 0 : i32
    %dma_wait3A_361 = tpu.memref_slice %arg4[%dma_wait3A_359, %dma_wait3A_360] : memref<96x1024xf32, #tpu.memory_space<vmem>> -> memref<32x1024xf32, #tpu.memory_space<vmem>>
    %dma_wait3A_362 = arith.constant 16 : i32
    %dma_wait3A_363 = arith.constant 0 : i32
    %dma_wait3A_364 = tpu.memref_slice %dma_wait3A_361[%dma_wait3A_362, %dma_wait3A_363] : memref<32x1024xf32, #tpu.memory_space<vmem>> -> memref<16x1024xf32, #tpu.memory_space<vmem>>
    tpu.wait_dma2 semaphore(%arg7 : memref<!tpu.dma_semaphore, #tpu.memory_space<semaphore_mem>>) src(%dma_wait3A_364 : memref<16x1024xf32, #tpu.memory_space<vmem>>) dst(%dma_wait3A_358 : memref<16x1024xf32, #tpu.memory_space<hbm>>)
    %add3A_365 = arith.constant 16 : i32
    %add3A_366 = arith.addi %add3A_308, %add3A_365 : i32
    %dma_wait3A_367 = arith.constant 0 : i32
    %dma_wait3A_368 = arith.constant 0 : i32
    %dma_wait3A_369 = tpu.memref_slice %arg4[%dma_wait3A_367, %dma_wait3A_368] : memref<96x1024xf32, #tpu.memory_space<vmem>> -> memref<32x1024xf32, #tpu.memory_space<vmem>>
    %dma_wait3A_370 = arith.constant 0 : i32
    %dma_wait3A_371 = arith.constant 0 : i32
    %dma_wait3A_372 = tpu.memref_slice %dma_wait3A_369[%dma_wait3A_370, %dma_wait3A_371] : memref<32x1024xf32, #tpu.memory_space<vmem>> -> memref<16x1024xf32, #tpu.memory_space<vmem>>
    %dma_wait3A_373 = arith.constant 4096 : i32
    %dma_wait3A_374 = tpu.memref_slice %arg3[%select_n3A, %add3A_366, %dma_wait3A_373] : memref<4x2048x6144xf32, #tpu.memory_space<hbm>> -> memref<1x16x1024xf32, #tpu.memory_space<hbm>>
    %dma_wait3A_375 = tpu.memref_squeeze %dma_wait3A_374 : memref<1x16x1024xf32, #tpu.memory_space<hbm>> -> memref<16x1024xf32, #tpu.memory_space<hbm>>
    %dma_wait3A_376 = arith.constant 4096 : i32
    %dma_wait3A_377 = tpu.memref_slice %arg3[%select_n3A, %add3A_366, %dma_wait3A_376] : memref<4x2048x6144xf32, #tpu.memory_space<hbm>> -> memref<1x16x1024xf32, #tpu.memory_space<hbm>>
    %dma_wait3A_378 = tpu.memref_squeeze %dma_wait3A_377 : memref<1x16x1024xf32, #tpu.memory_space<hbm>> -> memref<16x1024xf32, #tpu.memory_space<hbm>>
    %dma_wait3A_379 = arith.constant 0 : i32
    %dma_wait3A_380 = arith.constant 0 : i32
    %dma_wait3A_381 = tpu.memref_slice %arg4[%dma_wait3A_379, %dma_wait3A_380] : memref<96x1024xf32, #tpu.memory_space<vmem>> -> memref<32x1024xf32, #tpu.memory_space<vmem>>
    %dma_wait3A_382 = arith.constant 0 : i32
    %dma_wait3A_383 = arith.constant 0 : i32
    %dma_wait3A_384 = tpu.memref_slice %dma_wait3A_381[%dma_wait3A_382, %dma_wait3A_383] : memref<32x1024xf32, #tpu.memory_space<vmem>> -> memref<16x1024xf32, #tpu.memory_space<vmem>>
    tpu.wait_dma2 semaphore(%arg7 : memref<!tpu.dma_semaphore, #tpu.memory_space<semaphore_mem>>) src(%dma_wait3A_384 : memref<16x1024xf32, #tpu.memory_space<vmem>>) dst(%dma_wait3A_378 : memref<16x1024xf32, #tpu.memory_space<hbm>>)
    %dma_wait3A_385 = arith.constant 64 : i32
    %dma_wait3A_386 = arith.constant 0 : i32
    %dma_wait3A_387 = tpu.memref_slice %arg4[%dma_wait3A_385, %dma_wait3A_386] : memref<96x1024xf32, #tpu.memory_space<vmem>> -> memref<32x1024xf32, #tpu.memory_space<vmem>>
    %dma_wait3A_388 = arith.constant 5120 : i32
    %dma_wait3A_389 = tpu.memref_slice %arg3[%select_n3A, %add3A_308, %dma_wait3A_388] : memref<4x2048x6144xf32, #tpu.memory_space<hbm>> -> memref<1x32x1024xf32, #tpu.memory_space<hbm>>
    %dma_wait3A_390 = tpu.memref_squeeze %dma_wait3A_389 : memref<1x32x1024xf32, #tpu.memory_space<hbm>> -> memref<32x1024xf32, #tpu.memory_space<hbm>>
    %dma_wait3A_391 = arith.constant 5120 : i32
    %dma_wait3A_392 = tpu.memref_slice %arg3[%select_n3A, %add3A_308, %dma_wait3A_391] : memref<4x2048x6144xf32, #tpu.memory_space<hbm>> -> memref<1x32x1024xf32, #tpu.memory_space<hbm>>
    %dma_wait3A_393 = tpu.memref_squeeze %dma_wait3A_392 : memref<1x32x1024xf32, #tpu.memory_space<hbm>> -> memref<32x1024xf32, #tpu.memory_space<hbm>>
    %dma_wait3A_394 = arith.constant 64 : i32
    %dma_wait3A_395 = arith.constant 0 : i32
    %dma_wait3A_396 = tpu.memref_slice %arg4[%dma_wait3A_394, %dma_wait3A_395] : memref<96x1024xf32, #tpu.memory_space<vmem>> -> memref<32x1024xf32, #tpu.memory_space<vmem>>
    tpu.wait_dma2 semaphore(%arg7 : memref<!tpu.dma_semaphore, #tpu.memory_space<semaphore_mem>>) src(%dma_wait3A_396 : memref<32x1024xf32, #tpu.memory_space<vmem>>) dst(%dma_wait3A_393 : memref<32x1024xf32, #tpu.memory_space<hbm>>)
    %add3A_397 = arith.constant 128 : i32
    %add3A_398 = arith.addi %mul3A_32, %add3A_397 : i32
    "tpu.region"() ({
      %run_scoped3A = tpu.sem_alloc : memref<!tpu.dma_semaphore, #tpu.memory_space<semaphore_mem>>
      %dma_start3A_851 = arith.constant 64 : i32
      %dma_start3A_852 = arith.constant 0 : i32
      %dma_start3A_853 = tpu.memref_slice %arg4[%dma_start3A_851, %dma_start3A_852] : memref<96x1024xf32, #tpu.memory_space<vmem>> -> memref<32x1024xf32, #tpu.memory_space<vmem>>
      %dma_start3A_854 = arith.constant 0 : i32
      %dma_start3A_855 = tpu.memref_slice %arg2[%select_n3A, %add3A_398, %dma_start3A_854] : memref<4x2048x1024xf32, #tpu.memory_space<hbm>> -> memref<1x32x1024xf32, #tpu.memory_space<hbm>>
      %dma_start3A_856 = tpu.memref_squeeze %dma_start3A_855 : memref<1x32x1024xf32, #tpu.memory_space<hbm>> -> memref<32x1024xf32, #tpu.memory_space<hbm>>
      %dma_start3A_857 = arith.constant 64 : i32
      %dma_start3A_858 = arith.constant 0 : i32
      %dma_start3A_859 = tpu.memref_slice %arg4[%dma_start3A_857, %dma_start3A_858] : memref<96x1024xf32, #tpu.memory_space<vmem>> -> memref<32x1024xf32, #tpu.memory_space<vmem>>
      %dma_start3A_860 = arith.constant 0 : i32
      %dma_start3A_861 = tpu.memref_slice %arg2[%select_n3A, %add3A_398, %dma_start3A_860] : memref<4x2048x1024xf32, #tpu.memory_space<hbm>> -> memref<1x32x1024xf32, #tpu.memory_space<hbm>>
      %dma_start3A_862 = tpu.memref_squeeze %dma_start3A_861 : memref<1x32x1024xf32, #tpu.memory_space<hbm>> -> memref<32x1024xf32, #tpu.memory_space<hbm>>
      tpu.enqueue_dma source(%dma_start3A_862 : memref<32x1024xf32, #tpu.memory_space<hbm>>) target(%dma_start3A_859 : memref<32x1024xf32, #tpu.memory_space<vmem>>) target_semaphore(%run_scoped3A : memref<!tpu.dma_semaphore, #tpu.memory_space<semaphore_mem>>)
      %dma_wait3A_863 = arith.constant 64 : i32
      %dma_wait3A_864 = arith.constant 0 : i32
      %dma_wait3A_865 = tpu.memref_slice %arg4[%dma_wait3A_863, %dma_wait3A_864] : memref<96x1024xf32, #tpu.memory_space<vmem>> -> memref<32x1024xf32, #tpu.memory_space<vmem>>
      %dma_wait3A_866 = arith.constant 0 : i32
      %dma_wait3A_867 = tpu.memref_slice %arg2[%select_n3A, %add3A_398, %dma_wait3A_866] : memref<4x2048x1024xf32, #tpu.memory_space<hbm>> -> memref<1x32x1024xf32, #tpu.memory_space<hbm>>
      %dma_wait3A_868 = tpu.memref_squeeze %dma_wait3A_867 : memref<1x32x1024xf32, #tpu.memory_space<hbm>> -> memref<32x1024xf32, #tpu.memory_space<hbm>>
      %dma_wait3A_869 = arith.constant 64 : i32
      %dma_wait3A_870 = arith.constant 0 : i32
      %dma_wait3A_871 = tpu.memref_slice %arg4[%dma_wait3A_869, %dma_wait3A_870] : memref<96x1024xf32, #tpu.memory_space<vmem>> -> memref<32x1024xf32, #tpu.memory_space<vmem>>
      %dma_wait3A_872 = arith.constant 0 : i32
      %dma_wait3A_873 = tpu.memref_slice %arg2[%select_n3A, %add3A_398, %dma_wait3A_872] : memref<4x2048x1024xf32, #tpu.memory_space<hbm>> -> memref<1x32x1024xf32, #tpu.memory_space<hbm>>
      %dma_wait3A_874 = tpu.memref_squeeze %dma_wait3A_873 : memref<1x32x1024xf32, #tpu.memory_space<hbm>> -> memref<32x1024xf32, #tpu.memory_space<hbm>>
      tpu.wait_dma2 semaphore(%run_scoped3A : memref<!tpu.dma_semaphore, #tpu.memory_space<semaphore_mem>>) src(%dma_wait3A_874 : memref<32x1024xf32, #tpu.memory_space<hbm>>) dst(%dma_wait3A_871 : memref<32x1024xf32, #tpu.memory_space<vmem>>)
      tpu.yield
    }) : () -> ()
    %add3A_399 = arith.constant 128 : i32
    %add3A_400 = arith.addi %mul3A_32, %add3A_399 : i32
    %dma_start3A_401 = arith.constant 56 : i32
    %dma_start3A_402 = arith.constant 0 : i32
    %dma_start3A_403 = tpu.memref_slice %arg4[%dma_start3A_401, %dma_start3A_402] : memref<96x1024xf32, #tpu.memory_space<vmem>> -> memref<32x1024xf32, #tpu.memory_space<vmem>>
    %dma_start3A_404 = arith.constant 3072 : i32
    %dma_start3A_405 = tpu.memref_slice %arg3[%select_n3A, %add3A_400, %dma_start3A_404] : memref<4x2048x6144xf32, #tpu.memory_space<hbm>> -> memref<1x32x1024xf32, #tpu.memory_space<hbm>>
    %dma_start3A_406 = tpu.memref_squeeze %dma_start3A_405 : memref<1x32x1024xf32, #tpu.memory_space<hbm>> -> memref<32x1024xf32, #tpu.memory_space<hbm>>
    %dma_start3A_407 = arith.constant 3072 : i32
    %dma_start3A_408 = tpu.memref_slice %arg3[%select_n3A, %add3A_400, %dma_start3A_407] : memref<4x2048x6144xf32, #tpu.memory_space<hbm>> -> memref<1x32x1024xf32, #tpu.memory_space<hbm>>
    %dma_start3A_409 = tpu.memref_squeeze %dma_start3A_408 : memref<1x32x1024xf32, #tpu.memory_space<hbm>> -> memref<32x1024xf32, #tpu.memory_space<hbm>>
    %dma_start3A_410 = arith.constant 56 : i32
    %dma_start3A_411 = arith.constant 0 : i32
    %dma_start3A_412 = tpu.memref_slice %arg4[%dma_start3A_410, %dma_start3A_411] : memref<96x1024xf32, #tpu.memory_space<vmem>> -> memref<32x1024xf32, #tpu.memory_space<vmem>>
    tpu.enqueue_dma source(%dma_start3A_412 : memref<32x1024xf32, #tpu.memory_space<vmem>>) target(%dma_start3A_409 : memref<32x1024xf32, #tpu.memory_space<hbm>>) target_semaphore(%arg6 : memref<!tpu.dma_semaphore, #tpu.memory_space<semaphore_mem>>)
    %dma_start3A_413 = arith.constant 48 : i32
    %dma_start3A_414 = arith.constant 0 : i32
    %dma_start3A_415 = tpu.memref_slice %arg4[%dma_start3A_413, %dma_start3A_414] : memref<96x1024xf32, #tpu.memory_space<vmem>> -> memref<32x1024xf32, #tpu.memory_space<vmem>>
    %dma_start3A_416 = arith.constant 4096 : i32
    %dma_start3A_417 = tpu.memref_slice %arg3[%select_n3A, %add3A_400, %dma_start3A_416] : memref<4x2048x6144xf32, #tpu.memory_space<hbm>> -> memref<1x32x1024xf32, #tpu.memory_space<hbm>>
    %dma_start3A_418 = tpu.memref_squeeze %dma_start3A_417 : memref<1x32x1024xf32, #tpu.memory_space<hbm>> -> memref<32x1024xf32, #tpu.memory_space<hbm>>
    %dma_start3A_419 = arith.constant 4096 : i32
    %dma_start3A_420 = tpu.memref_slice %arg3[%select_n3A, %add3A_400, %dma_start3A_419] : memref<4x2048x6144xf32, #tpu.memory_space<hbm>> -> memref<1x32x1024xf32, #tpu.memory_space<hbm>>
    %dma_start3A_421 = tpu.memref_squeeze %dma_start3A_420 : memref<1x32x1024xf32, #tpu.memory_space<hbm>> -> memref<32x1024xf32, #tpu.memory_space<hbm>>
    %dma_start3A_422 = arith.constant 48 : i32
    %dma_start3A_423 = arith.constant 0 : i32
    %dma_start3A_424 = tpu.memref_slice %arg4[%dma_start3A_422, %dma_start3A_423] : memref<96x1024xf32, #tpu.memory_space<vmem>> -> memref<32x1024xf32, #tpu.memory_space<vmem>>
    tpu.enqueue_dma source(%dma_start3A_424 : memref<32x1024xf32, #tpu.memory_space<vmem>>) target(%dma_start3A_421 : memref<32x1024xf32, #tpu.memory_space<hbm>>) target_semaphore(%arg6 : memref<!tpu.dma_semaphore, #tpu.memory_space<semaphore_mem>>)
    %dma_start3A_425 = arith.constant 32 : i32
    %dma_start3A_426 = arith.constant 0 : i32
    %dma_start3A_427 = tpu.memref_slice %arg4[%dma_start3A_425, %dma_start3A_426] : memref<96x1024xf32, #tpu.memory_space<vmem>> -> memref<32x1024xf32, #tpu.memory_space<vmem>>
    %dma_start3A_428 = arith.constant 5120 : i32
    %dma_start3A_429 = tpu.memref_slice %arg3[%select_n3A, %add3A_400, %dma_start3A_428] : memref<4x2048x6144xf32, #tpu.memory_space<hbm>> -> memref<1x32x1024xf32, #tpu.memory_space<hbm>>
    %dma_start3A_430 = tpu.memref_squeeze %dma_start3A_429 : memref<1x32x1024xf32, #tpu.memory_space<hbm>> -> memref<32x1024xf32, #tpu.memory_space<hbm>>
    %dma_start3A_431 = arith.constant 5120 : i32
    %dma_start3A_432 = tpu.memref_slice %arg3[%select_n3A, %add3A_400, %dma_start3A_431] : memref<4x2048x6144xf32, #tpu.memory_space<hbm>> -> memref<1x32x1024xf32, #tpu.memory_space<hbm>>
    %dma_start3A_433 = tpu.memref_squeeze %dma_start3A_432 : memref<1x32x1024xf32, #tpu.memory_space<hbm>> -> memref<32x1024xf32, #tpu.memory_space<hbm>>
    %dma_start3A_434 = arith.constant 32 : i32
    %dma_start3A_435 = arith.constant 0 : i32
    %dma_start3A_436 = tpu.memref_slice %arg4[%dma_start3A_434, %dma_start3A_435] : memref<96x1024xf32, #tpu.memory_space<vmem>> -> memref<32x1024xf32, #tpu.memory_space<vmem>>
    tpu.enqueue_dma source(%dma_start3A_436 : memref<32x1024xf32, #tpu.memory_space<vmem>>) target(%dma_start3A_433 : memref<32x1024xf32, #tpu.memory_space<hbm>>) target_semaphore(%arg6 : memref<!tpu.dma_semaphore, #tpu.memory_space<semaphore_mem>>)
    %add3A_437 = arith.constant 96 : i32
    %add3A_438 = arith.addi %mul3A_32, %add3A_437 : i32
    %dma_wait3A_439 = arith.constant 24 : i32
    %dma_wait3A_440 = arith.constant 0 : i32
    %dma_wait3A_441 = tpu.memref_slice %arg4[%dma_wait3A_439, %dma_wait3A_440] : memref<96x1024xf32, #tpu.memory_space<vmem>> -> memref<32x1024xf32, #tpu.memory_space<vmem>>
    %dma_wait3A_442 = arith.constant 3072 : i32
    %dma_wait3A_443 = tpu.memref_slice %arg3[%select_n3A, %add3A_438, %dma_wait3A_442] : memref<4x2048x6144xf32, #tpu.memory_space<hbm>> -> memref<1x32x1024xf32, #tpu.memory_space<hbm>>
    %dma_wait3A_444 = tpu.memref_squeeze %dma_wait3A_443 : memref<1x32x1024xf32, #tpu.memory_space<hbm>> -> memref<32x1024xf32, #tpu.memory_space<hbm>>
    %dma_wait3A_445 = arith.constant 3072 : i32
    %dma_wait3A_446 = tpu.memref_slice %arg3[%select_n3A, %add3A_438, %dma_wait3A_445] : memref<4x2048x6144xf32, #tpu.memory_space<hbm>> -> memref<1x32x1024xf32, #tpu.memory_space<hbm>>
    %dma_wait3A_447 = tpu.memref_squeeze %dma_wait3A_446 : memref<1x32x1024xf32, #tpu.memory_space<hbm>> -> memref<32x1024xf32, #tpu.memory_space<hbm>>
    %dma_wait3A_448 = arith.constant 24 : i32
    %dma_wait3A_449 = arith.constant 0 : i32
    %dma_wait3A_450 = tpu.memref_slice %arg4[%dma_wait3A_448, %dma_wait3A_449] : memref<96x1024xf32, #tpu.memory_space<vmem>> -> memref<32x1024xf32, #tpu.memory_space<vmem>>
    tpu.wait_dma2 semaphore(%arg5 : memref<!tpu.dma_semaphore, #tpu.memory_space<semaphore_mem>>) src(%dma_wait3A_450 : memref<32x1024xf32, #tpu.memory_space<vmem>>) dst(%dma_wait3A_447 : memref<32x1024xf32, #tpu.memory_space<hbm>>)
    %dma_wait3A_451 = arith.constant 16 : i32
    %dma_wait3A_452 = arith.constant 0 : i32
    %dma_wait3A_453 = tpu.memref_slice %arg4[%dma_wait3A_451, %dma_wait3A_452] : memref<96x1024xf32, #tpu.memory_space<vmem>> -> memref<32x1024xf32, #tpu.memory_space<vmem>>
    %dma_wait3A_454 = arith.constant 4096 : i32
    %dma_wait3A_455 = tpu.memref_slice %arg3[%select_n3A, %add3A_438, %dma_wait3A_454] : memref<4x2048x6144xf32, #tpu.memory_space<hbm>> -> memref<1x32x1024xf32, #tpu.memory_space<hbm>>
    %dma_wait3A_456 = tpu.memref_squeeze %dma_wait3A_455 : memref<1x32x1024xf32, #tpu.memory_space<hbm>> -> memref<32x1024xf32, #tpu.memory_space<hbm>>
    %dma_wait3A_457 = arith.constant 4096 : i32
    %dma_wait3A_458 = tpu.memref_slice %arg3[%select_n3A, %add3A_438, %dma_wait3A_457] : memref<4x2048x6144xf32, #tpu.memory_space<hbm>> -> memref<1x32x1024xf32, #tpu.memory_space<hbm>>
    %dma_wait3A_459 = tpu.memref_squeeze %dma_wait3A_458 : memref<1x32x1024xf32, #tpu.memory_space<hbm>> -> memref<32x1024xf32, #tpu.memory_space<hbm>>
    %dma_wait3A_460 = arith.constant 16 : i32
    %dma_wait3A_461 = arith.constant 0 : i32
    %dma_wait3A_462 = tpu.memref_slice %arg4[%dma_wait3A_460, %dma_wait3A_461] : memref<96x1024xf32, #tpu.memory_space<vmem>> -> memref<32x1024xf32, #tpu.memory_space<vmem>>
    tpu.wait_dma2 semaphore(%arg5 : memref<!tpu.dma_semaphore, #tpu.memory_space<semaphore_mem>>) src(%dma_wait3A_462 : memref<32x1024xf32, #tpu.memory_space<vmem>>) dst(%dma_wait3A_459 : memref<32x1024xf32, #tpu.memory_space<hbm>>)
    %dma_wait3A_463 = arith.constant 0 : i32
    %dma_wait3A_464 = arith.constant 0 : i32
    %dma_wait3A_465 = tpu.memref_slice %arg4[%dma_wait3A_463, %dma_wait3A_464] : memref<96x1024xf32, #tpu.memory_space<vmem>> -> memref<32x1024xf32, #tpu.memory_space<vmem>>
    %dma_wait3A_466 = arith.constant 5120 : i32
    %dma_wait3A_467 = tpu.memref_slice %arg3[%select_n3A, %add3A_438, %dma_wait3A_466] : memref<4x2048x6144xf32, #tpu.memory_space<hbm>> -> memref<1x32x1024xf32, #tpu.memory_space<hbm>>
    %dma_wait3A_468 = tpu.memref_squeeze %dma_wait3A_467 : memref<1x32x1024xf32, #tpu.memory_space<hbm>> -> memref<32x1024xf32, #tpu.memory_space<hbm>>
    %dma_wait3A_469 = arith.constant 5120 : i32
    %dma_wait3A_470 = tpu.memref_slice %arg3[%select_n3A, %add3A_438, %dma_wait3A_469] : memref<4x2048x6144xf32, #tpu.memory_space<hbm>> -> memref<1x32x1024xf32, #tpu.memory_space<hbm>>
    %dma_wait3A_471 = tpu.memref_squeeze %dma_wait3A_470 : memref<1x32x1024xf32, #tpu.memory_space<hbm>> -> memref<32x1024xf32, #tpu.memory_space<hbm>>
    %dma_wait3A_472 = arith.constant 0 : i32
    %dma_wait3A_473 = arith.constant 0 : i32
    %dma_wait3A_474 = tpu.memref_slice %arg4[%dma_wait3A_472, %dma_wait3A_473] : memref<96x1024xf32, #tpu.memory_space<vmem>> -> memref<32x1024xf32, #tpu.memory_space<vmem>>
    tpu.wait_dma2 semaphore(%arg5 : memref<!tpu.dma_semaphore, #tpu.memory_space<semaphore_mem>>) src(%dma_wait3A_474 : memref<32x1024xf32, #tpu.memory_space<vmem>>) dst(%dma_wait3A_471 : memref<32x1024xf32, #tpu.memory_space<hbm>>)
    %add3A_475 = arith.constant 160 : i32
    %add3A_476 = arith.addi %mul3A_32, %add3A_475 : i32
    "tpu.region"() ({
      %run_scoped3A = tpu.sem_alloc : memref<!tpu.dma_semaphore, #tpu.memory_space<semaphore_mem>>
      %dma_start3A_851 = arith.constant 0 : i32
      %dma_start3A_852 = arith.constant 0 : i32
      %dma_start3A_853 = tpu.memref_slice %arg4[%dma_start3A_851, %dma_start3A_852] : memref<96x1024xf32, #tpu.memory_space<vmem>> -> memref<32x1024xf32, #tpu.memory_space<vmem>>
      %dma_start3A_854 = arith.constant 0 : i32
      %dma_start3A_855 = tpu.memref_slice %arg2[%select_n3A, %add3A_476, %dma_start3A_854] : memref<4x2048x1024xf32, #tpu.memory_space<hbm>> -> memref<1x32x1024xf32, #tpu.memory_space<hbm>>
      %dma_start3A_856 = tpu.memref_squeeze %dma_start3A_855 : memref<1x32x1024xf32, #tpu.memory_space<hbm>> -> memref<32x1024xf32, #tpu.memory_space<hbm>>
      %dma_start3A_857 = arith.constant 0 : i32
      %dma_start3A_858 = arith.constant 0 : i32
      %dma_start3A_859 = tpu.memref_slice %arg4[%dma_start3A_857, %dma_start3A_858] : memref<96x1024xf32, #tpu.memory_space<vmem>> -> memref<32x1024xf32, #tpu.memory_space<vmem>>
      %dma_start3A_860 = arith.constant 0 : i32
      %dma_start3A_861 = tpu.memref_slice %arg2[%select_n3A, %add3A_476, %dma_start3A_860] : memref<4x2048x1024xf32, #tpu.memory_space<hbm>> -> memref<1x32x1024xf32, #tpu.memory_space<hbm>>
      %dma_start3A_862 = tpu.memref_squeeze %dma_start3A_861 : memref<1x32x1024xf32, #tpu.memory_space<hbm>> -> memref<32x1024xf32, #tpu.memory_space<hbm>>
      tpu.enqueue_dma source(%dma_start3A_862 : memref<32x1024xf32, #tpu.memory_space<hbm>>) target(%dma_start3A_859 : memref<32x1024xf32, #tpu.memory_space<vmem>>) target_semaphore(%run_scoped3A : memref<!tpu.dma_semaphore, #tpu.memory_space<semaphore_mem>>)
      %dma_wait3A_863 = arith.constant 0 : i32
      %dma_wait3A_864 = arith.constant 0 : i32
      %dma_wait3A_865 = tpu.memref_slice %arg4[%dma_wait3A_863, %dma_wait3A_864] : memref<96x1024xf32, #tpu.memory_space<vmem>> -> memref<32x1024xf32, #tpu.memory_space<vmem>>
      %dma_wait3A_866 = arith.constant 0 : i32
      %dma_wait3A_867 = tpu.memref_slice %arg2[%select_n3A, %add3A_476, %dma_wait3A_866] : memref<4x2048x1024xf32, #tpu.memory_space<hbm>> -> memref<1x32x1024xf32, #tpu.memory_space<hbm>>
      %dma_wait3A_868 = tpu.memref_squeeze %dma_wait3A_867 : memref<1x32x1024xf32, #tpu.memory_space<hbm>> -> memref<32x1024xf32, #tpu.memory_space<hbm>>
      %dma_wait3A_869 = arith.constant 0 : i32
      %dma_wait3A_870 = arith.constant 0 : i32
      %dma_wait3A_871 = tpu.memref_slice %arg4[%dma_wait3A_869, %dma_wait3A_870] : memref<96x1024xf32, #tpu.memory_space<vmem>> -> memref<32x1024xf32, #tpu.memory_space<vmem>>
      %dma_wait3A_872 = arith.constant 0 : i32
      %dma_wait3A_873 = tpu.memref_slice %arg2[%select_n3A, %add3A_476, %dma_wait3A_872] : memref<4x2048x1024xf32, #tpu.memory_space<hbm>> -> memref<1x32x1024xf32, #tpu.memory_space<hbm>>
      %dma_wait3A_874 = tpu.memref_squeeze %dma_wait3A_873 : memref<1x32x1024xf32, #tpu.memory_space<hbm>> -> memref<32x1024xf32, #tpu.memory_space<hbm>>
      tpu.wait_dma2 semaphore(%run_scoped3A : memref<!tpu.dma_semaphore, #tpu.memory_space<semaphore_mem>>) src(%dma_wait3A_874 : memref<32x1024xf32, #tpu.memory_space<hbm>>) dst(%dma_wait3A_871 : memref<32x1024xf32, #tpu.memory_space<vmem>>)
      tpu.yield
    }) : () -> ()
    %add3A_477 = arith.constant 160 : i32
    %add3A_478 = arith.addi %mul3A_32, %add3A_477 : i32
    %dma_start3A_479 = arith.constant 64 : i32
    %dma_start3A_480 = arith.constant 0 : i32
    %dma_start3A_481 = tpu.memref_slice %arg4[%dma_start3A_479, %dma_start3A_480] : memref<96x1024xf32, #tpu.memory_space<vmem>> -> memref<32x1024xf32, #tpu.memory_space<vmem>>
    %dma_start3A_482 = arith.constant 24 : i32
    %dma_start3A_483 = arith.constant 0 : i32
    %dma_start3A_484 = tpu.memref_slice %dma_start3A_481[%dma_start3A_482, %dma_start3A_483] : memref<32x1024xf32, #tpu.memory_space<vmem>> -> memref<8x1024xf32, #tpu.memory_space<vmem>>
    %dma_start3A_485 = arith.constant 3072 : i32
    %dma_start3A_486 = tpu.memref_slice %arg3[%select_n3A, %add3A_478, %dma_start3A_485] : memref<4x2048x6144xf32, #tpu.memory_space<hbm>> -> memref<1x8x1024xf32, #tpu.memory_space<hbm>>
    %dma_start3A_487 = tpu.memref_squeeze %dma_start3A_486 : memref<1x8x1024xf32, #tpu.memory_space<hbm>> -> memref<8x1024xf32, #tpu.memory_space<hbm>>
    %dma_start3A_488 = arith.constant 3072 : i32
    %dma_start3A_489 = tpu.memref_slice %arg3[%select_n3A, %add3A_478, %dma_start3A_488] : memref<4x2048x6144xf32, #tpu.memory_space<hbm>> -> memref<1x8x1024xf32, #tpu.memory_space<hbm>>
    %dma_start3A_490 = tpu.memref_squeeze %dma_start3A_489 : memref<1x8x1024xf32, #tpu.memory_space<hbm>> -> memref<8x1024xf32, #tpu.memory_space<hbm>>
    %dma_start3A_491 = arith.constant 64 : i32
    %dma_start3A_492 = arith.constant 0 : i32
    %dma_start3A_493 = tpu.memref_slice %arg4[%dma_start3A_491, %dma_start3A_492] : memref<96x1024xf32, #tpu.memory_space<vmem>> -> memref<32x1024xf32, #tpu.memory_space<vmem>>
    %dma_start3A_494 = arith.constant 24 : i32
    %dma_start3A_495 = arith.constant 0 : i32
    %dma_start3A_496 = tpu.memref_slice %dma_start3A_493[%dma_start3A_494, %dma_start3A_495] : memref<32x1024xf32, #tpu.memory_space<vmem>> -> memref<8x1024xf32, #tpu.memory_space<vmem>>
    tpu.enqueue_dma source(%dma_start3A_496 : memref<8x1024xf32, #tpu.memory_space<vmem>>) target(%dma_start3A_490 : memref<8x1024xf32, #tpu.memory_space<hbm>>) target_semaphore(%arg7 : memref<!tpu.dma_semaphore, #tpu.memory_space<semaphore_mem>>)
    %add3A_497 = arith.constant 8 : i32
    %add3A_498 = arith.addi %add3A_478, %add3A_497 : i32
    %dma_start3A_499 = arith.constant 0 : i32
    %dma_start3A_500 = arith.constant 0 : i32
    %dma_start3A_501 = tpu.memref_slice %arg4[%dma_start3A_499, %dma_start3A_500] : memref<96x1024xf32, #tpu.memory_space<vmem>> -> memref<32x1024xf32, #tpu.memory_space<vmem>>
    %dma_start3A_502 = arith.constant 0 : i32
    %dma_start3A_503 = arith.constant 0 : i32
    %dma_start3A_504 = tpu.memref_slice %dma_start3A_501[%dma_start3A_502, %dma_start3A_503] : memref<32x1024xf32, #tpu.memory_space<vmem>> -> memref<24x1024xf32, #tpu.memory_space<vmem>>
    %dma_start3A_505 = arith.constant 3072 : i32
    %dma_start3A_506 = tpu.memref_slice %arg3[%select_n3A, %add3A_498, %dma_start3A_505] : memref<4x2048x6144xf32, #tpu.memory_space<hbm>> -> memref<1x24x1024xf32, #tpu.memory_space<hbm>>
    %dma_start3A_507 = tpu.memref_squeeze %dma_start3A_506 : memref<1x24x1024xf32, #tpu.memory_space<hbm>> -> memref<24x1024xf32, #tpu.memory_space<hbm>>
    %dma_start3A_508 = arith.constant 3072 : i32
    %dma_start3A_509 = tpu.memref_slice %arg3[%select_n3A, %add3A_498, %dma_start3A_508] : memref<4x2048x6144xf32, #tpu.memory_space<hbm>> -> memref<1x24x1024xf32, #tpu.memory_space<hbm>>
    %dma_start3A_510 = tpu.memref_squeeze %dma_start3A_509 : memref<1x24x1024xf32, #tpu.memory_space<hbm>> -> memref<24x1024xf32, #tpu.memory_space<hbm>>
    %dma_start3A_511 = arith.constant 0 : i32
    %dma_start3A_512 = arith.constant 0 : i32
    %dma_start3A_513 = tpu.memref_slice %arg4[%dma_start3A_511, %dma_start3A_512] : memref<96x1024xf32, #tpu.memory_space<vmem>> -> memref<32x1024xf32, #tpu.memory_space<vmem>>
    %dma_start3A_514 = arith.constant 0 : i32
    %dma_start3A_515 = arith.constant 0 : i32
    %dma_start3A_516 = tpu.memref_slice %dma_start3A_513[%dma_start3A_514, %dma_start3A_515] : memref<32x1024xf32, #tpu.memory_space<vmem>> -> memref<24x1024xf32, #tpu.memory_space<vmem>>
    tpu.enqueue_dma source(%dma_start3A_516 : memref<24x1024xf32, #tpu.memory_space<vmem>>) target(%dma_start3A_510 : memref<24x1024xf32, #tpu.memory_space<hbm>>) target_semaphore(%arg7 : memref<!tpu.dma_semaphore, #tpu.memory_space<semaphore_mem>>)
    %dma_start3A_517 = arith.constant 64 : i32
    %dma_start3A_518 = arith.constant 0 : i32
    %dma_start3A_519 = tpu.memref_slice %arg4[%dma_start3A_517, %dma_start3A_518] : memref<96x1024xf32, #tpu.memory_space<vmem>> -> memref<32x1024xf32, #tpu.memory_space<vmem>>
    %dma_start3A_520 = arith.constant 16 : i32
    %dma_start3A_521 = arith.constant 0 : i32
    %dma_start3A_522 = tpu.memref_slice %dma_start3A_519[%dma_start3A_520, %dma_start3A_521] : memref<32x1024xf32, #tpu.memory_space<vmem>> -> memref<16x1024xf32, #tpu.memory_space<vmem>>
    %dma_start3A_523 = arith.constant 4096 : i32
    %dma_start3A_524 = tpu.memref_slice %arg3[%select_n3A, %add3A_478, %dma_start3A_523] : memref<4x2048x6144xf32, #tpu.memory_space<hbm>> -> memref<1x16x1024xf32, #tpu.memory_space<hbm>>
    %dma_start3A_525 = tpu.memref_squeeze %dma_start3A_524 : memref<1x16x1024xf32, #tpu.memory_space<hbm>> -> memref<16x1024xf32, #tpu.memory_space<hbm>>
    %dma_start3A_526 = arith.constant 4096 : i32
    %dma_start3A_527 = tpu.memref_slice %arg3[%select_n3A, %add3A_478, %dma_start3A_526] : memref<4x2048x6144xf32, #tpu.memory_space<hbm>> -> memref<1x16x1024xf32, #tpu.memory_space<hbm>>
    %dma_start3A_528 = tpu.memref_squeeze %dma_start3A_527 : memref<1x16x1024xf32, #tpu.memory_space<hbm>> -> memref<16x1024xf32, #tpu.memory_space<hbm>>
    %dma_start3A_529 = arith.constant 64 : i32
    %dma_start3A_530 = arith.constant 0 : i32
    %dma_start3A_531 = tpu.memref_slice %arg4[%dma_start3A_529, %dma_start3A_530] : memref<96x1024xf32, #tpu.memory_space<vmem>> -> memref<32x1024xf32, #tpu.memory_space<vmem>>
    %dma_start3A_532 = arith.constant 16 : i32
    %dma_start3A_533 = arith.constant 0 : i32
    %dma_start3A_534 = tpu.memref_slice %dma_start3A_531[%dma_start3A_532, %dma_start3A_533] : memref<32x1024xf32, #tpu.memory_space<vmem>> -> memref<16x1024xf32, #tpu.memory_space<vmem>>
    tpu.enqueue_dma source(%dma_start3A_534 : memref<16x1024xf32, #tpu.memory_space<vmem>>) target(%dma_start3A_528 : memref<16x1024xf32, #tpu.memory_space<hbm>>) target_semaphore(%arg7 : memref<!tpu.dma_semaphore, #tpu.memory_space<semaphore_mem>>)
    %add3A_535 = arith.constant 16 : i32
    %add3A_536 = arith.addi %add3A_478, %add3A_535 : i32
    %dma_start3A_537 = arith.constant 0 : i32
    %dma_start3A_538 = arith.constant 0 : i32
    %dma_start3A_539 = tpu.memref_slice %arg4[%dma_start3A_537, %dma_start3A_538] : memref<96x1024xf32, #tpu.memory_space<vmem>> -> memref<32x1024xf32, #tpu.memory_space<vmem>>
    %dma_start3A_540 = arith.constant 0 : i32
    %dma_start3A_541 = arith.constant 0 : i32
    %dma_start3A_542 = tpu.memref_slice %dma_start3A_539[%dma_start3A_540, %dma_start3A_541] : memref<32x1024xf32, #tpu.memory_space<vmem>> -> memref<16x1024xf32, #tpu.memory_space<vmem>>
    %dma_start3A_543 = arith.constant 4096 : i32
    %dma_start3A_544 = tpu.memref_slice %arg3[%select_n3A, %add3A_536, %dma_start3A_543] : memref<4x2048x6144xf32, #tpu.memory_space<hbm>> -> memref<1x16x1024xf32, #tpu.memory_space<hbm>>
    %dma_start3A_545 = tpu.memref_squeeze %dma_start3A_544 : memref<1x16x1024xf32, #tpu.memory_space<hbm>> -> memref<16x1024xf32, #tpu.memory_space<hbm>>
    %dma_start3A_546 = arith.constant 4096 : i32
    %dma_start3A_547 = tpu.memref_slice %arg3[%select_n3A, %add3A_536, %dma_start3A_546] : memref<4x2048x6144xf32, #tpu.memory_space<hbm>> -> memref<1x16x1024xf32, #tpu.memory_space<hbm>>
    %dma_start3A_548 = tpu.memref_squeeze %dma_start3A_547 : memref<1x16x1024xf32, #tpu.memory_space<hbm>> -> memref<16x1024xf32, #tpu.memory_space<hbm>>
    %dma_start3A_549 = arith.constant 0 : i32
    %dma_start3A_550 = arith.constant 0 : i32
    %dma_start3A_551 = tpu.memref_slice %arg4[%dma_start3A_549, %dma_start3A_550] : memref<96x1024xf32, #tpu.memory_space<vmem>> -> memref<32x1024xf32, #tpu.memory_space<vmem>>
    %dma_start3A_552 = arith.constant 0 : i32
    %dma_start3A_553 = arith.constant 0 : i32
    %dma_start3A_554 = tpu.memref_slice %dma_start3A_551[%dma_start3A_552, %dma_start3A_553] : memref<32x1024xf32, #tpu.memory_space<vmem>> -> memref<16x1024xf32, #tpu.memory_space<vmem>>
    tpu.enqueue_dma source(%dma_start3A_554 : memref<16x1024xf32, #tpu.memory_space<vmem>>) target(%dma_start3A_548 : memref<16x1024xf32, #tpu.memory_space<hbm>>) target_semaphore(%arg7 : memref<!tpu.dma_semaphore, #tpu.memory_space<semaphore_mem>>)
    %dma_start3A_555 = arith.constant 64 : i32
    %dma_start3A_556 = arith.constant 0 : i32
    %dma_start3A_557 = tpu.memref_slice %arg4[%dma_start3A_555, %dma_start3A_556] : memref<96x1024xf32, #tpu.memory_space<vmem>> -> memref<32x1024xf32, #tpu.memory_space<vmem>>
    %dma_start3A_558 = arith.constant 5120 : i32
    %dma_start3A_559 = tpu.memref_slice %arg3[%select_n3A, %add3A_478, %dma_start3A_558] : memref<4x2048x6144xf32, #tpu.memory_space<hbm>> -> memref<1x32x1024xf32, #tpu.memory_space<hbm>>
    %dma_start3A_560 = tpu.memref_squeeze %dma_start3A_559 : memref<1x32x1024xf32, #tpu.memory_space<hbm>> -> memref<32x1024xf32, #tpu.memory_space<hbm>>
    %dma_start3A_561 = arith.constant 5120 : i32
    %dma_start3A_562 = tpu.memref_slice %arg3[%select_n3A, %add3A_478, %dma_start3A_561] : memref<4x2048x6144xf32, #tpu.memory_space<hbm>> -> memref<1x32x1024xf32, #tpu.memory_space<hbm>>
    %dma_start3A_563 = tpu.memref_squeeze %dma_start3A_562 : memref<1x32x1024xf32, #tpu.memory_space<hbm>> -> memref<32x1024xf32, #tpu.memory_space<hbm>>
    %dma_start3A_564 = arith.constant 64 : i32
    %dma_start3A_565 = arith.constant 0 : i32
    %dma_start3A_566 = tpu.memref_slice %arg4[%dma_start3A_564, %dma_start3A_565] : memref<96x1024xf32, #tpu.memory_space<vmem>> -> memref<32x1024xf32, #tpu.memory_space<vmem>>
    tpu.enqueue_dma source(%dma_start3A_566 : memref<32x1024xf32, #tpu.memory_space<vmem>>) target(%dma_start3A_563 : memref<32x1024xf32, #tpu.memory_space<hbm>>) target_semaphore(%arg7 : memref<!tpu.dma_semaphore, #tpu.memory_space<semaphore_mem>>)
    %add3A_567 = arith.constant 128 : i32
    %add3A_568 = arith.addi %mul3A_32, %add3A_567 : i32
    %dma_wait3A_569 = arith.constant 56 : i32
    %dma_wait3A_570 = arith.constant 0 : i32
    %dma_wait3A_571 = tpu.memref_slice %arg4[%dma_wait3A_569, %dma_wait3A_570] : memref<96x1024xf32, #tpu.memory_space<vmem>> -> memref<32x1024xf32, #tpu.memory_space<vmem>>
    %dma_wait3A_572 = arith.constant 3072 : i32
    %dma_wait3A_573 = tpu.memref_slice %arg3[%select_n3A, %add3A_568, %dma_wait3A_572] : memref<4x2048x6144xf32, #tpu.memory_space<hbm>> -> memref<1x32x1024xf32, #tpu.memory_space<hbm>>
    %dma_wait3A_574 = tpu.memref_squeeze %dma_wait3A_573 : memref<1x32x1024xf32, #tpu.memory_space<hbm>> -> memref<32x1024xf32, #tpu.memory_space<hbm>>
    %dma_wait3A_575 = arith.constant 3072 : i32
    %dma_wait3A_576 = tpu.memref_slice %arg3[%select_n3A, %add3A_568, %dma_wait3A_575] : memref<4x2048x6144xf32, #tpu.memory_space<hbm>> -> memref<1x32x1024xf32, #tpu.memory_space<hbm>>
    %dma_wait3A_577 = tpu.memref_squeeze %dma_wait3A_576 : memref<1x32x1024xf32, #tpu.memory_space<hbm>> -> memref<32x1024xf32, #tpu.memory_space<hbm>>
    %dma_wait3A_578 = arith.constant 56 : i32
    %dma_wait3A_579 = arith.constant 0 : i32
    %dma_wait3A_580 = tpu.memref_slice %arg4[%dma_wait3A_578, %dma_wait3A_579] : memref<96x1024xf32, #tpu.memory_space<vmem>> -> memref<32x1024xf32, #tpu.memory_space<vmem>>
    tpu.wait_dma2 semaphore(%arg6 : memref<!tpu.dma_semaphore, #tpu.memory_space<semaphore_mem>>) src(%dma_wait3A_580 : memref<32x1024xf32, #tpu.memory_space<vmem>>) dst(%dma_wait3A_577 : memref<32x1024xf32, #tpu.memory_space<hbm>>)
    %dma_wait3A_581 = arith.constant 48 : i32
    %dma_wait3A_582 = arith.constant 0 : i32
    %dma_wait3A_583 = tpu.memref_slice %arg4[%dma_wait3A_581, %dma_wait3A_582] : memref<96x1024xf32, #tpu.memory_space<vmem>> -> memref<32x1024xf32, #tpu.memory_space<vmem>>
    %dma_wait3A_584 = arith.constant 4096 : i32
    %dma_wait3A_585 = tpu.memref_slice %arg3[%select_n3A, %add3A_568, %dma_wait3A_584] : memref<4x2048x6144xf32, #tpu.memory_space<hbm>> -> memref<1x32x1024xf32, #tpu.memory_space<hbm>>
    %dma_wait3A_586 = tpu.memref_squeeze %dma_wait3A_585 : memref<1x32x1024xf32, #tpu.memory_space<hbm>> -> memref<32x1024xf32, #tpu.memory_space<hbm>>
    %dma_wait3A_587 = arith.constant 4096 : i32
    %dma_wait3A_588 = tpu.memref_slice %arg3[%select_n3A, %add3A_568, %dma_wait3A_587] : memref<4x2048x6144xf32, #tpu.memory_space<hbm>> -> memref<1x32x1024xf32, #tpu.memory_space<hbm>>
    %dma_wait3A_589 = tpu.memref_squeeze %dma_wait3A_588 : memref<1x32x1024xf32, #tpu.memory_space<hbm>> -> memref<32x1024xf32, #tpu.memory_space<hbm>>
    %dma_wait3A_590 = arith.constant 48 : i32
    %dma_wait3A_591 = arith.constant 0 : i32
    %dma_wait3A_592 = tpu.memref_slice %arg4[%dma_wait3A_590, %dma_wait3A_591] : memref<96x1024xf32, #tpu.memory_space<vmem>> -> memref<32x1024xf32, #tpu.memory_space<vmem>>
    tpu.wait_dma2 semaphore(%arg6 : memref<!tpu.dma_semaphore, #tpu.memory_space<semaphore_mem>>) src(%dma_wait3A_592 : memref<32x1024xf32, #tpu.memory_space<vmem>>) dst(%dma_wait3A_589 : memref<32x1024xf32, #tpu.memory_space<hbm>>)
    %dma_wait3A_593 = arith.constant 32 : i32
    %dma_wait3A_594 = arith.constant 0 : i32
    %dma_wait3A_595 = tpu.memref_slice %arg4[%dma_wait3A_593, %dma_wait3A_594] : memref<96x1024xf32, #tpu.memory_space<vmem>> -> memref<32x1024xf32, #tpu.memory_space<vmem>>
    %dma_wait3A_596 = arith.constant 5120 : i32
    %dma_wait3A_597 = tpu.memref_slice %arg3[%select_n3A, %add3A_568, %dma_wait3A_596] : memref<4x2048x6144xf32, #tpu.memory_space<hbm>> -> memref<1x32x1024xf32, #tpu.memory_space<hbm>>
    %dma_wait3A_598 = tpu.memref_squeeze %dma_wait3A_597 : memref<1x32x1024xf32, #tpu.memory_space<hbm>> -> memref<32x1024xf32, #tpu.memory_space<hbm>>
    %dma_wait3A_599 = arith.constant 5120 : i32
    %dma_wait3A_600 = tpu.memref_slice %arg3[%select_n3A, %add3A_568, %dma_wait3A_599] : memref<4x2048x6144xf32, #tpu.memory_space<hbm>> -> memref<1x32x1024xf32, #tpu.memory_space<hbm>>
    %dma_wait3A_601 = tpu.memref_squeeze %dma_wait3A_600 : memref<1x32x1024xf32, #tpu.memory_space<hbm>> -> memref<32x1024xf32, #tpu.memory_space<hbm>>
    %dma_wait3A_602 = arith.constant 32 : i32
    %dma_wait3A_603 = arith.constant 0 : i32
    %dma_wait3A_604 = tpu.memref_slice %arg4[%dma_wait3A_602, %dma_wait3A_603] : memref<96x1024xf32, #tpu.memory_space<vmem>> -> memref<32x1024xf32, #tpu.memory_space<vmem>>
    tpu.wait_dma2 semaphore(%arg6 : memref<!tpu.dma_semaphore, #tpu.memory_space<semaphore_mem>>) src(%dma_wait3A_604 : memref<32x1024xf32, #tpu.memory_space<vmem>>) dst(%dma_wait3A_601 : memref<32x1024xf32, #tpu.memory_space<hbm>>)
    %add3A_605 = arith.constant 192 : i32
    %add3A_606 = arith.addi %mul3A_32, %add3A_605 : i32
    "tpu.region"() ({
      %run_scoped3A = tpu.sem_alloc : memref<!tpu.dma_semaphore, #tpu.memory_space<semaphore_mem>>
      %dma_start3A_851 = arith.constant 32 : i32
      %dma_start3A_852 = arith.constant 0 : i32
      %dma_start3A_853 = tpu.memref_slice %arg4[%dma_start3A_851, %dma_start3A_852] : memref<96x1024xf32, #tpu.memory_space<vmem>> -> memref<32x1024xf32, #tpu.memory_space<vmem>>
      %dma_start3A_854 = arith.constant 0 : i32
      %dma_start3A_855 = tpu.memref_slice %arg2[%select_n3A, %add3A_606, %dma_start3A_854] : memref<4x2048x1024xf32, #tpu.memory_space<hbm>> -> memref<1x32x1024xf32, #tpu.memory_space<hbm>>
      %dma_start3A_856 = tpu.memref_squeeze %dma_start3A_855 : memref<1x32x1024xf32, #tpu.memory_space<hbm>> -> memref<32x1024xf32, #tpu.memory_space<hbm>>
      %dma_start3A_857 = arith.constant 32 : i32
      %dma_start3A_858 = arith.constant 0 : i32
      %dma_start3A_859 = tpu.memref_slice %arg4[%dma_start3A_857, %dma_start3A_858] : memref<96x1024xf32, #tpu.memory_space<vmem>> -> memref<32x1024xf32, #tpu.memory_space<vmem>>
      %dma_start3A_860 = arith.constant 0 : i32
      %dma_start3A_861 = tpu.memref_slice %arg2[%select_n3A, %add3A_606, %dma_start3A_860] : memref<4x2048x1024xf32, #tpu.memory_space<hbm>> -> memref<1x32x1024xf32, #tpu.memory_space<hbm>>
      %dma_start3A_862 = tpu.memref_squeeze %dma_start3A_861 : memref<1x32x1024xf32, #tpu.memory_space<hbm>> -> memref<32x1024xf32, #tpu.memory_space<hbm>>
      tpu.enqueue_dma source(%dma_start3A_862 : memref<32x1024xf32, #tpu.memory_space<hbm>>) target(%dma_start3A_859 : memref<32x1024xf32, #tpu.memory_space<vmem>>) target_semaphore(%run_scoped3A : memref<!tpu.dma_semaphore, #tpu.memory_space<semaphore_mem>>)
      %dma_wait3A_863 = arith.constant 32 : i32
      %dma_wait3A_864 = arith.constant 0 : i32
      %dma_wait3A_865 = tpu.memref_slice %arg4[%dma_wait3A_863, %dma_wait3A_864] : memref<96x1024xf32, #tpu.memory_space<vmem>> -> memref<32x1024xf32, #tpu.memory_space<vmem>>
      %dma_wait3A_866 = arith.constant 0 : i32
      %dma_wait3A_867 = tpu.memref_slice %arg2[%select_n3A, %add3A_606, %dma_wait3A_866] : memref<4x2048x1024xf32, #tpu.memory_space<hbm>> -> memref<1x32x1024xf32, #tpu.memory_space<hbm>>
      %dma_wait3A_868 = tpu.memref_squeeze %dma_wait3A_867 : memref<1x32x1024xf32, #tpu.memory_space<hbm>> -> memref<32x1024xf32, #tpu.memory_space<hbm>>
      %dma_wait3A_869 = arith.constant 32 : i32
      %dma_wait3A_870 = arith.constant 0 : i32
      %dma_wait3A_871 = tpu.memref_slice %arg4[%dma_wait3A_869, %dma_wait3A_870] : memref<96x1024xf32, #tpu.memory_space<vmem>> -> memref<32x1024xf32, #tpu.memory_space<vmem>>
      %dma_wait3A_872 = arith.constant 0 : i32
      %dma_wait3A_873 = tpu.memref_slice %arg2[%select_n3A, %add3A_606, %dma_wait3A_872] : memref<4x2048x1024xf32, #tpu.memory_space<hbm>> -> memref<1x32x1024xf32, #tpu.memory_space<hbm>>
      %dma_wait3A_874 = tpu.memref_squeeze %dma_wait3A_873 : memref<1x32x1024xf32, #tpu.memory_space<hbm>> -> memref<32x1024xf32, #tpu.memory_space<hbm>>
      tpu.wait_dma2 semaphore(%run_scoped3A : memref<!tpu.dma_semaphore, #tpu.memory_space<semaphore_mem>>) src(%dma_wait3A_874 : memref<32x1024xf32, #tpu.memory_space<hbm>>) dst(%dma_wait3A_871 : memref<32x1024xf32, #tpu.memory_space<vmem>>)
      tpu.yield
    }) : () -> ()
    %add3A_607 = arith.constant 192 : i32
    %add3A_608 = arith.addi %mul3A_32, %add3A_607 : i32
    %dma_start3A_609 = arith.constant 24 : i32
    %dma_start3A_610 = arith.constant 0 : i32
    %dma_start3A_611 = tpu.memref_slice %arg4[%dma_start3A_609, %dma_start3A_610] : memref<96x1024xf32, #tpu.memory_space<vmem>> -> memref<32x1024xf32, #tpu.memory_space<vmem>>
    %dma_start3A_612 = arith.constant 3072 : i32
    %dma_start3A_613 = tpu.memref_slice %arg3[%select_n3A, %add3A_608, %dma_start3A_612] : memref<4x2048x6144xf32, #tpu.memory_space<hbm>> -> memref<1x32x1024xf32, #tpu.memory_space<hbm>>
    %dma_start3A_614 = tpu.memref_squeeze %dma_start3A_613 : memref<1x32x1024xf32, #tpu.memory_space<hbm>> -> memref<32x1024xf32, #tpu.memory_space<hbm>>
    %dma_start3A_615 = arith.constant 3072 : i32
    %dma_start3A_616 = tpu.memref_slice %arg3[%select_n3A, %add3A_608, %dma_start3A_615] : memref<4x2048x6144xf32, #tpu.memory_space<hbm>> -> memref<1x32x1024xf32, #tpu.memory_space<hbm>>
    %dma_start3A_617 = tpu.memref_squeeze %dma_start3A_616 : memref<1x32x1024xf32, #tpu.memory_space<hbm>> -> memref<32x1024xf32, #tpu.memory_space<hbm>>
    %dma_start3A_618 = arith.constant 24 : i32
    %dma_start3A_619 = arith.constant 0 : i32
    %dma_start3A_620 = tpu.memref_slice %arg4[%dma_start3A_618, %dma_start3A_619] : memref<96x1024xf32, #tpu.memory_space<vmem>> -> memref<32x1024xf32, #tpu.memory_space<vmem>>
    tpu.enqueue_dma source(%dma_start3A_620 : memref<32x1024xf32, #tpu.memory_space<vmem>>) target(%dma_start3A_617 : memref<32x1024xf32, #tpu.memory_space<hbm>>) target_semaphore(%arg5 : memref<!tpu.dma_semaphore, #tpu.memory_space<semaphore_mem>>)
    %dma_start3A_621 = arith.constant 16 : i32
    %dma_start3A_622 = arith.constant 0 : i32
    %dma_start3A_623 = tpu.memref_slice %arg4[%dma_start3A_621, %dma_start3A_622] : memref<96x1024xf32, #tpu.memory_space<vmem>> -> memref<32x1024xf32, #tpu.memory_space<vmem>>
    %dma_start3A_624 = arith.constant 4096 : i32
    %dma_start3A_625 = tpu.memref_slice %arg3[%select_n3A, %add3A_608, %dma_start3A_624] : memref<4x2048x6144xf32, #tpu.memory_space<hbm>> -> memref<1x32x1024xf32, #tpu.memory_space<hbm>>
    %dma_start3A_626 = tpu.memref_squeeze %dma_start3A_625 : memref<1x32x1024xf32, #tpu.memory_space<hbm>> -> memref<32x1024xf32, #tpu.memory_space<hbm>>
    %dma_start3A_627 = arith.constant 4096 : i32
    %dma_start3A_628 = tpu.memref_slice %arg3[%select_n3A, %add3A_608, %dma_start3A_627] : memref<4x2048x6144xf32, #tpu.memory_space<hbm>> -> memref<1x32x1024xf32, #tpu.memory_space<hbm>>
    %dma_start3A_629 = tpu.memref_squeeze %dma_start3A_628 : memref<1x32x1024xf32, #tpu.memory_space<hbm>> -> memref<32x1024xf32, #tpu.memory_space<hbm>>
    %dma_start3A_630 = arith.constant 16 : i32
    %dma_start3A_631 = arith.constant 0 : i32
    %dma_start3A_632 = tpu.memref_slice %arg4[%dma_start3A_630, %dma_start3A_631] : memref<96x1024xf32, #tpu.memory_space<vmem>> -> memref<32x1024xf32, #tpu.memory_space<vmem>>
    tpu.enqueue_dma source(%dma_start3A_632 : memref<32x1024xf32, #tpu.memory_space<vmem>>) target(%dma_start3A_629 : memref<32x1024xf32, #tpu.memory_space<hbm>>) target_semaphore(%arg5 : memref<!tpu.dma_semaphore, #tpu.memory_space<semaphore_mem>>)
    %dma_start3A_633 = arith.constant 0 : i32
    %dma_start3A_634 = arith.constant 0 : i32
    %dma_start3A_635 = tpu.memref_slice %arg4[%dma_start3A_633, %dma_start3A_634] : memref<96x1024xf32, #tpu.memory_space<vmem>> -> memref<32x1024xf32, #tpu.memory_space<vmem>>
    %dma_start3A_636 = arith.constant 5120 : i32
    %dma_start3A_637 = tpu.memref_slice %arg3[%select_n3A, %add3A_608, %dma_start3A_636] : memref<4x2048x6144xf32, #tpu.memory_space<hbm>> -> memref<1x32x1024xf32, #tpu.memory_space<hbm>>
    %dma_start3A_638 = tpu.memref_squeeze %dma_start3A_637 : memref<1x32x1024xf32, #tpu.memory_space<hbm>> -> memref<32x1024xf32, #tpu.memory_space<hbm>>
    %dma_start3A_639 = arith.constant 5120 : i32
    %dma_start3A_640 = tpu.memref_slice %arg3[%select_n3A, %add3A_608, %dma_start3A_639] : memref<4x2048x6144xf32, #tpu.memory_space<hbm>> -> memref<1x32x1024xf32, #tpu.memory_space<hbm>>
    %dma_start3A_641 = tpu.memref_squeeze %dma_start3A_640 : memref<1x32x1024xf32, #tpu.memory_space<hbm>> -> memref<32x1024xf32, #tpu.memory_space<hbm>>
    %dma_start3A_642 = arith.constant 0 : i32
    %dma_start3A_643 = arith.constant 0 : i32
    %dma_start3A_644 = tpu.memref_slice %arg4[%dma_start3A_642, %dma_start3A_643] : memref<96x1024xf32, #tpu.memory_space<vmem>> -> memref<32x1024xf32, #tpu.memory_space<vmem>>
    tpu.enqueue_dma source(%dma_start3A_644 : memref<32x1024xf32, #tpu.memory_space<vmem>>) target(%dma_start3A_641 : memref<32x1024xf32, #tpu.memory_space<hbm>>) target_semaphore(%arg5 : memref<!tpu.dma_semaphore, #tpu.memory_space<semaphore_mem>>)
    %add3A_645 = arith.constant 160 : i32
    %add3A_646 = arith.addi %mul3A_32, %add3A_645 : i32
    %dma_wait3A_647 = arith.constant 64 : i32
    %dma_wait3A_648 = arith.constant 0 : i32
    %dma_wait3A_649 = tpu.memref_slice %arg4[%dma_wait3A_647, %dma_wait3A_648] : memref<96x1024xf32, #tpu.memory_space<vmem>> -> memref<32x1024xf32, #tpu.memory_space<vmem>>
    %dma_wait3A_650 = arith.constant 24 : i32
    %dma_wait3A_651 = arith.constant 0 : i32
    %dma_wait3A_652 = tpu.memref_slice %dma_wait3A_649[%dma_wait3A_650, %dma_wait3A_651] : memref<32x1024xf32, #tpu.memory_space<vmem>> -> memref<8x1024xf32, #tpu.memory_space<vmem>>
    %dma_wait3A_653 = arith.constant 3072 : i32
    %dma_wait3A_654 = tpu.memref_slice %arg3[%select_n3A, %add3A_646, %dma_wait3A_653] : memref<4x2048x6144xf32, #tpu.memory_space<hbm>> -> memref<1x8x1024xf32, #tpu.memory_space<hbm>>
    %dma_wait3A_655 = tpu.memref_squeeze %dma_wait3A_654 : memref<1x8x1024xf32, #tpu.memory_space<hbm>> -> memref<8x1024xf32, #tpu.memory_space<hbm>>
    %dma_wait3A_656 = arith.constant 3072 : i32
    %dma_wait3A_657 = tpu.memref_slice %arg3[%select_n3A, %add3A_646, %dma_wait3A_656] : memref<4x2048x6144xf32, #tpu.memory_space<hbm>> -> memref<1x8x1024xf32, #tpu.memory_space<hbm>>
    %dma_wait3A_658 = tpu.memref_squeeze %dma_wait3A_657 : memref<1x8x1024xf32, #tpu.memory_space<hbm>> -> memref<8x1024xf32, #tpu.memory_space<hbm>>
    %dma_wait3A_659 = arith.constant 64 : i32
    %dma_wait3A_660 = arith.constant 0 : i32
    %dma_wait3A_661 = tpu.memref_slice %arg4[%dma_wait3A_659, %dma_wait3A_660] : memref<96x1024xf32, #tpu.memory_space<vmem>> -> memref<32x1024xf32, #tpu.memory_space<vmem>>
    %dma_wait3A_662 = arith.constant 24 : i32
    %dma_wait3A_663 = arith.constant 0 : i32
    %dma_wait3A_664 = tpu.memref_slice %dma_wait3A_661[%dma_wait3A_662, %dma_wait3A_663] : memref<32x1024xf32, #tpu.memory_space<vmem>> -> memref<8x1024xf32, #tpu.memory_space<vmem>>
    tpu.wait_dma2 semaphore(%arg7 : memref<!tpu.dma_semaphore, #tpu.memory_space<semaphore_mem>>) src(%dma_wait3A_664 : memref<8x1024xf32, #tpu.memory_space<vmem>>) dst(%dma_wait3A_658 : memref<8x1024xf32, #tpu.memory_space<hbm>>)
    %add3A_665 = arith.constant 8 : i32
    %add3A_666 = arith.addi %add3A_646, %add3A_665 : i32
    %dma_wait3A_667 = arith.constant 0 : i32
    %dma_wait3A_668 = arith.constant 0 : i32
    %dma_wait3A_669 = tpu.memref_slice %arg4[%dma_wait3A_667, %dma_wait3A_668] : memref<96x1024xf32, #tpu.memory_space<vmem>> -> memref<32x1024xf32, #tpu.memory_space<vmem>>
    %dma_wait3A_670 = arith.constant 0 : i32
    %dma_wait3A_671 = arith.constant 0 : i32
    %dma_wait3A_672 = tpu.memref_slice %dma_wait3A_669[%dma_wait3A_670, %dma_wait3A_671] : memref<32x1024xf32, #tpu.memory_space<vmem>> -> memref<24x1024xf32, #tpu.memory_space<vmem>>
    %dma_wait3A_673 = arith.constant 3072 : i32
    %dma_wait3A_674 = tpu.memref_slice %arg3[%select_n3A, %add3A_666, %dma_wait3A_673] : memref<4x2048x6144xf32, #tpu.memory_space<hbm>> -> memref<1x24x1024xf32, #tpu.memory_space<hbm>>
    %dma_wait3A_675 = tpu.memref_squeeze %dma_wait3A_674 : memref<1x24x1024xf32, #tpu.memory_space<hbm>> -> memref<24x1024xf32, #tpu.memory_space<hbm>>
    %dma_wait3A_676 = arith.constant 3072 : i32
    %dma_wait3A_677 = tpu.memref_slice %arg3[%select_n3A, %add3A_666, %dma_wait3A_676] : memref<4x2048x6144xf32, #tpu.memory_space<hbm>> -> memref<1x24x1024xf32, #tpu.memory_space<hbm>>
    %dma_wait3A_678 = tpu.memref_squeeze %dma_wait3A_677 : memref<1x24x1024xf32, #tpu.memory_space<hbm>> -> memref<24x1024xf32, #tpu.memory_space<hbm>>
    %dma_wait3A_679 = arith.constant 0 : i32
    %dma_wait3A_680 = arith.constant 0 : i32
    %dma_wait3A_681 = tpu.memref_slice %arg4[%dma_wait3A_679, %dma_wait3A_680] : memref<96x1024xf32, #tpu.memory_space<vmem>> -> memref<32x1024xf32, #tpu.memory_space<vmem>>
    %dma_wait3A_682 = arith.constant 0 : i32
    %dma_wait3A_683 = arith.constant 0 : i32
    %dma_wait3A_684 = tpu.memref_slice %dma_wait3A_681[%dma_wait3A_682, %dma_wait3A_683] : memref<32x1024xf32, #tpu.memory_space<vmem>> -> memref<24x1024xf32, #tpu.memory_space<vmem>>
    tpu.wait_dma2 semaphore(%arg7 : memref<!tpu.dma_semaphore, #tpu.memory_space<semaphore_mem>>) src(%dma_wait3A_684 : memref<24x1024xf32, #tpu.memory_space<vmem>>) dst(%dma_wait3A_678 : memref<24x1024xf32, #tpu.memory_space<hbm>>)
    %dma_wait3A_685 = arith.constant 64 : i32
    %dma_wait3A_686 = arith.constant 0 : i32
    %dma_wait3A_687 = tpu.memref_slice %arg4[%dma_wait3A_685, %dma_wait3A_686] : memref<96x1024xf32, #tpu.memory_space<vmem>> -> memref<32x1024xf32, #tpu.memory_space<vmem>>
    %dma_wait3A_688 = arith.constant 16 : i32
    %dma_wait3A_689 = arith.constant 0 : i32
    %dma_wait3A_690 = tpu.memref_slice %dma_wait3A_687[%dma_wait3A_688, %dma_wait3A_689] : memref<32x1024xf32, #tpu.memory_space<vmem>> -> memref<16x1024xf32, #tpu.memory_space<vmem>>
    %dma_wait3A_691 = arith.constant 4096 : i32
    %dma_wait3A_692 = tpu.memref_slice %arg3[%select_n3A, %add3A_646, %dma_wait3A_691] : memref<4x2048x6144xf32, #tpu.memory_space<hbm>> -> memref<1x16x1024xf32, #tpu.memory_space<hbm>>
    %dma_wait3A_693 = tpu.memref_squeeze %dma_wait3A_692 : memref<1x16x1024xf32, #tpu.memory_space<hbm>> -> memref<16x1024xf32, #tpu.memory_space<hbm>>
    %dma_wait3A_694 = arith.constant 4096 : i32
    %dma_wait3A_695 = tpu.memref_slice %arg3[%select_n3A, %add3A_646, %dma_wait3A_694] : memref<4x2048x6144xf32, #tpu.memory_space<hbm>> -> memref<1x16x1024xf32, #tpu.memory_space<hbm>>
    %dma_wait3A_696 = tpu.memref_squeeze %dma_wait3A_695 : memref<1x16x1024xf32, #tpu.memory_space<hbm>> -> memref<16x1024xf32, #tpu.memory_space<hbm>>
    %dma_wait3A_697 = arith.constant 64 : i32
    %dma_wait3A_698 = arith.constant 0 : i32
    %dma_wait3A_699 = tpu.memref_slice %arg4[%dma_wait3A_697, %dma_wait3A_698] : memref<96x1024xf32, #tpu.memory_space<vmem>> -> memref<32x1024xf32, #tpu.memory_space<vmem>>
    %dma_wait3A_700 = arith.constant 16 : i32
    %dma_wait3A_701 = arith.constant 0 : i32
    %dma_wait3A_702 = tpu.memref_slice %dma_wait3A_699[%dma_wait3A_700, %dma_wait3A_701] : memref<32x1024xf32, #tpu.memory_space<vmem>> -> memref<16x1024xf32, #tpu.memory_space<vmem>>
    tpu.wait_dma2 semaphore(%arg7 : memref<!tpu.dma_semaphore, #tpu.memory_space<semaphore_mem>>) src(%dma_wait3A_702 : memref<16x1024xf32, #tpu.memory_space<vmem>>) dst(%dma_wait3A_696 : memref<16x1024xf32, #tpu.memory_space<hbm>>)
    %add3A_703 = arith.constant 16 : i32
    %add3A_704 = arith.addi %add3A_646, %add3A_703 : i32
    %dma_wait3A_705 = arith.constant 0 : i32
    %dma_wait3A_706 = arith.constant 0 : i32
    %dma_wait3A_707 = tpu.memref_slice %arg4[%dma_wait3A_705, %dma_wait3A_706] : memref<96x1024xf32, #tpu.memory_space<vmem>> -> memref<32x1024xf32, #tpu.memory_space<vmem>>
    %dma_wait3A_708 = arith.constant 0 : i32
    %dma_wait3A_709 = arith.constant 0 : i32
    %dma_wait3A_710 = tpu.memref_slice %dma_wait3A_707[%dma_wait3A_708, %dma_wait3A_709] : memref<32x1024xf32, #tpu.memory_space<vmem>> -> memref<16x1024xf32, #tpu.memory_space<vmem>>
    %dma_wait3A_711 = arith.constant 4096 : i32
    %dma_wait3A_712 = tpu.memref_slice %arg3[%select_n3A, %add3A_704, %dma_wait3A_711] : memref<4x2048x6144xf32, #tpu.memory_space<hbm>> -> memref<1x16x1024xf32, #tpu.memory_space<hbm>>
    %dma_wait3A_713 = tpu.memref_squeeze %dma_wait3A_712 : memref<1x16x1024xf32, #tpu.memory_space<hbm>> -> memref<16x1024xf32, #tpu.memory_space<hbm>>
    %dma_wait3A_714 = arith.constant 4096 : i32
    %dma_wait3A_715 = tpu.memref_slice %arg3[%select_n3A, %add3A_704, %dma_wait3A_714] : memref<4x2048x6144xf32, #tpu.memory_space<hbm>> -> memref<1x16x1024xf32, #tpu.memory_space<hbm>>
    %dma_wait3A_716 = tpu.memref_squeeze %dma_wait3A_715 : memref<1x16x1024xf32, #tpu.memory_space<hbm>> -> memref<16x1024xf32, #tpu.memory_space<hbm>>
    %dma_wait3A_717 = arith.constant 0 : i32
    %dma_wait3A_718 = arith.constant 0 : i32
    %dma_wait3A_719 = tpu.memref_slice %arg4[%dma_wait3A_717, %dma_wait3A_718] : memref<96x1024xf32, #tpu.memory_space<vmem>> -> memref<32x1024xf32, #tpu.memory_space<vmem>>
    %dma_wait3A_720 = arith.constant 0 : i32
    %dma_wait3A_721 = arith.constant 0 : i32
    %dma_wait3A_722 = tpu.memref_slice %dma_wait3A_719[%dma_wait3A_720, %dma_wait3A_721] : memref<32x1024xf32, #tpu.memory_space<vmem>> -> memref<16x1024xf32, #tpu.memory_space<vmem>>
    tpu.wait_dma2 semaphore(%arg7 : memref<!tpu.dma_semaphore, #tpu.memory_space<semaphore_mem>>) src(%dma_wait3A_722 : memref<16x1024xf32, #tpu.memory_space<vmem>>) dst(%dma_wait3A_716 : memref<16x1024xf32, #tpu.memory_space<hbm>>)
    %dma_wait3A_723 = arith.constant 64 : i32
    %dma_wait3A_724 = arith.constant 0 : i32
    %dma_wait3A_725 = tpu.memref_slice %arg4[%dma_wait3A_723, %dma_wait3A_724] : memref<96x1024xf32, #tpu.memory_space<vmem>> -> memref<32x1024xf32, #tpu.memory_space<vmem>>
    %dma_wait3A_726 = arith.constant 5120 : i32
    %dma_wait3A_727 = tpu.memref_slice %arg3[%select_n3A, %add3A_646, %dma_wait3A_726] : memref<4x2048x6144xf32, #tpu.memory_space<hbm>> -> memref<1x32x1024xf32, #tpu.memory_space<hbm>>
    %dma_wait3A_728 = tpu.memref_squeeze %dma_wait3A_727 : memref<1x32x1024xf32, #tpu.memory_space<hbm>> -> memref<32x1024xf32, #tpu.memory_space<hbm>>
    %dma_wait3A_729 = arith.constant 5120 : i32
    %dma_wait3A_730 = tpu.memref_slice %arg3[%select_n3A, %add3A_646, %dma_wait3A_729] : memref<4x2048x6144xf32, #tpu.memory_space<hbm>> -> memref<1x32x1024xf32, #tpu.memory_space<hbm>>
    %dma_wait3A_731 = tpu.memref_squeeze %dma_wait3A_730 : memref<1x32x1024xf32, #tpu.memory_space<hbm>> -> memref<32x1024xf32, #tpu.memory_space<hbm>>
    %dma_wait3A_732 = arith.constant 64 : i32
    %dma_wait3A_733 = arith.constant 0 : i32
    %dma_wait3A_734 = tpu.memref_slice %arg4[%dma_wait3A_732, %dma_wait3A_733] : memref<96x1024xf32, #tpu.memory_space<vmem>> -> memref<32x1024xf32, #tpu.memory_space<vmem>>
    tpu.wait_dma2 semaphore(%arg7 : memref<!tpu.dma_semaphore, #tpu.memory_space<semaphore_mem>>) src(%dma_wait3A_734 : memref<32x1024xf32, #tpu.memory_space<vmem>>) dst(%dma_wait3A_731 : memref<32x1024xf32, #tpu.memory_space<hbm>>)
    %add3A_735 = arith.constant 224 : i32
    %add3A_736 = arith.addi %mul3A_32, %add3A_735 : i32
    "tpu.region"() ({
      %run_scoped3A = tpu.sem_alloc : memref<!tpu.dma_semaphore, #tpu.memory_space<semaphore_mem>>
      %dma_start3A_851 = arith.constant 64 : i32
      %dma_start3A_852 = arith.constant 0 : i32
      %dma_start3A_853 = tpu.memref_slice %arg4[%dma_start3A_851, %dma_start3A_852] : memref<96x1024xf32, #tpu.memory_space<vmem>> -> memref<32x1024xf32, #tpu.memory_space<vmem>>
      %dma_start3A_854 = arith.constant 0 : i32
      %dma_start3A_855 = tpu.memref_slice %arg2[%select_n3A, %add3A_736, %dma_start3A_854] : memref<4x2048x1024xf32, #tpu.memory_space<hbm>> -> memref<1x32x1024xf32, #tpu.memory_space<hbm>>
      %dma_start3A_856 = tpu.memref_squeeze %dma_start3A_855 : memref<1x32x1024xf32, #tpu.memory_space<hbm>> -> memref<32x1024xf32, #tpu.memory_space<hbm>>
      %dma_start3A_857 = arith.constant 64 : i32
      %dma_start3A_858 = arith.constant 0 : i32
      %dma_start3A_859 = tpu.memref_slice %arg4[%dma_start3A_857, %dma_start3A_858] : memref<96x1024xf32, #tpu.memory_space<vmem>> -> memref<32x1024xf32, #tpu.memory_space<vmem>>
      %dma_start3A_860 = arith.constant 0 : i32
      %dma_start3A_861 = tpu.memref_slice %arg2[%select_n3A, %add3A_736, %dma_start3A_860] : memref<4x2048x1024xf32, #tpu.memory_space<hbm>> -> memref<1x32x1024xf32, #tpu.memory_space<hbm>>
      %dma_start3A_862 = tpu.memref_squeeze %dma_start3A_861 : memref<1x32x1024xf32, #tpu.memory_space<hbm>> -> memref<32x1024xf32, #tpu.memory_space<hbm>>
      tpu.enqueue_dma source(%dma_start3A_862 : memref<32x1024xf32, #tpu.memory_space<hbm>>) target(%dma_start3A_859 : memref<32x1024xf32, #tpu.memory_space<vmem>>) target_semaphore(%run_scoped3A : memref<!tpu.dma_semaphore, #tpu.memory_space<semaphore_mem>>)
      %dma_wait3A_863 = arith.constant 64 : i32
      %dma_wait3A_864 = arith.constant 0 : i32
      %dma_wait3A_865 = tpu.memref_slice %arg4[%dma_wait3A_863, %dma_wait3A_864] : memref<96x1024xf32, #tpu.memory_space<vmem>> -> memref<32x1024xf32, #tpu.memory_space<vmem>>
      %dma_wait3A_866 = arith.constant 0 : i32
      %dma_wait3A_867 = tpu.memref_slice %arg2[%select_n3A, %add3A_736, %dma_wait3A_866] : memref<4x2048x1024xf32, #tpu.memory_space<hbm>> -> memref<1x32x1024xf32, #tpu.memory_space<hbm>>
      %dma_wait3A_868 = tpu.memref_squeeze %dma_wait3A_867 : memref<1x32x1024xf32, #tpu.memory_space<hbm>> -> memref<32x1024xf32, #tpu.memory_space<hbm>>
      %dma_wait3A_869 = arith.constant 64 : i32
      %dma_wait3A_870 = arith.constant 0 : i32
      %dma_wait3A_871 = tpu.memref_slice %arg4[%dma_wait3A_869, %dma_wait3A_870] : memref<96x1024xf32, #tpu.memory_space<vmem>> -> memref<32x1024xf32, #tpu.memory_space<vmem>>
      %dma_wait3A_872 = arith.constant 0 : i32
      %dma_wait3A_873 = tpu.memref_slice %arg2[%select_n3A, %add3A_736, %dma_wait3A_872] : memref<4x2048x1024xf32, #tpu.memory_space<hbm>> -> memref<1x32x1024xf32, #tpu.memory_space<hbm>>
      %dma_wait3A_874 = tpu.memref_squeeze %dma_wait3A_873 : memref<1x32x1024xf32, #tpu.memory_space<hbm>> -> memref<32x1024xf32, #tpu.memory_space<hbm>>
      tpu.wait_dma2 semaphore(%run_scoped3A : memref<!tpu.dma_semaphore, #tpu.memory_space<semaphore_mem>>) src(%dma_wait3A_874 : memref<32x1024xf32, #tpu.memory_space<hbm>>) dst(%dma_wait3A_871 : memref<32x1024xf32, #tpu.memory_space<vmem>>)
      tpu.yield
    }) : () -> ()
    %add3A_737 = arith.constant 224 : i32
    %add3A_738 = arith.addi %mul3A_32, %add3A_737 : i32
    %dma_start3A_739 = arith.constant 56 : i32
    %dma_start3A_740 = arith.constant 0 : i32
    %dma_start3A_741 = tpu.memref_slice %arg4[%dma_start3A_739, %dma_start3A_740] : memref<96x1024xf32, #tpu.memory_space<vmem>> -> memref<32x1024xf32, #tpu.memory_space<vmem>>
    %dma_start3A_742 = arith.constant 3072 : i32
    %dma_start3A_743 = tpu.memref_slice %arg3[%select_n3A, %add3A_738, %dma_start3A_742] : memref<4x2048x6144xf32, #tpu.memory_space<hbm>> -> memref<1x32x1024xf32, #tpu.memory_space<hbm>>
    %dma_start3A_744 = tpu.memref_squeeze %dma_start3A_743 : memref<1x32x1024xf32, #tpu.memory_space<hbm>> -> memref<32x1024xf32, #tpu.memory_space<hbm>>
    %dma_start3A_745 = arith.constant 3072 : i32
    %dma_start3A_746 = tpu.memref_slice %arg3[%select_n3A, %add3A_738, %dma_start3A_745] : memref<4x2048x6144xf32, #tpu.memory_space<hbm>> -> memref<1x32x1024xf32, #tpu.memory_space<hbm>>
    %dma_start3A_747 = tpu.memref_squeeze %dma_start3A_746 : memref<1x32x1024xf32, #tpu.memory_space<hbm>> -> memref<32x1024xf32, #tpu.memory_space<hbm>>
    %dma_start3A_748 = arith.constant 56 : i32
    %dma_start3A_749 = arith.constant 0 : i32
    %dma_start3A_750 = tpu.memref_slice %arg4[%dma_start3A_748, %dma_start3A_749] : memref<96x1024xf32, #tpu.memory_space<vmem>> -> memref<32x1024xf32, #tpu.memory_space<vmem>>
    tpu.enqueue_dma source(%dma_start3A_750 : memref<32x1024xf32, #tpu.memory_space<vmem>>) target(%dma_start3A_747 : memref<32x1024xf32, #tpu.memory_space<hbm>>) target_semaphore(%arg6 : memref<!tpu.dma_semaphore, #tpu.memory_space<semaphore_mem>>)
    %dma_start3A_751 = arith.constant 48 : i32
    %dma_start3A_752 = arith.constant 0 : i32
    %dma_start3A_753 = tpu.memref_slice %arg4[%dma_start3A_751, %dma_start3A_752] : memref<96x1024xf32, #tpu.memory_space<vmem>> -> memref<32x1024xf32, #tpu.memory_space<vmem>>
    %dma_start3A_754 = arith.constant 4096 : i32
    %dma_start3A_755 = tpu.memref_slice %arg3[%select_n3A, %add3A_738, %dma_start3A_754] : memref<4x2048x6144xf32, #tpu.memory_space<hbm>> -> memref<1x32x1024xf32, #tpu.memory_space<hbm>>
    %dma_start3A_756 = tpu.memref_squeeze %dma_start3A_755 : memref<1x32x1024xf32, #tpu.memory_space<hbm>> -> memref<32x1024xf32, #tpu.memory_space<hbm>>
    %dma_start3A_757 = arith.constant 4096 : i32
    %dma_start3A_758 = tpu.memref_slice %arg3[%select_n3A, %add3A_738, %dma_start3A_757] : memref<4x2048x6144xf32, #tpu.memory_space<hbm>> -> memref<1x32x1024xf32, #tpu.memory_space<hbm>>
    %dma_start3A_759 = tpu.memref_squeeze %dma_start3A_758 : memref<1x32x1024xf32, #tpu.memory_space<hbm>> -> memref<32x1024xf32, #tpu.memory_space<hbm>>
    %dma_start3A_760 = arith.constant 48 : i32
    %dma_start3A_761 = arith.constant 0 : i32
    %dma_start3A_762 = tpu.memref_slice %arg4[%dma_start3A_760, %dma_start3A_761] : memref<96x1024xf32, #tpu.memory_space<vmem>> -> memref<32x1024xf32, #tpu.memory_space<vmem>>
    tpu.enqueue_dma source(%dma_start3A_762 : memref<32x1024xf32, #tpu.memory_space<vmem>>) target(%dma_start3A_759 : memref<32x1024xf32, #tpu.memory_space<hbm>>) target_semaphore(%arg6 : memref<!tpu.dma_semaphore, #tpu.memory_space<semaphore_mem>>)
    %dma_start3A_763 = arith.constant 32 : i32
    %dma_start3A_764 = arith.constant 0 : i32
    %dma_start3A_765 = tpu.memref_slice %arg4[%dma_start3A_763, %dma_start3A_764] : memref<96x1024xf32, #tpu.memory_space<vmem>> -> memref<32x1024xf32, #tpu.memory_space<vmem>>
    %dma_start3A_766 = arith.constant 5120 : i32
    %dma_start3A_767 = tpu.memref_slice %arg3[%select_n3A, %add3A_738, %dma_start3A_766] : memref<4x2048x6144xf32, #tpu.memory_space<hbm>> -> memref<1x32x1024xf32, #tpu.memory_space<hbm>>
    %dma_start3A_768 = tpu.memref_squeeze %dma_start3A_767 : memref<1x32x1024xf32, #tpu.memory_space<hbm>> -> memref<32x1024xf32, #tpu.memory_space<hbm>>
    %dma_start3A_769 = arith.constant 5120 : i32
    %dma_start3A_770 = tpu.memref_slice %arg3[%select_n3A, %add3A_738, %dma_start3A_769] : memref<4x2048x6144xf32, #tpu.memory_space<hbm>> -> memref<1x32x1024xf32, #tpu.memory_space<hbm>>
    %dma_start3A_771 = tpu.memref_squeeze %dma_start3A_770 : memref<1x32x1024xf32, #tpu.memory_space<hbm>> -> memref<32x1024xf32, #tpu.memory_space<hbm>>
    %dma_start3A_772 = arith.constant 32 : i32
    %dma_start3A_773 = arith.constant 0 : i32
    %dma_start3A_774 = tpu.memref_slice %arg4[%dma_start3A_772, %dma_start3A_773] : memref<96x1024xf32, #tpu.memory_space<vmem>> -> memref<32x1024xf32, #tpu.memory_space<vmem>>
    tpu.enqueue_dma source(%dma_start3A_774 : memref<32x1024xf32, #tpu.memory_space<vmem>>) target(%dma_start3A_771 : memref<32x1024xf32, #tpu.memory_space<hbm>>) target_semaphore(%arg6 : memref<!tpu.dma_semaphore, #tpu.memory_space<semaphore_mem>>)
    %add3A_775 = arith.constant 192 : i32
    %add3A_776 = arith.addi %mul3A_32, %add3A_775 : i32
    %dma_wait3A_777 = arith.constant 24 : i32
    %dma_wait3A_778 = arith.constant 0 : i32
    %dma_wait3A_779 = tpu.memref_slice %arg4[%dma_wait3A_777, %dma_wait3A_778] : memref<96x1024xf32, #tpu.memory_space<vmem>> -> memref<32x1024xf32, #tpu.memory_space<vmem>>
    %dma_wait3A_780 = arith.constant 3072 : i32
    %dma_wait3A_781 = tpu.memref_slice %arg3[%select_n3A, %add3A_776, %dma_wait3A_780] : memref<4x2048x6144xf32, #tpu.memory_space<hbm>> -> memref<1x32x1024xf32, #tpu.memory_space<hbm>>
    %dma_wait3A_782 = tpu.memref_squeeze %dma_wait3A_781 : memref<1x32x1024xf32, #tpu.memory_space<hbm>> -> memref<32x1024xf32, #tpu.memory_space<hbm>>
    %dma_wait3A_783 = arith.constant 3072 : i32
    %dma_wait3A_784 = tpu.memref_slice %arg3[%select_n3A, %add3A_776, %dma_wait3A_783] : memref<4x2048x6144xf32, #tpu.memory_space<hbm>> -> memref<1x32x1024xf32, #tpu.memory_space<hbm>>
    %dma_wait3A_785 = tpu.memref_squeeze %dma_wait3A_784 : memref<1x32x1024xf32, #tpu.memory_space<hbm>> -> memref<32x1024xf32, #tpu.memory_space<hbm>>
    %dma_wait3A_786 = arith.constant 24 : i32
    %dma_wait3A_787 = arith.constant 0 : i32
    %dma_wait3A_788 = tpu.memref_slice %arg4[%dma_wait3A_786, %dma_wait3A_787] : memref<96x1024xf32, #tpu.memory_space<vmem>> -> memref<32x1024xf32, #tpu.memory_space<vmem>>
    tpu.wait_dma2 semaphore(%arg5 : memref<!tpu.dma_semaphore, #tpu.memory_space<semaphore_mem>>) src(%dma_wait3A_788 : memref<32x1024xf32, #tpu.memory_space<vmem>>) dst(%dma_wait3A_785 : memref<32x1024xf32, #tpu.memory_space<hbm>>)
    %dma_wait3A_789 = arith.constant 16 : i32
    %dma_wait3A_790 = arith.constant 0 : i32
    %dma_wait3A_791 = tpu.memref_slice %arg4[%dma_wait3A_789, %dma_wait3A_790] : memref<96x1024xf32, #tpu.memory_space<vmem>> -> memref<32x1024xf32, #tpu.memory_space<vmem>>
    %dma_wait3A_792 = arith.constant 4096 : i32
    %dma_wait3A_793 = tpu.memref_slice %arg3[%select_n3A, %add3A_776, %dma_wait3A_792] : memref<4x2048x6144xf32, #tpu.memory_space<hbm>> -> memref<1x32x1024xf32, #tpu.memory_space<hbm>>
    %dma_wait3A_794 = tpu.memref_squeeze %dma_wait3A_793 : memref<1x32x1024xf32, #tpu.memory_space<hbm>> -> memref<32x1024xf32, #tpu.memory_space<hbm>>
    %dma_wait3A_795 = arith.constant 4096 : i32
    %dma_wait3A_796 = tpu.memref_slice %arg3[%select_n3A, %add3A_776, %dma_wait3A_795] : memref<4x2048x6144xf32, #tpu.memory_space<hbm>> -> memref<1x32x1024xf32, #tpu.memory_space<hbm>>
    %dma_wait3A_797 = tpu.memref_squeeze %dma_wait3A_796 : memref<1x32x1024xf32, #tpu.memory_space<hbm>> -> memref<32x1024xf32, #tpu.memory_space<hbm>>
    %dma_wait3A_798 = arith.constant 16 : i32
    %dma_wait3A_799 = arith.constant 0 : i32
    %dma_wait3A_800 = tpu.memref_slice %arg4[%dma_wait3A_798, %dma_wait3A_799] : memref<96x1024xf32, #tpu.memory_space<vmem>> -> memref<32x1024xf32, #tpu.memory_space<vmem>>
    tpu.wait_dma2 semaphore(%arg5 : memref<!tpu.dma_semaphore, #tpu.memory_space<semaphore_mem>>) src(%dma_wait3A_800 : memref<32x1024xf32, #tpu.memory_space<vmem>>) dst(%dma_wait3A_797 : memref<32x1024xf32, #tpu.memory_space<hbm>>)
    %dma_wait3A_801 = arith.constant 0 : i32
    %dma_wait3A_802 = arith.constant 0 : i32
    %dma_wait3A_803 = tpu.memref_slice %arg4[%dma_wait3A_801, %dma_wait3A_802] : memref<96x1024xf32, #tpu.memory_space<vmem>> -> memref<32x1024xf32, #tpu.memory_space<vmem>>
    %dma_wait3A_804 = arith.constant 5120 : i32
    %dma_wait3A_805 = tpu.memref_slice %arg3[%select_n3A, %add3A_776, %dma_wait3A_804] : memref<4x2048x6144xf32, #tpu.memory_space<hbm>> -> memref<1x32x1024xf32, #tpu.memory_space<hbm>>
    %dma_wait3A_806 = tpu.memref_squeeze %dma_wait3A_805 : memref<1x32x1024xf32, #tpu.memory_space<hbm>> -> memref<32x1024xf32, #tpu.memory_space<hbm>>
    %dma_wait3A_807 = arith.constant 5120 : i32
    %dma_wait3A_808 = tpu.memref_slice %arg3[%select_n3A, %add3A_776, %dma_wait3A_807] : memref<4x2048x6144xf32, #tpu.memory_space<hbm>> -> memref<1x32x1024xf32, #tpu.memory_space<hbm>>
    %dma_wait3A_809 = tpu.memref_squeeze %dma_wait3A_808 : memref<1x32x1024xf32, #tpu.memory_space<hbm>> -> memref<32x1024xf32, #tpu.memory_space<hbm>>
    %dma_wait3A_810 = arith.constant 0 : i32
    %dma_wait3A_811 = arith.constant 0 : i32
    %dma_wait3A_812 = tpu.memref_slice %arg4[%dma_wait3A_810, %dma_wait3A_811] : memref<96x1024xf32, #tpu.memory_space<vmem>> -> memref<32x1024xf32, #tpu.memory_space<vmem>>
    tpu.wait_dma2 semaphore(%arg5 : memref<!tpu.dma_semaphore, #tpu.memory_space<semaphore_mem>>) src(%dma_wait3A_812 : memref<32x1024xf32, #tpu.memory_space<vmem>>) dst(%dma_wait3A_809 : memref<32x1024xf32, #tpu.memory_space<hbm>>)
    %add3A_813 = arith.constant 224 : i32
    %add3A_814 = arith.addi %mul3A_32, %add3A_813 : i32
    %dma_wait3A_815 = arith.constant 56 : i32
    %dma_wait3A_816 = arith.constant 0 : i32
    %dma_wait3A_817 = tpu.memref_slice %arg4[%dma_wait3A_815, %dma_wait3A_816] : memref<96x1024xf32, #tpu.memory_space<vmem>> -> memref<32x1024xf32, #tpu.memory_space<vmem>>
    %dma_wait3A_818 = arith.constant 3072 : i32
    %dma_wait3A_819 = tpu.memref_slice %arg3[%select_n3A, %add3A_814, %dma_wait3A_818] : memref<4x2048x6144xf32, #tpu.memory_space<hbm>> -> memref<1x32x1024xf32, #tpu.memory_space<hbm>>
    %dma_wait3A_820 = tpu.memref_squeeze %dma_wait3A_819 : memref<1x32x1024xf32, #tpu.memory_space<hbm>> -> memref<32x1024xf32, #tpu.memory_space<hbm>>
    %dma_wait3A_821 = arith.constant 3072 : i32
    %dma_wait3A_822 = tpu.memref_slice %arg3[%select_n3A, %add3A_814, %dma_wait3A_821] : memref<4x2048x6144xf32, #tpu.memory_space<hbm>> -> memref<1x32x1024xf32, #tpu.memory_space<hbm>>
    %dma_wait3A_823 = tpu.memref_squeeze %dma_wait3A_822 : memref<1x32x1024xf32, #tpu.memory_space<hbm>> -> memref<32x1024xf32, #tpu.memory_space<hbm>>
    %dma_wait3A_824 = arith.constant 56 : i32
    %dma_wait3A_825 = arith.constant 0 : i32
    %dma_wait3A_826 = tpu.memref_slice %arg4[%dma_wait3A_824, %dma_wait3A_825] : memref<96x1024xf32, #tpu.memory_space<vmem>> -> memref<32x1024xf32, #tpu.memory_space<vmem>>
    tpu.wait_dma2 semaphore(%arg6 : memref<!tpu.dma_semaphore, #tpu.memory_space<semaphore_mem>>) src(%dma_wait3A_826 : memref<32x1024xf32, #tpu.memory_space<vmem>>) dst(%dma_wait3A_823 : memref<32x1024xf32, #tpu.memory_space<hbm>>)
    %dma_wait3A_827 = arith.constant 48 : i32
    %dma_wait3A_828 = arith.constant 0 : i32
    %dma_wait3A_829 = tpu.memref_slice %arg4[%dma_wait3A_827, %dma_wait3A_828] : memref<96x1024xf32, #tpu.memory_space<vmem>> -> memref<32x1024xf32, #tpu.memory_space<vmem>>
    %dma_wait3A_830 = arith.constant 4096 : i32
    %dma_wait3A_831 = tpu.memref_slice %arg3[%select_n3A, %add3A_814, %dma_wait3A_830] : memref<4x2048x6144xf32, #tpu.memory_space<hbm>> -> memref<1x32x1024xf32, #tpu.memory_space<hbm>>
    %dma_wait3A_832 = tpu.memref_squeeze %dma_wait3A_831 : memref<1x32x1024xf32, #tpu.memory_space<hbm>> -> memref<32x1024xf32, #tpu.memory_space<hbm>>
    %dma_wait3A_833 = arith.constant 4096 : i32
    %dma_wait3A_834 = tpu.memref_slice %arg3[%select_n3A, %add3A_814, %dma_wait3A_833] : memref<4x2048x6144xf32, #tpu.memory_space<hbm>> -> memref<1x32x1024xf32, #tpu.memory_space<hbm>>
    %dma_wait3A_835 = tpu.memref_squeeze %dma_wait3A_834 : memref<1x32x1024xf32, #tpu.memory_space<hbm>> -> memref<32x1024xf32, #tpu.memory_space<hbm>>
    %dma_wait3A_836 = arith.constant 48 : i32
    %dma_wait3A_837 = arith.constant 0 : i32
    %dma_wait3A_838 = tpu.memref_slice %arg4[%dma_wait3A_836, %dma_wait3A_837] : memref<96x1024xf32, #tpu.memory_space<vmem>> -> memref<32x1024xf32, #tpu.memory_space<vmem>>
    tpu.wait_dma2 semaphore(%arg6 : memref<!tpu.dma_semaphore, #tpu.memory_space<semaphore_mem>>) src(%dma_wait3A_838 : memref<32x1024xf32, #tpu.memory_space<vmem>>) dst(%dma_wait3A_835 : memref<32x1024xf32, #tpu.memory_space<hbm>>)
    %dma_wait3A_839 = arith.constant 32 : i32
    %dma_wait3A_840 = arith.constant 0 : i32
    %dma_wait3A_841 = tpu.memref_slice %arg4[%dma_wait3A_839, %dma_wait3A_840] : memref<96x1024xf32, #tpu.memory_space<vmem>> -> memref<32x1024xf32, #tpu.memory_space<vmem>>
    %dma_wait3A_842 = arith.constant 5120 : i32
    %dma_wait3A_843 = tpu.memref_slice %arg3[%select_n3A, %add3A_814, %dma_wait3A_842] : memref<4x2048x6144xf32, #tpu.memory_space<hbm>> -> memref<1x32x1024xf32, #tpu.memory_space<hbm>>
    %dma_wait3A_844 = tpu.memref_squeeze %dma_wait3A_843 : memref<1x32x1024xf32, #tpu.memory_space<hbm>> -> memref<32x1024xf32, #tpu.memory_space<hbm>>
    %dma_wait3A_845 = arith.constant 5120 : i32
    %dma_wait3A_846 = tpu.memref_slice %arg3[%select_n3A, %add3A_814, %dma_wait3A_845] : memref<4x2048x6144xf32, #tpu.memory_space<hbm>> -> memref<1x32x1024xf32, #tpu.memory_space<hbm>>
    %dma_wait3A_847 = tpu.memref_squeeze %dma_wait3A_846 : memref<1x32x1024xf32, #tpu.memory_space<hbm>> -> memref<32x1024xf32, #tpu.memory_space<hbm>>
    %dma_wait3A_848 = arith.constant 32 : i32
    %dma_wait3A_849 = arith.constant 0 : i32
    %dma_wait3A_850 = tpu.memref_slice %arg4[%dma_wait3A_848, %dma_wait3A_849] : memref<96x1024xf32, #tpu.memory_space<vmem>> -> memref<32x1024xf32, #tpu.memory_space<vmem>>
    tpu.wait_dma2 semaphore(%arg6 : memref<!tpu.dma_semaphore, #tpu.memory_space<semaphore_mem>>) src(%dma_wait3A_850 : memref<32x1024xf32, #tpu.memory_space<vmem>>) dst(%dma_wait3A_847 : memref<32x1024xf32, #tpu.memory_space<hbm>>)
    return
  }
}

module attributes {stable_mosaic.version = 14 : i64} {
  func.func @_tc_kernel(%arg0: i32, %arg1: i32, %arg2: memref<1x256x1024xf32, #tpu.memory_space<vmem>>, %arg3: memref<1x8x1024xf32, #tpu.memory_space<vmem>>, %arg4: memref<4x2048x6144xf32, #tpu.memory_space<any>>, %arg5: memref<1x256x3072xf32, #tpu.memory_space<vmem>>) attributes {dimension_semantics = [#tpu.dimension_semantics<arbitrary>, #tpu.dimension_semantics<arbitrary>], iteration_bounds = array<i64: 4, 8>, scalar_prefetch = 0 : i64, scratch_operands = 0 : i64, tpu.core_type = #tpu.core_type<tc>, window_params = [{transform_indices = @transform_0, window_bounds = array<i64: 1, 256, 1024>}, {transform_indices = @transform_1, window_bounds = array<i64: 1, 8, 1024>}, {}, {transform_indices = @transform_3, window_bounds = array<i64: 1, 256, 3072>}]} {
    %get3A = arith.constant 0 : index
    %get3A_0 = arith.constant 0 : index
    %get3A_1 = arith.constant 0 : index
    %get3A_2 = vector.load %arg2[%get3A, %get3A_0, %get3A_1] : memref<1x256x1024xf32, #tpu.memory_space<vmem>>, vector<1x256x1024xf32>
    %get3A_3 = vector.shape_cast %get3A_2 : vector<1x256x1024xf32> to vector<256x1024xf32>
    %get3A_4 = arith.constant 0 : index
    %get3A_5 = arith.constant 0 : index
    %get3A_6 = arith.constant 0 : index
    %get3A_7 = vector.load %arg3[%get3A_4, %get3A_5, %get3A_6] : memref<1x8x1024xf32, #tpu.memory_space<vmem>>, vector<1x8x1024xf32>
    %get3A_8 = vector.shape_cast %get3A_7 : vector<1x8x1024xf32> to vector<8x1024xf32>
    %iota3A = tpu.iota {dimensions = array<i32: 0>} : vector<256x1xi32>
    %slice3A = vector.extract_strided_slice %get3A_8 {offsets = [7, 0], sizes = [1, 1024], strides = [1, 1]} : vector<8x1024xf32> to vector<1x1024xf32>
    %slice3A_9 = vector.extract_strided_slice %get3A_3 {offsets = [0, 0], sizes = [255, 1024], strides = [1, 1]} : vector<256x1024xf32> to vector<255x1024xf32>
    %concatenate3A = tpu.concatenate %slice3A, %slice3A_9 in 0 : vector<1x1024xf32>, vector<255x1024xf32> -> vector<256x1024xf32>
    %eq3A = arith.constant 0 : i32
    %eq3A_10 = arith.cmpi eq, %arg1, %eq3A : i32
    %lt3A = arith.constant 1 : i32
    %lt3A_11 = vector.broadcast %lt3A : i32 to vector<256x1xi32>
    %lt3A_12 = arith.cmpi slt, %iota3A, %lt3A_11 : vector<256x1xi32>
    %and3A = vector.broadcast %eq3A_10 : i1 to vector<256x1xi1>
    %and3A_13 = arith.andi %and3A, %lt3A_12 : vector<256x1xi1>
    %broadcast_in_dim3A = vector.shape_cast %and3A_13 : vector<256x1xi1> to vector<256x1xi1>
    %broadcast_in_dim3A_14 = vector.broadcast %broadcast_in_dim3A : vector<256x1xi1> to vector<256x1024xi1>
    %select_n3A = arith.select %broadcast_in_dim3A_14, %get3A_3, %concatenate3A : vector<256x1024xi1>, vector<256x1024xf32>
    %swap3A = arith.constant 0 : index
    %swap3A_15 = arith.constant 0 : index
    %swap3A_16 = arith.constant 0 : index
    %swap3A_17 = vector.load %arg5[%swap3A, %swap3A_15, %swap3A_16] : memref<1x256x3072xf32, #tpu.memory_space<vmem>>, vector<1x256x1024xf32>
    %swap3A_18 = vector.shape_cast %swap3A_17 : vector<1x256x1024xf32> to vector<256x1024xf32>
    %swap3A_19 = vector.shape_cast %select_n3A : vector<256x1024xf32> to vector<1x256x1024xf32>
    tpu.vector_store %arg5[%swap3A, %swap3A_15, %swap3A_16], %swap3A_19 {strides = array<i32>} : memref<1x256x3072xf32, #tpu.memory_space<vmem>>, vector<1x256x1024xf32>,
    %slice3A_20 = vector.extract_strided_slice %get3A_8 {offsets = [6, 0], sizes = [2, 1024], strides = [1, 1]} : vector<8x1024xf32> to vector<2x1024xf32>
    %slice3A_21 = vector.extract_strided_slice %get3A_3 {offsets = [0, 0], sizes = [254, 1024], strides = [1, 1]} : vector<256x1024xf32> to vector<254x1024xf32>
    %concatenate3A_22 = tpu.concatenate %slice3A_20, %slice3A_21 in 0 : vector<2x1024xf32>, vector<254x1024xf32> -> vector<256x1024xf32>
    %eq3A_23 = arith.constant 0 : i32
    %eq3A_24 = arith.cmpi eq, %arg1, %eq3A_23 : i32
    %lt3A_25 = arith.constant 2 : i32
    %lt3A_26 = vector.broadcast %lt3A_25 : i32 to vector<256x1xi32>
    %lt3A_27 = arith.cmpi slt, %iota3A, %lt3A_26 : vector<256x1xi32>
    %and3A_28 = vector.broadcast %eq3A_24 : i1 to vector<256x1xi1>
    %and3A_29 = arith.andi %and3A_28, %lt3A_27 : vector<256x1xi1>
    %broadcast_in_dim3A_30 = vector.shape_cast %and3A_29 : vector<256x1xi1> to vector<256x1xi1>
    %broadcast_in_dim3A_31 = vector.broadcast %broadcast_in_dim3A_30 : vector<256x1xi1> to vector<256x1024xi1>
    %select_n3A_32 = arith.select %broadcast_in_dim3A_31, %get3A_3, %concatenate3A_22 : vector<256x1024xi1>, vector<256x1024xf32>
    %swap3A_33 = arith.constant 0 : index
    %swap3A_34 = arith.constant 0 : index
    %swap3A_35 = arith.constant 1024 : index
    %swap3A_36 = vector.load %arg5[%swap3A_33, %swap3A_34, %swap3A_35] : memref<1x256x3072xf32, #tpu.memory_space<vmem>>, vector<1x256x1024xf32>
    %swap3A_37 = vector.shape_cast %swap3A_36 : vector<1x256x1024xf32> to vector<256x1024xf32>
    %swap3A_38 = vector.shape_cast %select_n3A_32 : vector<256x1024xf32> to vector<1x256x1024xf32>
    tpu.vector_store %arg5[%swap3A_33, %swap3A_34, %swap3A_35], %swap3A_38 {strides = array<i32>} : memref<1x256x3072xf32, #tpu.memory_space<vmem>>, vector<1x256x1024xf32>,
    %slice3A_39 = vector.extract_strided_slice %get3A_8 {offsets = [4, 0], sizes = [4, 1024], strides = [1, 1]} : vector<8x1024xf32> to vector<4x1024xf32>
    %slice3A_40 = vector.extract_strided_slice %get3A_3 {offsets = [0, 0], sizes = [252, 1024], strides = [1, 1]} : vector<256x1024xf32> to vector<252x1024xf32>
    %concatenate3A_41 = tpu.concatenate %slice3A_39, %slice3A_40 in 0 : vector<4x1024xf32>, vector<252x1024xf32> -> vector<256x1024xf32>
    %eq3A_42 = arith.constant 0 : i32
    %eq3A_43 = arith.cmpi eq, %arg1, %eq3A_42 : i32
    %lt3A_44 = arith.constant 4 : i32
    %lt3A_45 = vector.broadcast %lt3A_44 : i32 to vector<256x1xi32>
    %lt3A_46 = arith.cmpi slt, %iota3A, %lt3A_45 : vector<256x1xi32>
    %and3A_47 = vector.broadcast %eq3A_43 : i1 to vector<256x1xi1>
    %and3A_48 = arith.andi %and3A_47, %lt3A_46 : vector<256x1xi1>
    %broadcast_in_dim3A_49 = vector.shape_cast %and3A_48 : vector<256x1xi1> to vector<256x1xi1>
    %broadcast_in_dim3A_50 = vector.broadcast %broadcast_in_dim3A_49 : vector<256x1xi1> to vector<256x1024xi1>
    %select_n3A_51 = arith.select %broadcast_in_dim3A_50, %get3A_3, %concatenate3A_41 : vector<256x1024xi1>, vector<256x1024xf32>
    %swap3A_52 = arith.constant 0 : index
    %swap3A_53 = arith.constant 0 : index
    %swap3A_54 = arith.constant 2048 : index
    %swap3A_55 = vector.load %arg5[%swap3A_52, %swap3A_53, %swap3A_54] : memref<1x256x3072xf32, #tpu.memory_space<vmem>>, vector<1x256x1024xf32>
    %swap3A_56 = vector.shape_cast %swap3A_55 : vector<1x256x1024xf32> to vector<256x1024xf32>
    %swap3A_57 = vector.shape_cast %select_n3A_51 : vector<256x1024xf32> to vector<1x256x1024xf32>
    tpu.vector_store %arg5[%swap3A_52, %swap3A_53, %swap3A_54], %swap3A_57 {strides = array<i32>} : memref<1x256x3072xf32, #tpu.memory_space<vmem>>, vector<1x256x1024xf32>,
    return
  }
  func.func @transform_0(%arg0: i32, %arg1: i32) -> (i32, i32, i32) {
    %c0_i32 = arith.constant 0 : i32
    %c0_i32_0 = arith.constant 0 : i32
    return %arg0, %arg1, %c0_i32 : i32, i32, i32
  }
  func.func @transform_1(%arg0: i32, %arg1: i32) -> (i32, i32, i32) {
    %mul3A = arith.constant 32 : i32
    %mul3A_0 = arith.muli %arg1, %mul3A : i32
    %sub3A = arith.constant 1 : i32
    %sub3A_1 = arith.subi %mul3A_0, %sub3A : i32
    %max3A = arith.constant 0 : i32
    %max3A_2 = arith.maxsi %sub3A_1, %max3A : i32
    %c0_i32 = arith.constant 0 : i32
    %c0_i32_3 = arith.constant 0 : i32
    return %arg0, %max3A_2, %c0_i32 : i32, i32, i32
  }
  func.func @transform_3(%arg0: i32, %arg1: i32) -> (i32, i32, i32) {
    %c0_i32 = arith.constant 0 : i32
    %c0_i32_0 = arith.constant 0 : i32
    return %arg0, %arg1, %c0_i32 : i32, i32, i32
  }
}

</mosaic_0001>

<sc_bundles>
// kernel: kernel.4.cloned.1.call-start
scs
__scs_entry_jumppad:
0x0: {  	(pc) =	sbr.rel $0x88, $3  }
0x1: {  	(tag) =	ssettag $0x0;
	lr =	simm.s32 $0x1  }
0x2: {  	[smem:$0x3FA0] =	sst lr;
	_ =	strace $0xD0000000  }
0x3: {  	_ = 	snop  }
0x4: {  	_ = 	snop  }
0x5: {  	_ = 	snop  }
0x6: {  	_ = 	snop  }
0x7: {  	_ = 	snop  }
__scs_overlays_trampoline_lowered:
0x8: {  	[smem:$0x3FAF] =	sst s0  }
0x9: {  	[smem:$0x3FB0] =	sst s1  }
0xa: {  	[smem:$0x3FB1] =	sst s2  }
0xb: {  	[smem:$0x3FB2] =	sst s3  }
0xc: {  	[smem:$0x3FB3] =	sst s4  }
0xd: {  	[smem:$0x3FB4] =	sst s5  }
0xe: {  	[smem:$0x3FB5] =	sst s6  }
0xf: {  	[smem:$0x3FB6] =	sst s7  }
0x10: {  	[smem:$0x3FB7] =	sst s8  }
0x11: {  	[smem:$0x3FB8] =	sst s9;
	s0 =	simm.s32 @!p0 $0x0  }
0x12: {  	s1 =	sld [smem:$0x3F9E];
	s0 =	simm.s32 @p0 $0x1  }
0x13: {  	[smem:$0x3FB9] =	sst s0;
	s0 =	simm.s32 @!p1 $0x0  }
0x14: {  	s2 =	sld [smem:$0x3F9D];
	s0 =	simm.s32 @p1 $0x1  }
0x15: {  	[smem:$0x3FBA] =	sst s0;
	s0 =	simm.s32 @!p2 $0x0  }
0x16: {  	s3 =	sld [smem:$0x3FDB];
	s0 =	simm.s32 @p2 $0x1  }
0x17: {  	s4 =	simm.s32 $0x1BF5;
	[smem:$0x3FBC] =	sst s0  }
0x18: {  	s0 =	sld [smem:$0x3F9F];
	_ =	swait.ge [sflag:s4], $0x0  }
0x19: {  	s7 =	sld [smem:$0x3FA0]  }
0x1a: {  	s8 =	sadd.s32 $0xFFFFE003, lr  }
0x1b: {  	s9 =	sadd.s32 $0xFFFFFEF7, lr;
	s5 =	simm.s32 $0xFFFFFFFF;
	p2 =	slt.u32 s8, $0xFFFFF086  }
0x1c: {  	p1 =	slt.u32 s9, $0xF7A;
	s5 =	simm.s32 @!p2 $0x0  }
0x1d: {  	s5 =	simm.s32 @p1 $0x1;
	p0 =	seq.s32 s7, s2  }
0x1e: {  	s7 =	smul.u32 @!p0 $0xF7A, s2;
	p2 =	seq.s32 @!p0 s5, $0x0  }
0x1f: {  	s9 =	smul.u32 $0xF7A, s1;
	s8 =	simm.s32 @!p0 $0x1BF5;
	p2 =	por !p2, p0  }
0x20: {  	[sflag:s8] =	ssyncset.s32 @!p0 $0xFFFFF086;
	s6 =	sadd.s32 @!p0 s3, s7;
	s7 =	simm.s32 @!p0 $0x108  }
0x21: {  	s3 =	sadd.s32 s3, s9;
	s6 =	sadd.s32 @!p0 $0x88, s6;
	s7 =	simm.s32 @p2 $0x1082  }
0x22: {  	[simem:s7], [sflag:s8] =	dma.local @!p0 [hbm:s6], $0xF7A  }
0x23: {  	s9 =	sor.u32 $0xD0000000, s2;
	s6 =	simm.s32 $0x108;
	_ =	swait.ge @!p0 [sflag:s8], $0x0  }
0x24: {  	s3 =	sadd.s32 $0x88, s3;
	s6 =	simm.s32 @!p1 $0x1082;
	[sflag:s4] =	ssyncset.s32 $0xFFFFF086  }
0x25: {  	[simem:s6], [sflag:s4] =	dma.local [hbm:s3], $0xF7A  }
0x26: {  	[smem:$0x3FA0] =	sst s1;
	(tag) =	ssettag s2;
	_ =	strace s9  }
0x27: {  	s1 =	sld [smem:$0x3FB0]  }
0x28: {  	s2 =	sld [smem:$0x3FB1]  }
0x29: {  	s4 =	sld [smem:$0x3FB3]  }
0x2a: {  	p0 =	seq.s32 s5, $0x0;
	s5 =	sld [smem:$0x3FB4]  }
0x2b: {  	s6 =	sld [smem:$0x3FB5]  }
0x2c: {  	s7 =	sld [smem:$0x3FB6]  }
0x2d: {  	s3 =	simm.s32 $0x108;
	s8 =	sld [smem:$0x3FB7]  }
0x2e: {  	s3 =	simm.s32 @!p0 $0x1082;
	s9 =	sld [smem:$0x3FB8]  }
0x2f: {  	lr =	sadd.s32 s0, s3;
	s0 =	sld [smem:$0x3FAF]  }
0x30: {  	s3 =	sld [smem:$0x3FB2]  }
0x31: {  	[smem:$0x3FBB] =	sst s10  }
0x32: {  	s10 =	sld [smem:$0x3FB9];
	_ =	sdelay $0x3  }
0x33: {  	p0 =	seq.s32 s10, $0x1;
	s10 =	sld [smem:$0x3FBB];
	_ =	sdelay $0x3  }
0x34: {  	[smem:$0x3FBB] =	sst s10  }
0x35: {  	s10 =	sld [smem:$0x3FBA];
	_ =	sdelay $0x3  }
0x36: {  	p1 =	seq.s32 s10, $0x1;
	s10 =	sld [smem:$0x3FBB];
	_ =	sdelay $0x3  }
0x37: {  	[smem:$0x3FBB] =	sst s10  }
0x38: {  	s10 =	sld [smem:$0x3FBC]  }
0x39: {  	_ = 	snop;
	(pc) =	sbr.ind lr, $3  }
0x3a: {  	_ = 	snop  }
0x3b: {  	_ = 	snop  }
0x3c: {  	p2 =	seq.s32 s10, $0x1;
	s10 =	sld [smem:$0x3FBB]  }
0x3d: {  	_ =	shalt  }
0x3e: {  	_ =	shalt  }
0x3f: {  	_ =	shalt  }
0x40: {  	_ =	shalt  }
0x41: {  	_ =	shalt  }
0x42: {  	_ =	shalt  }
0x43: {  	_ =	shalt  }
0x44: {  	_ =	shalt  }
0x45: {  	_ =	shalt  }
0x46: {  	_ =	shalt  }
0x47: {  	_ =	shalt  }
0x48: {  	_ =	shalt  }
0x49: {  	_ =	shalt  }
0x4a: {  	_ =	shalt  }
0x4b: {  	_ =	shalt  }
0x4c: {  	_ =	shalt  }
0x4d: {  	_ =	shalt  }
0x4e: {  	_ =	shalt  }
0x4f: {  	_ =	shalt  }
0x50: {  	_ =	shalt  }
0x51: {  	_ =	shalt  }
0x52: {  	_ =	shalt  }
0x53: {  	_ =	shalt  }
0x54: {  	_ =	shalt  }
0x55: {  	_ =	shalt  }
0x56: {  	_ =	shalt  }
0x57: {  	_ =	shalt  }
0x58: {  	_ =	shalt  }
0x59: {  	_ =	shalt  }
0x5a: {  	_ =	shalt  }
0x5b: {  	_ =	shalt  }
0x5c: {  	_ =	shalt  }
0x5d: {  	_ =	shalt  }
0x5e: {  	_ =	shalt  }
0x5f: {  	_ =	shalt  }
0x60: {  	_ =	shalt  }
0x61: {  	_ =	shalt  }
0x62: {  	_ =	shalt  }
0x63: {  	_ =	shalt  }
0x64: {  	_ =	shalt  }
0x65: {  	_ =	shalt  }
0x66: {  	_ =	shalt  }
0x67: {  	_ =	shalt  }
0x68: {  	_ =	shalt  }
0x69: {  	_ =	shalt  }
0x6a: {  	_ =	shalt  }
0x6b: {  	_ =	shalt  }
0x6c: {  	_ =	shalt  }
0x6d: {  	_ =	shalt  }
0x6e: {  	_ =	shalt  }
0x6f: {  	_ =	shalt  }
0x70: {  	_ =	shalt  }
0x71: {  	_ =	shalt  }
0x72: {  	_ =	shalt  }
0x73: {  	_ =	shalt  }
0x74: {  	_ =	shalt  }
0x75: {  	_ =	shalt  }
0x76: {  	_ =	shalt  }
0x77: {  	_ =	shalt  }
0x78: {  	_ =	shalt  }
0x79: {  	_ =	shalt  }
0x7a: {  	_ =	shalt  }
0x7b: {  	_ =	shalt  }
0x7c: {  	_ =	shalt  }
0x7d: {  	_ =	shalt  }
0x7e: {  	_ =	shalt  }
0x7f: {  	_ =	shalt  }
0x80: {  	_ =	shalt  }
0x81: {  	_ =	shalt  }
0x82: {  	_ =	shalt  }
0x83: {  	_ =	shalt  }
0x84: {  	_ =	shalt  }
0x85: {  	_ =	shalt  }
0x86: {  	_ =	shalt  }
0x87: {  	_ =	shalt  }
.Lfunc_end0:
.L_simem_size_0:
called_computation_lowered:
.L_overlay_start_0:
0x88: {  	s2 =	sld [smem:$0x3FD9]  }
0x89: {  	s3 =	sld [smem:$0x3FFE];
	_ =	sdelay $0x1  }
0x8a: {  	s1 =	srdreg.scid  }
0x8b: {  	s0 =	sand.u32 $0x1, s1  }
0x8c: {  	s18 =	sshll.u32 s0, $0xA;
	s2 =	sadd.s32 s3, s2  }
0x8d: {  	s2 =	sadd.s32 s2, s18  }
0x8e: {  	[smem:$0x3FC7] =	sst s2  }
0x8f: {  	_ = 	snop  }
0x90: {  	s2 =	sld [smem:$0x3FC9]  }
0x91: {  	s19 =	sld [smem:$0x3FD0];
	(tm) =	ssettm $0x1  }
0x92: {  	s4 =	sld [smem:$0x3FFB];
	_ =	sdelay $0x3  }
0x93: {  	_ =	strace s4  }
0x94: {  	s4 =	sld [smem:$0x3FFC];
	_ =	sdelay $0x3  }
0x95: {  	_ =	strace s4  }
0x96: {  	s4 =	sld [smem:$0x3FFD];
	_ =	sdelay $0x3  }
0x97: {  	_ =	strace s4  }
0x98: {  	_ =	strace $0x8FFFFFFF  }
0x99: {  	s20 =	sld [smem:$0x3FDB];
	_ =	sdelay $0x1  }
0x9a: {  	s5 =	simm.s32 $_scs_section_size  }
0x9b: {  	s6 =	simm.s32 $_size__tile_overlayer_lowered;
	s7 =	simm.s32 $_tile_overlayer_lowered  }
0x9c: {  	s23 =	simm.s32 $0x1BFF;
	s22 =	sshll.u32 s7, $0x1;
	s4 =	sadd.s32 s5, s20  }
0x9d: {  	s8 =	simm.s32 $0x0;
	s21 =	sshll.u32 s6, $0x1;
	s6 =	sadd.s32 s22, s4  }
0x9e: {  	[timem:s8], [sflag:s23] =	dma.local [hbm:s6], s21  }
0x9f: {  	_ =	swait.ge [sflag:s23], s21  }
0xa0: {  	s5 =	ssub.s32 $0x0, s21;
	[sflag:s23] =	ssyncset.done $0x0  }
0xa1: {  	[sflag:s23] =	ssyncadd.s32 s5;
	_ =	sdelay $0x1  }
0xa2: {  	s24 =	simm.s32 $0x1B8B  }
0xa3: {  	_ =	swait.ge [sflag:s24], $0x1  }
0xa4: {  	[sflag:s24] =	ssyncset.done $0x0  }
0xa5: {  	s25 =	simm.s32 $0x1B8E;
	[sflag:s24] =	ssyncadd.s32 $0xFFFFFFFF  }
0xa6: {  	s26 =	simm.s32 $execute0_lowered;
	[smem:$0x3FD2] =	sst s25  }
0xa7: {  	s5 =	sshll.u32 s26, $0x1;
	_ =	strace $0x80000046;
	[dreg:$0x1] =	wrdreg $0xFFFFFFFF  }
0xa8: {  	s28 =	simm.s32 $_size_execute0_lowered;
	s4 =	sadd.s32 s4, s5;
	[dreg:$0x0] =	wrdreg $0x0  }
0xa9: {  	s5 =	sshll.u32 s28, $0x1;
	[dreg:$0x2] =	wrdreg s4  }
0xaa: {  	[dreg:$0x3] =	wrdreg s5  }
0xab: {  	[dreg:$0x4] =	wrdreg $0xC0  }
0xac: {  	_ =	task [dreg:s8], $0x5FFFF  }
0xad: {  	[dreg:$0x1] =	wrdreg $0xFFFFFFFF  }
0xae: {  	[dreg:$0x0] =	wrdreg $0x60  }
0xaf: {  	[dreg:$0x2] =	wrdreg s2  }
0xb0: {  	[dreg:$0x3] =	wrdreg s19  }
0xb1: {  	[dreg:$0x4] =	wrdreg $0x9  }
0xb2: {  	_ =	task.clear_ibuf [dreg:s8], $0x5FFFF;
	_ =	strace $0x90000046  }
0xb3: {  	s29 =	simm.s32 $0x9;
	_ =	strace $0x80000048  }
0xb4: {  	_ =	swait.ge [sflag:s29], $0x1  }
0xb5: {  	[sflag:s29] =	ssyncadd.s32 $0xFFFFFFFF  }
0xb6: {  	_ =	strace $0x90000048  }
0xb7: {  	_ =	sfence  }
0xb8: {  	s30 =	sld [smem:$0x0];
	_ =	sdelay $0x2  }
0xb9: {  	s31 =	sshll.u32 s1, $0xD;
	s1 =	sshrl.u32 s1, $0x2  }
0xba: {  	s3 =	sand.u32 $0x4000, s31;
	s1 =	sadd.s32 s1, s30  }
0xbb: {  	s0 =	sor.u32 s3, s0;
	s1 =	sshll.u32 s1, $0x11  }
0xbc: {  	s0 =	sor.u32 s1, s0  }
0xbd: {  	s0 =	sadd.s32 $0x8F2B, s0  }
0xbe: {  	[sflag:s0] =	ssyncadd.remote.s32 $0x1  }
0xbf: {  	_ =	sfence.sel $0xFFFF  }
0xc0: {  	[dreg:$0x0] =	wrdreg $0xFFFFFFFF;
	(pc) =	sbr.abs _section_cstart, $3  }
0xc1: {  	[dreg:$0x1] =	wrdreg $0xFFFFFFFF  }
0xc2: {  	_ =	task.clear_ibuf [dreg:s8], $0x2FFFF;
	_ =	strace $0x9FFFFFFF  }
0xc3: {  	(tm) =	ssettm $0x7FFFFFFF  }
tec
execute0_lowered:
.L_overlay_start_1:
0x0: {  	(tag) =	ssettag $0x1  }
0x1: {  	s21 =	stileid.u32;
	s4 =	rddreg [dreg:$0x0]  }
0x2: {  	s0 =	srdreg.scid;
	s9 =	rddreg [dreg:$0x1]  }
0x3: {  	s22 =	rddreg [dreg:$0x2];
	p1 =	por $0x0, $0x0;
	s1 =	sshll.u32 s21, $0x1  }
0x4: {  	s3 =	sand.u32 $0x1, s0;
	s13 =	sshrl.u32 s21, $0x2;
	s31 =	sadd.s32 $0x1400, s9  }
0x5: {  	s12 =	sand.u32 $0x6, s1;
	s5 =	sshll.u32 s13, $0x15;
	s1 =	smul.u32 $0x180000, s13  }
0x6: {  	s6 =	smul.u32 $0xC00000, s13;
	s0 =	sor.u32 s3, s12;
	s3 =	ssub.s32 $0x2, s3  }
0x7: {  	s2 =	sshll.u32 s0, $0x12;
	s10 =	smul.u32 $0x180000, s0;
	s13 =	sadd.s32 s1, s9  }
0x8: {  	p0 =	seq.s32 s0, $0x0;
	s7 =	sor.u32 s5, s2;
	s2 =	simm.s32 $0x0  }
0x9: {  	s16 =	sadd.s32 $0x2400, s13;
	s13 =	sadd.s32 $0x4000, s13;
	s8 =	sadd.s32 $0xFFFF8000, s7  }
0xa: {  	[smem:$0x7FF] =	sst s2;
	s7 =	sshrl.u32 s7, $0x3;
	s12 =	sadd.s32 s6, s10  }
0xb: {  	s10 =	sshll.u32 s0, $0x5;
	s8 =	sshrl.u32 s8, $0x3;
	_ =	strace $0x80000047  }
0xc: {  	s7 =	sadd.s32 s4, s7;
	s30 =	sshrl.u32 s12, $0x3;
	[dreg:$0x8] =	wrdreg s16  }
0xd: {  	s17 =	sor.u32 $0x4, s10;
	[dreg:$0xa] =	wrdreg s13;
	s23 =	sor.u32 $0x8, s10  }
0xe: {  	s28 =	sor.u32 $0x72000, s12;
	s8 =	sadd.s32 s4, s8;
	[dreg:$0x4] =	wrdreg s7  }
0xf: {  	s7 =	sadd.s32 $0x1000, s9;
	s16 =	sshll.u32 s23, $0xD;
	s13 =	smul.u32 $0xC000, s23  }
0x10: {  	[dreg:$0x3] =	wrdreg s8;
	s8 =	sadd.s32 $0xC00, s9;
	s15 =	sadd.s32 s30, s7  }
0x11: {  	s25 =	sor.u32 s5, s16;
	s16 =	sadd.s32 $0x80000, s12;
	s14 =	sadd.s32 s30, s8  }
0x12: {  	[dreg:$0x6] =	wrdreg s15;
	s11 =	sadd.s32 s1, s8;
	s15 =	sshll.u32 s17, $0xD  }
0x13: {  	s26 =	sshrl.u32 s25, $0x3;
	s13 =	sadd.s32 s6, s13;
	[dreg:$0x5] =	wrdreg s14  }
0x14: {  	s25 =	sor.u32 $0x10, s10;
	s30 =	smov.u32 @p0 s1;
	[dreg:$0x7] =	wrdreg s11  }
0x15: {  	s14 =	sadd.s32 s1, s7;
	s11 =	smul.u32 $0xC000, s17;
	s13 =	sshrl.u32 s13, $0x3  }
0x16: {  	s18 =	sor.u32 s5, s15;
	[dreg:$0x9] =	wrdreg s14;
	s29 =	sadd.s32 s13, s8  }
0x17: {  	s14 =	sshrl.u32 s18, $0x3;
	s15 =	sadd.s32 s13, s7;
	[dreg:$0x10] =	wrdreg s29  }
0x18: {  	s13 =	sadd.s32 s13, s31;
	s11 =	sadd.s32 s6, s11;
	[dreg:$0x12] =	wrdreg s15  }
0x19: {  	s19 =	sadd.s32 s4, s14;
	s14 =	sshrl.u32 s28, $0x3;
	[dreg:$0x14] =	wrdreg s13  }
0x1a: {  	s11 =	sshrl.u32 s11, $0x3;
	[dreg:$0xb] =	wrdreg s19;
	s14 =	sadd.s32 s9, s14  }
0x1b: {  	s17 =	sshrl.u32 s16, $0x3;
	s20 =	sadd.s32 s11, s8;
	[dreg:$0x11] =	wrdreg s14  }
0x1c: {  	s18 =	sor.u32 $0xC, s10;
	s24 =	sadd.s32 s11, s7;
	[dreg:$0xc] =	wrdreg s20  }
0x1d: {  	s15 =	sor.u32 $0x14, s10;
	s11 =	sadd.s32 s11, s31;
	[dreg:$0xd] =	wrdreg s24  }
0x1e: {  	s19 =	sshll.u32 s18, $0xD;
	s14 =	smul.u32 $0xC000, s18;
	[dreg:$0xe] =	wrdreg s11  }
0x1f: {  	s11 =	sadd.s32 s4, s26;
	s20 =	sor.u32 s5, s19;
	s26 =	sshll.u32 s25, $0xD  }
0x20: {  	[dreg:$0xf] =	wrdreg s11;
	s11 =	sadd.s32 s9, s17;
	s14 =	sadd.s32 s6, s14  }
0x21: {  	s28 =	sor.u32 s5, s26;
	s17 =	sshll.u32 s15, $0xD;
	[dreg:$0x13] =	wrdreg s11  }
0x22: {  	s11 =	sshrl.u32 s20, $0x3;
	s23 =	sshrl.u32 s14, $0x3;
	s18 =	sor.u32 s5, s17  }
0x23: {  	s20 =	sadd.s32 $0x102000, s12;
	s12 =	sadd.s32 $0x110000, s12;
	s11 =	sadd.s32 s4, s11  }
0x24: {  	s17 =	sor.u32 $0x1C, s10;
	s24 =	sadd.s32 s23, s8;
	[dreg:$0x15] =	wrdreg s11  }
0x25: {  	s14 =	sadd.s32 s23, s7;
	s13 =	sadd.s32 s23, s31;
	[dreg:$0x16] =	wrdreg s24  }
0x26: {  	s19 =	sshrl.u32 s18, $0x3;
	s26 =	sshrl.u32 s12, $0x3;
	[dreg:$0x17] =	wrdreg s14  }
0x27: {  	s11 =	smul.u32 $0xC000, s25;
	s14 =	sshrl.u32 s28, $0x3;
	[dreg:$0x18] =	wrdreg s13  }
0x28: {  	s13 =	smul.u32 $0xC000, s15;
	s28 =	sor.u32 $0x18, s10;
	s10 =	simm.s32 $0x10000  }
0x29: {  	s29 =	sadd.s32 s4, s14;
	s12 =	smul.u32 $0xC000, s28;
	s11 =	sadd.s32 s6, s11  }
0x2a: {  	[dreg:$0x19] =	wrdreg s29;
	s13 =	sadd.s32 s6, s13;
	s11 =	sshrl.u32 s11, $0x3  }
0x2b: {  	s29 =	sshll.u32 s28, $0xD;
	s13 =	sshrl.u32 s13, $0x3;
	s14 =	sadd.s32 s11, s8  }
0x2c: {  	s12 =	sadd.s32 s6, s12;
	s16 =	sadd.s32 s11, s7;
	[dreg:$0x1a] =	wrdreg s14  }
0x2d: {  	s11 =	sadd.s32 s11, s31;
	s23 =	sadd.s32 s13, s8;
	[dreg:$0x1b] =	wrdreg s16  }
0x2e: {  	s25 =	sadd.s32 s13, s7;
	s15 =	sshrl.u32 s12, $0x3;
	[dreg:$0x1c] =	wrdreg s11  }
0x2f: {  	s12 =	simm.s32 $0x3;
	s11 =	sadd.s32 s4, s19;
	[dreg:$0x1e] =	wrdreg s23  }
0x30: {  	s14 =	sshrl.u32 s20, $0x3;
	[smem:$0x7F3] =	sst s25;
	s16 =	sadd.s32 s15, s8  }
0x31: {  	s18 =	sadd.s32 s15, s7;
	s19 =	sshll.u32 s17, $0xD;
	[dreg:$0x1d] =	wrdreg s11  }
0x32: {  	s20 =	sadd.s32 s15, s31;
	s25 =	sshrl.u32 s3, $0x1;
	[smem:$0x7F7] =	sst s16  }
0x33: {  	s24 =	sadd.s32 s9, s14;
	s9 =	sadd.s32 s9, s26;
	[smem:$0x7F8] =	sst s18  }
0x34: {  	s11 =	sor.u32 s5, s29;
	s14 =	sadd.s32 s13, s31;
	[smem:$0x7F9] =	sst s20  }
0x35: {  	s5 =	sor.u32 s5, s19;
	s3 =	ssub.s32 s3, s25;
	[dreg:$0x1f] =	wrdreg s24  }
0x36: {  	s16 =	simm.s32 $0x14000;
	s13 =	simm.s32 $0x6000;
	[smem:$0x7F4] =	sst s9  }
0x37: {  	s9 =	sshrl.u32 s11, $0x3;
	[smem:$0x7F5] =	sst s14;
	s5 =	sshrl.u32 s5, $0x3  }
0x38: {  	s29 =	smax.u32 s3, $0x1;
	s3 =	simm.s32 $0x2;
	s9 =	sadd.s32 s4, s9  }
0x39: {  	s14 =	simm.s32 $0x4000;
	[smem:$0x7F6] =	sst s9;
	s9 =	smul.u32 $0xC000, s17  }
0x3a: {  	s11 =	rddreg [dreg:$0x3];
	s4 =	sadd.s32 s4, s5;
	s0 =	sadd.s32 $0xFFFFFFFF, s29  }
0x3b: {  	s5 =	simm.s32 $0x8000;
	p2 =	sne.s32 s0, $0x0;
	s6 =	sadd.s32 s6, s9  }
.Ltmp0:
0x3c: {  	[smem:$0x7FA] =	sst s4;
	s23 =	sshrl.u32 s6, $0x3;
	(pc) =	sbr.rel @!p2 .LBB2_5-.Ltmp0, $4  }
0x3d: {  	s4 =	simm.s32 $0x1;
	s17 =	simm.s32 $0x16000;
	s24 =	sadd.s32 s23, s8  }
0x3e: {  	s9 =	simm.s32 $0xE000;
	s26 =	sadd.s32 s23, s7;
	[smem:$0x7FB] =	sst s24  }
0x3f: {  	s6 =	simm.s32 $0x2000;
	s28 =	sadd.s32 s23, s31;
	[smem:$0x7FC] =	sst s26  }
0x40: {  	s8 =	simm.s32 $0x4;
	s7 =	simm.s32 $0xC000;
	[smem:$0x7FD] =	sst s28  }
0x41: {  	s18 =	simm.s32 @!p0 $0x0;
	s19 =	simm.s32 @!p0 $0x4  }
0x42: {  	[tilespmem:s18], [sflag:$0x4] =	stream.linear.gather @!p0 [hbm4b:s11+s18], $0x8000, $0x38;
	[tilespmem:$0x18000] =	vst v63  }
0x43: {  	_ =	swait.ge @!p0 [sflag:s19], $0x8000  }
0x44: {  	[sflag:s19] =	ssyncset.done @!p0 $0x0  }
0x45: {  	s1 =	rddreg [dreg:$0x4];
	[sflag:s19] =	ssyncadd.s32 @!p0 $0xFFFF8000  }
0x46: {  	[tilespmem:s5], [sflag:$0x4] =	stream.linear.gather [hbm4b:s1+s2], $0x8000, $0x38;
	[tilespmem:$0x18000] =	vst v63  }
0x47: {  	_ =	swait.ge [sflag:s8], $0x8000  }
0x48: {  	s20 =	simm.s32 @p0 $0x8000;
	s1 =	rddreg [dreg:$0x7];
	[sflag:s8] =	ssyncset.done $0x0  }
0x49: {  	s21 =	simm.s32 @p0 $0x0;
	s11 =	rddreg [dreg:$0x8];
	[sflag:s8] =	ssyncadd.s32 $0xFFFF8000  }
0x4a: {  	[hbm4b:s1+s21] =	stream.linear.scatter @p0 [tilespmem:s20], [sflag:$0x1], $0x2000, $0x38;
	[tilespmem:$0x18000] =	vst v63  }
0x4b: {  	s22 =	simm.s32 @p0 $0x2000;
	s23 =	simm.s32 @p0 $0xC000;
	[smem:$0x7F1] =	sst s30  }
0x4c: {  	[hbm4b:s11+s22] =	stream.strided.scatter @p0 [tilespmem:s20], [sflag:$0x1], $0x6000, s23, s22, $0x38;
	[tilespmem:$0x18000] =	vst v63  }
0x4d: {  	s1 =	rddreg [dreg:$0x9]  }
0x4e: {  	[hbm4b:s1+s22] =	stream.strided.scatter @p0 [tilespmem:s20], [sflag:$0x1], $0x4000, s23, s22, $0x38;
	[tilespmem:$0x18000] =	vst v63  }
0x4f: {  	s24 =	simm.s32 @!p0 $0x6000;
	s11 =	rddreg [dreg:$0xa]  }
0x50: {  	[hbm4b:s11+s22] =	stream.strided.scatter @p0 [tilespmem:s20], [sflag:$0x1], $0x4000, s23, s22, $0x38;
	[tilespmem:$0x18000] =	vst v63  }
0x51: {  	s25 =	simm.s32 @!p0 $0x2000;
	s26 =	simm.s32 @!p0 $0xC000;
	s1 =	rddreg [dreg:$0x5]  }
0x52: {  	[hbm4b:s1+s25] =	stream.strided.scatter @!p0 [tilespmem:s24], [sflag:$0x1], $0x8000, s26, s25, $0x38;
	[tilespmem:$0x18000] =	vst v63  }
0x53: {  	s28 =	simm.s32 @!p0 $0x4000;
	s29 =	simm.s32 @!p0 $0x0;
	s11 =	rddreg [dreg:$0x6]  }
0x54: {  	[hbm4b:s11+s25] =	stream.strided.scatter @!p0 [tilespmem:s28], [sflag:$0x1], $0x8000, s26, s25, $0x38;
	[tilespmem:$0x18000] =	vst v63  }
0x55: {  	s29 =	simm.s32 @p0 $0x8000;
	[smem:$0x7F2] =	sst s31;
	s30 =	sadd.s32 s30, s31  }
0x56: {  	[hbm4b:s30+s6] =	stream.strided.scatter [tilespmem:s29], [sflag:$0x1], $0x8000, s7, s6, $0x38;
	[tilespmem:$0x18000] =	vst v63  }
0x57: {  	s11 =	rddreg [dreg:$0xb]  }
0x58: {  	[tilespmem:s10], [sflag:$0x4] =	stream.linear.gather [hbm4b:s11+s2], $0x8000, $0x38;
	[tilespmem:$0x18000] =	vst v63  }
0x59: {  	_ =	swait.ge [sflag:s8], $0x8000  }
0x5a: {  	[sflag:s8] =	ssyncset.done $0x0  }
0x5b: {  	s15 =	rddreg [dreg:$0xc];
	[sflag:s8] =	ssyncadd.s32 $0xFFFF8000  }
0x5c: {  	[hbm4b:s15+s6] =	stream.strided.scatter [tilespmem:s9], [sflag:$0x2], $0x8000, s7, s6, $0x38;
	[tilespmem:$0x18000] =	vst v63  }
0x5d: {  	s11 =	rddreg [dreg:$0xd]  }
0x5e: {  	[hbm4b:s11+s6] =	stream.strided.scatter [tilespmem:s7], [sflag:$0x2], $0x8000, s7, s6, $0x38;
	[tilespmem:$0x18000] =	vst v63  }
0x5f: {  	s31 =	simm.s32 @p0 $0x1;
	s15 =	rddreg [dreg:$0xe]  }
0x60: {  	[hbm4b:s15+s6] =	stream.strided.scatter [tilespmem:s5], [sflag:$0x2], $0x8000, s7, s6, $0x38;
	[tilespmem:$0x18000] =	vst v63  }
0x61: {  	_ =	swait.ge @p0 [sflag:s31], $0x2000  }
0x62: {  	[sflag:s31] =	ssyncset.done @p0 $0x0  }
0x63: {  	[sflag:s31] =	ssyncadd.s32 @p0 $0xFFFFE000  }
0x64: {  	_ =	swait.ge @p0 [sflag:s31], $0x6000  }
0x65: {  	[sflag:s31] =	ssyncset.done @p0 $0x0  }
0x66: {  	[sflag:s31] =	ssyncadd.s32 @p0 $0xFFFFA000  }
0x67: {  	_ =	swait.ge @p0 [sflag:s31], $0x4000  }
0x68: {  	[sflag:s31] =	ssyncset.done @p0 $0x0  }
0x69: {  	[sflag:s31] =	ssyncadd.s32 @p0 $0xFFFFC000  }
0x6a: {  	_ =	swait.ge @p0 [sflag:s31], $0x4000  }
0x6b: {  	[sflag:s31] =	ssyncset.done @p0 $0x0  }
0x6c: {  	s1 =	simm.s32 @!p0 $0x1;
	[sflag:s31] =	ssyncadd.s32 @p0 $0xFFFFC000  }
0x6d: {  	_ =	swait.ge @!p0 [sflag:s1], $0x8000  }
0x6e: {  	[sflag:s1] =	ssyncset.done @!p0 $0x0  }
0x6f: {  	[sflag:s1] =	ssyncadd.s32 @!p0 $0xFFFF8000  }
0x70: {  	_ =	swait.ge @!p0 [sflag:s1], $0x8000  }
0x71: {  	[sflag:s1] =	ssyncset.done @!p0 $0x0  }
0x72: {  	[sflag:s1] =	ssyncadd.s32 @!p0 $0xFFFF8000  }
0x73: {  	_ =	swait.ge [sflag:s4], $0x8000  }
0x74: {  	[sflag:s4] =	ssyncset.done $0x0  }
0x75: {  	s15 =	rddreg [dreg:$0xf];
	[sflag:s4] =	ssyncadd.s32 $0xFFFF8000  }
0x76: {  	[tilespmem:s2], [sflag:$0x4] =	stream.linear.gather [hbm4b:s15+s2], $0x8000, $0x38;
	[tilespmem:$0x18000] =	vst v63  }
0x77: {  	_ =	swait.ge [sflag:s8], $0x8000  }
0x78: {  	[sflag:s8] =	ssyncset.done $0x0  }
0x79: {  	s11 =	rddreg [dreg:$0x10];
	[sflag:s8] =	ssyncadd.s32 $0xFFFF8000  }
0x7a: {  	[hbm4b:s11+s2] =	stream.linear.scatter [tilespmem:s17], [sflag:$0x3], $0x2000, $0x38;
	[tilespmem:$0x18000] =	vst v63  }
0x7b: {  	s15 =	rddreg [dreg:$0x11]  }
0x7c: {  	[hbm4b:s15+s6] =	stream.strided.scatter [tilespmem:s2], [sflag:$0x3], $0x6000, s7, s6, $0x38;
	[tilespmem:$0x18000] =	vst v63  }
0x7d: {  	s11 =	rddreg [dreg:$0x12]  }
0x7e: {  	[hbm4b:s11+s6] =	stream.strided.scatter [tilespmem:s16], [sflag:$0x3], $0x4000, s7, s6, $0x38;
	[tilespmem:$0x18000] =	vst v63  }
0x7f: {  	s15 =	rddreg [dreg:$0x13]  }
0x80: {  	[hbm4b:s15+s6] =	stream.strided.scatter [tilespmem:s2], [sflag:$0x3], $0x4000, s7, s6, $0x38;
	[tilespmem:$0x18000] =	vst v63  }
0x81: {  	s11 =	rddreg [dreg:$0x14]  }
0x82: {  	[hbm4b:s11+s6] =	stream.strided.scatter [tilespmem:s10], [sflag:$0x3], $0x8000, s7, s6, $0x38;
	[tilespmem:$0x18000] =	vst v63  }
0x83: {  	_ =	swait.ge [sflag:s3], $0x8000  }
0x84: {  	[sflag:s3] =	ssyncset.done $0x0  }
0x85: {  	[sflag:s3] =	ssyncadd.s32 $0xFFFF8000  }
0x86: {  	_ =	swait.ge [sflag:s3], $0x8000  }
0x87: {  	[sflag:s3] =	ssyncset.done $0x0  }
0x88: {  	[sflag:s3] =	ssyncadd.s32 $0xFFFF8000  }
0x89: {  	_ =	swait.ge [sflag:s3], $0x8000  }
0x8a: {  	[sflag:s3] =	ssyncset.done $0x0  }
0x8b: {  	s15 =	rddreg [dreg:$0x15];
	[sflag:s3] =	ssyncadd.s32 $0xFFFF8000  }
0x8c: {  	[tilespmem:s5], [sflag:$0x4] =	stream.linear.gather [hbm4b:s15+s2], $0x8000, $0x38;
	[tilespmem:$0x18000] =	vst v63  }
0x8d: {  	_ =	swait.ge [sflag:s8], $0x8000  }
0x8e: {  	[sflag:s8] =	ssyncset.done $0x0  }
0x8f: {  	s11 =	rddreg [dreg:$0x16];
	[sflag:s8] =	ssyncadd.s32 $0xFFFF8000  }
0x90: {  	[hbm4b:s11+s6] =	stream.strided.scatter [tilespmem:s13], [sflag:$0x1], $0x8000, s7, s6, $0x38;
	[tilespmem:$0x18000] =	vst v63  }
0x91: {  	s15 =	rddreg [dreg:$0x17]  }
0x92: {  	[hbm4b:s15+s6] =	stream.strided.scatter [tilespmem:s14], [sflag:$0x1], $0x8000, s7, s6, $0x38;
	[tilespmem:$0x18000] =	vst v63  }
0x93: {  	s11 =	rddreg [dreg:$0x18]  }
0x94: {  	[hbm4b:s11+s6] =	stream.strided.scatter [tilespmem:s2], [sflag:$0x1], $0x8000, s7, s6, $0x38;
	[tilespmem:$0x18000] =	vst v63  }
0x95: {  	_ =	swait.ge [sflag:s12], $0x2000  }
0x96: {  	[sflag:s12] =	ssyncset.done $0x0  }
0x97: {  	[sflag:s12] =	ssyncadd.s32 $0xFFFFE000  }
0x98: {  	_ =	swait.ge [sflag:s12], $0x6000  }
0x99: {  	[sflag:s12] =	ssyncset.done $0x0  }
0x9a: {  	[sflag:s12] =	ssyncadd.s32 $0xFFFFA000  }
0x9b: {  	_ =	swait.ge [sflag:s12], $0x4000  }
0x9c: {  	[sflag:s12] =	ssyncset.done $0x0  }
0x9d: {  	[sflag:s12] =	ssyncadd.s32 $0xFFFFC000  }
0x9e: {  	_ =	swait.ge [sflag:s12], $0x4000  }
0x9f: {  	[sflag:s12] =	ssyncset.done $0x0  }
0xa0: {  	[sflag:s12] =	ssyncadd.s32 $0xFFFFC000  }
0xa1: {  	_ =	swait.ge [sflag:s12], $0x8000  }
0xa2: {  	[sflag:s12] =	ssyncset.done $0x0  }
0xa3: {  	s15 =	rddreg [dreg:$0x19];
	[sflag:s12] =	ssyncadd.s32 $0xFFFF8000  }
0xa4: {  	[tilespmem:s10], [sflag:$0x4] =	stream.linear.gather [hbm4b:s15+s2], $0x8000, $0x38;
	[tilespmem:$0x18000] =	vst v63  }
0xa5: {  	_ =	swait.ge [sflag:s8], $0x8000  }
0xa6: {  	[sflag:s8] =	ssyncset.done $0x0  }
0xa7: {  	s11 =	rddreg [dreg:$0x1a];
	[sflag:s8] =	ssyncadd.s32 $0xFFFF8000  }
0xa8: {  	[hbm4b:s11+s6] =	stream.strided.scatter [tilespmem:s9], [sflag:$0x2], $0x8000, s7, s6, $0x38;
	[tilespmem:$0x18000] =	vst v63  }
0xa9: {  	s15 =	rddreg [dreg:$0x1b]  }
0xaa: {  	[hbm4b:s15+s6] =	stream.strided.scatter [tilespmem:s7], [sflag:$0x2], $0x8000, s7, s6, $0x38;
	[tilespmem:$0x18000] =	vst v63  }
0xab: {  	s11 =	rddreg [dreg:$0x1c]  }
0xac: {  	[hbm4b:s11+s6] =	stream.strided.scatter [tilespmem:s5], [sflag:$0x2], $0x8000, s7, s6, $0x38;
	[tilespmem:$0x18000] =	vst v63  }
0xad: {  	_ =	swait.ge [sflag:s4], $0x8000  }
0xae: {  	[sflag:s4] =	ssyncset.done $0x0  }
0xaf: {  	[sflag:s4] =	ssyncadd.s32 $0xFFFF8000  }
0xb0: {  	_ =	swait.ge [sflag:s4], $0x8000  }
0xb1: {  	[sflag:s4] =	ssyncset.done $0x0  }
0xb2: {  	[sflag:s4] =	ssyncadd.s32 $0xFFFF8000  }
0xb3: {  	_ =	swait.ge [sflag:s4], $0x8000  }
0xb4: {  	[sflag:s4] =	ssyncset.done $0x0  }
0xb5: {  	s15 =	rddreg [dreg:$0x1d];
	[sflag:s4] =	ssyncadd.s32 $0xFFFF8000  }
0xb6: {  	[tilespmem:s2], [sflag:$0x4] =	stream.linear.gather [hbm4b:s15+s2], $0x8000, $0x38;
	[tilespmem:$0x18000] =	vst v63  }
0xb7: {  	_ =	swait.ge [sflag:s8], $0x8000  }
0xb8: {  	s11 =	rddreg [dreg:$0x1e];
	[sflag:s8] =	ssyncset.done $0x0  }
0xb9: {  	s15 =	rddreg [dreg:$0x1f];
	[sflag:s8] =	ssyncadd.s32 $0xFFFF8000  }
0xba: {  	[hbm4b:s11+s2] =	stream.linear.scatter [tilespmem:s17], [sflag:$0x3], $0x2000, $0x38;
	[tilespmem:$0x18000] =	vst v63  }
0xbb: {  	s11 =	sld [smem:$0x7F3]  }
0xbc: {  	[hbm4b:s15+s6] =	stream.strided.scatter [tilespmem:s2], [sflag:$0x3], $0x6000, s7, s6, $0x38;
	[tilespmem:$0x18000] =	vst v63  }
0xbd: {  	s15 =	sld [smem:$0x7F4]  }
0xbe: {  	[hbm4b:s11+s6] =	stream.strided.scatter [tilespmem:s16], [sflag:$0x3], $0x4000, s7, s6, $0x38;
	[tilespmem:$0x18000] =	vst v63  }
0xbf: {  	s11 =	sld [smem:$0x7F5]  }
0xc0: {  	[hbm4b:s15+s6] =	stream.strided.scatter [tilespmem:s2], [sflag:$0x3], $0x4000, s7, s6, $0x38;
	[tilespmem:$0x18000] =	vst v63  }
0xc1: {  	_ = 	snop  }
0xc2: {  	[hbm4b:s11+s6] =	stream.strided.scatter [tilespmem:s10], [sflag:$0x3], $0x8000, s7, s6, $0x38;
	[tilespmem:$0x18000] =	vst v63  }
0xc3: {  	_ =	swait.ge [sflag:s3], $0x8000  }
0xc4: {  	[sflag:s3] =	ssyncset.done $0x0  }
0xc5: {  	[sflag:s3] =	ssyncadd.s32 $0xFFFF8000  }
0xc6: {  	_ =	swait.ge [sflag:s3], $0x8000  }
0xc7: {  	[sflag:s3] =	ssyncset.done $0x0  }
0xc8: {  	[sflag:s3] =	ssyncadd.s32 $0xFFFF8000  }
0xc9: {  	_ =	swait.ge [sflag:s3], $0x8000  }
0xca: {  	s15 =	sld [smem:$0x7F6]  }
0xcb: {  	[sflag:s3] =	ssyncset.done $0x0  }
0xcc: {  	[sflag:s3] =	ssyncadd.s32 $0xFFFF8000  }
0xcd: {  	[tilespmem:s5], [sflag:$0x4] =	stream.linear.gather [hbm4b:s15+s2], $0x8000, $0x38;
	[tilespmem:$0x18000] =	vst v63  }
0xce: {  	_ =	swait.ge [sflag:s8], $0x8000  }
0xcf: {  	s11 =	sld [smem:$0x7F7]  }
0xd0: {  	[sflag:s8] =	ssyncset.done $0x0  }
0xd1: {  	s15 =	sld [smem:$0x7F8];
	[sflag:s8] =	ssyncadd.s32 $0xFFFF8000  }
0xd2: {  	[hbm4b:s11+s6] =	stream.strided.scatter [tilespmem:s13], [sflag:$0x1], $0x8000, s7, s6, $0x38;
	[tilespmem:$0x18000] =	vst v63  }
0xd3: {  	s11 =	sld [smem:$0x7F9]  }
0xd4: {  	[hbm4b:s15+s6] =	stream.strided.scatter [tilespmem:s14], [sflag:$0x1], $0x8000, s7, s6, $0x38;
	[tilespmem:$0x18000] =	vst v63  }
0xd5: {  	_ = 	snop  }
0xd6: {  	[hbm4b:s11+s6] =	stream.strided.scatter [tilespmem:s2], [sflag:$0x1], $0x8000, s7, s6, $0x38;
	[tilespmem:$0x18000] =	vst v63  }
0xd7: {  	_ =	swait.ge [sflag:s12], $0x2000  }
0xd8: {  	[sflag:s12] =	ssyncset.done $0x0  }
0xd9: {  	[sflag:s12] =	ssyncadd.s32 $0xFFFFE000  }
0xda: {  	_ =	swait.ge [sflag:s12], $0x6000  }
0xdb: {  	[sflag:s12] =	ssyncset.done $0x0  }
0xdc: {  	[sflag:s12] =	ssyncadd.s32 $0xFFFFA000  }
0xdd: {  	_ =	swait.ge [sflag:s12], $0x4000  }
0xde: {  	[sflag:s12] =	ssyncset.done $0x0  }
0xdf: {  	[sflag:s12] =	ssyncadd.s32 $0xFFFFC000  }
0xe0: {  	_ =	swait.ge [sflag:s12], $0x4000  }
0xe1: {  	[sflag:s12] =	ssyncset.done $0x0  }
0xe2: {  	[sflag:s12] =	ssyncadd.s32 $0xFFFFC000  }
0xe3: {  	_ =	swait.ge [sflag:s12], $0x8000  }
0xe4: {  	s15 =	sld [smem:$0x7FA]  }
0xe5: {  	[sflag:s12] =	ssyncset.done $0x0  }
0xe6: {  	[sflag:s12] =	ssyncadd.s32 $0xFFFF8000  }
0xe7: {  	[tilespmem:s10], [sflag:$0x4] =	stream.linear.gather [hbm4b:s15+s2], $0x8000, $0x38;
	[tilespmem:$0x18000] =	vst v63  }
0xe8: {  	_ =	swait.ge [sflag:s8], $0x8000  }
0xe9: {  	s11 =	sld [smem:$0x7FB]  }
0xea: {  	[sflag:s8] =	ssyncset.done $0x0  }
0xeb: {  	s15 =	sld [smem:$0x7FC];
	[sflag:s8] =	ssyncadd.s32 $0xFFFF8000  }
0xec: {  	[hbm4b:s11+s6] =	stream.strided.scatter [tilespmem:s9], [sflag:$0x2], $0x8000, s7, s6, $0x38;
	[tilespmem:$0x18000] =	vst v63  }
0xed: {  	s11 =	sld [smem:$0x7FD]  }
0xee: {  	[hbm4b:s15+s6] =	stream.strided.scatter [tilespmem:s7], [sflag:$0x2], $0x8000, s7, s6, $0x38;
	[tilespmem:$0x18000] =	vst v63  }
0xef: {  	_ = 	snop  }
0xf0: {  	[hbm4b:s11+s6] =	stream.strided.scatter [tilespmem:s5], [sflag:$0x2], $0x8000, s7, s6, $0x38;
	[tilespmem:$0x18000] =	vst v63  }
0xf1: {  	_ =	swait.ge [sflag:s4], $0x8000  }
0xf2: {  	[sflag:s4] =	ssyncset.done $0x0  }
0xf3: {  	[sflag:s4] =	ssyncadd.s32 $0xFFFF8000  }
0xf4: {  	_ =	swait.ge [sflag:s4], $0x8000  }
0xf5: {  	[sflag:s4] =	ssyncset.done $0x0  }
0xf6: {  	[sflag:s4] =	ssyncadd.s32 $0xFFFF8000  }
0xf7: {  	_ =	swait.ge [sflag:s4], $0x8000  }
0xf8: {  	[sflag:s4] =	ssyncset.done $0x0  }
0xf9: {  	[sflag:s4] =	ssyncadd.s32 $0xFFFF8000  }
0xfa: {  	_ =	swait.ge [sflag:s3], $0x8000  }
0xfb: {  	s0 =	sadd.s32 $0xFFFFFFFF, s0;
	[sflag:s3] =	ssyncset.done $0x0  }
0xfc: {  	p2 =	sne.s32 s0, $0x0;
	[sflag:s3] =	ssyncadd.s32 $0xFFFF8000  }
.Ltmp1:
0xfd: {  	_ =	swait.ge [sflag:s3], $0x8000;
	(pc) =	sbr.rel @!p2 .LBB2_2-.Ltmp1, $4  }
0xfe: {  	[sflag:s3] =	ssyncset.done $0x0  }
0xff: {  	[sflag:s3] =	ssyncadd.s32 $0xFFFF8000  }
0x100: {  	_ =	swait.ge [sflag:s3], $0x8000  }
0x101: {  	p1 =	por $0x1, $0x1;
	s11 =	rddreg [dreg:$0x3];
	[sflag:s3] =	ssyncset.done $0x0  }
.LBB2_3:
0x102: {  	[sflag:s3] =	ssyncadd.s32 $0xFFFF8000  }
0x103: {  	[tilespmem:s18], [sflag:$0x4] =	stream.linear.gather @!p0 [hbm4b:s11+s18], $0x8000, $0x38;
	[tilespmem:$0x18000] =	vst v63  }
0x104: {  	_ =	swait.ge @!p0 [sflag:s19], $0x8000  }
0x105: {  	[sflag:s19] =	ssyncset.done @!p0 $0x0  }
0x106: {  	s15 =	rddreg [dreg:$0x4];
	[sflag:s19] =	ssyncadd.s32 @!p0 $0xFFFF8000  }
0x107: {  	[tilespmem:s5], [sflag:$0x4] =	stream.linear.gather [hbm4b:s15+s2], $0x8000, $0x38;
	[tilespmem:$0x18000] =	vst v63  }
0x108: {  	_ =	swait.ge [sflag:s8], $0x8000  }
0x109: {  	[sflag:s8] =	ssyncset.done $0x0  }
0x10a: {  	s11 =	rddreg [dreg:$0x7];
	[sflag:s8] =	ssyncadd.s32 $0xFFFF8000  }
0x10b: {  	[hbm4b:s11+s21] =	stream.linear.scatter @p0 [tilespmem:s20], [sflag:$0x1], $0x2000, $0x38;
	[tilespmem:$0x18000] =	vst v63  }
0x10c: {  	s15 =	rddreg [dreg:$0x8]  }
0x10d: {  	[hbm4b:s15+s22] =	stream.strided.scatter @p0 [tilespmem:s20], [sflag:$0x1], $0x6000, s23, s22, $0x38;
	[tilespmem:$0x18000] =	vst v63  }
0x10e: {  	s11 =	rddreg [dreg:$0x9]  }
0x10f: {  	[hbm4b:s11+s22] =	stream.strided.scatter @p0 [tilespmem:s20], [sflag:$0x1], $0x4000, s23, s22, $0x38;
	[tilespmem:$0x18000] =	vst v63  }
0x110: {  	s15 =	rddreg [dreg:$0xa]  }
0x111: {  	[hbm4b:s15+s22] =	stream.strided.scatter @p0 [tilespmem:s20], [sflag:$0x1], $0x4000, s23, s22, $0x38;
	[tilespmem:$0x18000] =	vst v63  }
0x112: {  	s11 =	rddreg [dreg:$0x5]  }
0x113: {  	[hbm4b:s11+s25] =	stream.strided.scatter @!p0 [tilespmem:s24], [sflag:$0x1], $0x8000, s26, s25, $0x38;
	[tilespmem:$0x18000] =	vst v63  }
0x114: {  	s15 =	rddreg [dreg:$0x6]  }
0x115: {  	[hbm4b:s15+s25] =	stream.strided.scatter @!p0 [tilespmem:s28], [sflag:$0x1], $0x8000, s26, s25, $0x38;
	[tilespmem:$0x18000] =	vst v63  }
0x116: {  	_ = 	snop  }
0x117: {  	[hbm4b:s30+s6] =	stream.strided.scatter [tilespmem:s29], [sflag:$0x1], $0x8000, s7, s6, $0x38;
	[tilespmem:$0x18000] =	vst v63  }
0x118: {  	s15 =	rddreg [dreg:$0xb]  }
0x119: {  	[tilespmem:s10], [sflag:$0x4] =	stream.linear.gather [hbm4b:s15+s2], $0x8000, $0x38;
	[tilespmem:$0x18000] =	vst v63  }
0x11a: {  	_ =	swait.ge [sflag:s8], $0x8000  }
0x11b: {  	[sflag:s8] =	ssyncset.done $0x0  }
0x11c: {  	s11 =	rddreg [dreg:$0xc];
	[sflag:s8] =	ssyncadd.s32 $0xFFFF8000  }
0x11d: {  	[hbm4b:s11+s6] =	stream.strided.scatter [tilespmem:s9], [sflag:$0x2], $0x8000, s7, s6, $0x38;
	[tilespmem:$0x18000] =	vst v63  }
0x11e: {  	s15 =	rddreg [dreg:$0xd]  }
0x11f: {  	[hbm4b:s15+s6] =	stream.strided.scatter [tilespmem:s7], [sflag:$0x2], $0x8000, s7, s6, $0x38;
	[tilespmem:$0x18000] =	vst v63  }
0x120: {  	s11 =	rddreg [dreg:$0xe]  }
0x121: {  	[hbm4b:s11+s6] =	stream.strided.scatter [tilespmem:s5], [sflag:$0x2], $0x8000, s7, s6, $0x38;
	[tilespmem:$0x18000] =	vst v63  }
0x122: {  	_ =	swait.ge @p0 [sflag:s31], $0x2000  }
0x123: {  	[sflag:s31] =	ssyncset.done @p0 $0x0  }
0x124: {  	[sflag:s31] =	ssyncadd.s32 @p0 $0xFFFFE000  }
0x125: {  	_ =	swait.ge @p0 [sflag:s31], $0x6000  }
0x126: {  	[sflag:s31] =	ssyncset.done @p0 $0x0  }
0x127: {  	[sflag:s31] =	ssyncadd.s32 @p0 $0xFFFFA000  }
0x128: {  	_ =	swait.ge @p0 [sflag:s31], $0x4000  }
0x129: {  	[sflag:s31] =	ssyncset.done @p0 $0x0  }
0x12a: {  	[sflag:s31] =	ssyncadd.s32 @p0 $0xFFFFC000  }
0x12b: {  	_ =	swait.ge @p0 [sflag:s31], $0x4000  }
0x12c: {  	[sflag:s31] =	ssyncset.done @p0 $0x0  }
0x12d: {  	[sflag:s31] =	ssyncadd.s32 @p0 $0xFFFFC000  }
0x12e: {  	_ =	swait.ge @!p0 [sflag:s1], $0x8000  }
0x12f: {  	[sflag:s1] =	ssyncset.done @!p0 $0x0  }
0x130: {  	[sflag:s1] =	ssyncadd.s32 @!p0 $0xFFFF8000  }
0x131: {  	_ =	swait.ge @!p0 [sflag:s1], $0x8000  }
0x132: {  	[sflag:s1] =	ssyncset.done @!p0 $0x0  }
0x133: {  	[sflag:s1] =	ssyncadd.s32 @!p0 $0xFFFF8000  }
0x134: {  	_ =	swait.ge [sflag:s4], $0x8000  }
0x135: {  	[sflag:s4] =	ssyncset.done $0x0  }
0x136: {  	s15 =	rddreg [dreg:$0xf];
	[sflag:s4] =	ssyncadd.s32 $0xFFFF8000  }
0x137: {  	[tilespmem:s2], [sflag:$0x4] =	stream.linear.gather [hbm4b:s15+s2], $0x8000, $0x38;
	[tilespmem:$0x18000] =	vst v63  }
0x138: {  	_ =	swait.ge [sflag:s8], $0x8000  }
0x139: {  	[sflag:s8] =	ssyncset.done $0x0  }
0x13a: {  	s11 =	rddreg [dreg:$0x10];
	[sflag:s8] =	ssyncadd.s32 $0xFFFF8000  }
0x13b: {  	[hbm4b:s11+s2] =	stream.linear.scatter [tilespmem:s17], [sflag:$0x3], $0x2000, $0x38;
	[tilespmem:$0x18000] =	vst v63  }
0x13c: {  	s15 =	rddreg [dreg:$0x11]  }
0x13d: {  	[hbm4b:s15+s6] =	stream.strided.scatter [tilespmem:s2], [sflag:$0x3], $0x6000, s7, s6, $0x38;
	[tilespmem:$0x18000] =	vst v63  }
0x13e: {  	s11 =	rddreg [dreg:$0x12]  }
0x13f: {  	[hbm4b:s11+s6] =	stream.strided.scatter [tilespmem:s16], [sflag:$0x3], $0x4000, s7, s6, $0x38;
	[tilespmem:$0x18000] =	vst v63  }
0x140: {  	s15 =	rddreg [dreg:$0x13]  }
0x141: {  	[hbm4b:s15+s6] =	stream.strided.scatter [tilespmem:s2], [sflag:$0x3], $0x4000, s7, s6, $0x38;
	[tilespmem:$0x18000] =	vst v63  }
0x142: {  	s11 =	rddreg [dreg:$0x14]  }
0x143: {  	[hbm4b:s11+s6] =	stream.strided.scatter [tilespmem:s10], [sflag:$0x3], $0x8000, s7, s6, $0x38;
	[tilespmem:$0x18000] =	vst v63  }
0x144: {  	_ =	swait.ge [sflag:s3], $0x8000  }
0x145: {  	[sflag:s3] =	ssyncset.done $0x0  }
0x146: {  	[sflag:s3] =	ssyncadd.s32 $0xFFFF8000  }
0x147: {  	_ =	swait.ge [sflag:s3], $0x8000  }
0x148: {  	[sflag:s3] =	ssyncset.done $0x0  }
0x149: {  	[sflag:s3] =	ssyncadd.s32 $0xFFFF8000  }
0x14a: {  	_ =	swait.ge [sflag:s3], $0x8000  }
0x14b: {  	[sflag:s3] =	ssyncset.done $0x0  }
0x14c: {  	s15 =	rddreg [dreg:$0x15];
	[sflag:s3] =	ssyncadd.s32 $0xFFFF8000  }
0x14d: {  	[tilespmem:s5], [sflag:$0x4] =	stream.linear.gather [hbm4b:s15+s2], $0x8000, $0x38;
	[tilespmem:$0x18000] =	vst v63  }
0x14e: {  	_ =	swait.ge [sflag:s8], $0x8000  }
0x14f: {  	[sflag:s8] =	ssyncset.done $0x0  }
0x150: {  	s11 =	rddreg [dreg:$0x16];
	[sflag:s8] =	ssyncadd.s32 $0xFFFF8000  }
0x151: {  	[hbm4b:s11+s6] =	stream.strided.scatter [tilespmem:s13], [sflag:$0x1], $0x8000, s7, s6, $0x38;
	[tilespmem:$0x18000] =	vst v63  }
0x152: {  	s15 =	rddreg [dreg:$0x17]  }
0x153: {  	[hbm4b:s15+s6] =	stream.strided.scatter [tilespmem:s14], [sflag:$0x1], $0x8000, s7, s6, $0x38;
	[tilespmem:$0x18000] =	vst v63  }
0x154: {  	s11 =	rddreg [dreg:$0x18]  }
0x155: {  	[hbm4b:s11+s6] =	stream.strided.scatter [tilespmem:s2], [sflag:$0x1], $0x8000, s7, s6, $0x38;
	[tilespmem:$0x18000] =	vst v63  }
0x156: {  	_ =	swait.ge [sflag:s12], $0x2000  }
0x157: {  	[sflag:s12] =	ssyncset.done $0x0  }
0x158: {  	[sflag:s12] =	ssyncadd.s32 $0xFFFFE000  }
0x159: {  	_ =	swait.ge [sflag:s12], $0x6000  }
0x15a: {  	[sflag:s12] =	ssyncset.done $0x0  }
0x15b: {  	[sflag:s12] =	ssyncadd.s32 $0xFFFFA000  }
0x15c: {  	_ =	swait.ge [sflag:s12], $0x4000  }
0x15d: {  	[sflag:s12] =	ssyncset.done $0x0  }
0x15e: {  	[sflag:s12] =	ssyncadd.s32 $0xFFFFC000  }
0x15f: {  	_ =	swait.ge [sflag:s12], $0x4000  }
0x160: {  	[sflag:s12] =	ssyncset.done $0x0  }
0x161: {  	[sflag:s12] =	ssyncadd.s32 $0xFFFFC000  }
0x162: {  	_ =	swait.ge [sflag:s12], $0x8000  }
0x163: {  	[sflag:s12] =	ssyncset.done $0x0  }
0x164: {  	s15 =	rddreg [dreg:$0x19];
	[sflag:s12] =	ssyncadd.s32 $0xFFFF8000  }
0x165: {  	[tilespmem:s10], [sflag:$0x4] =	stream.linear.gather [hbm4b:s15+s2], $0x8000, $0x38;
	[tilespmem:$0x18000] =	vst v63  }
0x166: {  	_ =	swait.ge [sflag:s8], $0x8000  }
0x167: {  	[sflag:s8] =	ssyncset.done $0x0  }
0x168: {  	s11 =	rddreg [dreg:$0x1a];
	[sflag:s8] =	ssyncadd.s32 $0xFFFF8000  }
0x169: {  	[hbm4b:s11+s6] =	stream.strided.scatter [tilespmem:s9], [sflag:$0x2], $0x8000, s7, s6, $0x38;
	[tilespmem:$0x18000] =	vst v63  }
0x16a: {  	s15 =	rddreg [dreg:$0x1b]  }
0x16b: {  	[hbm4b:s15+s6] =	stream.strided.scatter [tilespmem:s7], [sflag:$0x2], $0x8000, s7, s6, $0x38;
	[tilespmem:$0x18000] =	vst v63  }
0x16c: {  	s11 =	rddreg [dreg:$0x1c]  }
0x16d: {  	[hbm4b:s11+s6] =	stream.strided.scatter [tilespmem:s5], [sflag:$0x2], $0x8000, s7, s6, $0x38;
	[tilespmem:$0x18000] =	vst v63  }
0x16e: {  	_ =	swait.ge [sflag:s4], $0x8000  }
0x16f: {  	[sflag:s4] =	ssyncset.done $0x0  }
0x170: {  	[sflag:s4] =	ssyncadd.s32 $0xFFFF8000  }
0x171: {  	_ =	swait.ge [sflag:s4], $0x8000  }
0x172: {  	[sflag:s4] =	ssyncset.done $0x0  }
0x173: {  	[sflag:s4] =	ssyncadd.s32 $0xFFFF8000  }
0x174: {  	_ =	swait.ge [sflag:s4], $0x8000  }
0x175: {  	[sflag:s4] =	ssyncset.done $0x0  }
0x176: {  	s15 =	rddreg [dreg:$0x1d];
	[sflag:s4] =	ssyncadd.s32 $0xFFFF8000  }
0x177: {  	[tilespmem:s2], [sflag:$0x4] =	stream.linear.gather [hbm4b:s15+s2], $0x8000, $0x38;
	[tilespmem:$0x18000] =	vst v63  }
0x178: {  	_ =	swait.ge [sflag:s8], $0x8000  }
0x179: {  	s11 =	rddreg [dreg:$0x1e];
	[sflag:s8] =	ssyncset.done $0x0  }
0x17a: {  	s15 =	rddreg [dreg:$0x1f];
	[sflag:s8] =	ssyncadd.s32 $0xFFFF8000  }
0x17b: {  	[hbm4b:s11+s2] =	stream.linear.scatter [tilespmem:s17], [sflag:$0x3], $0x2000, $0x38;
	[tilespmem:$0x18000] =	vst v63  }
0x17c: {  	s11 =	sld [smem:$0x7F3]  }
0x17d: {  	[hbm4b:s15+s6] =	stream.strided.scatter [tilespmem:s2], [sflag:$0x3], $0x6000, s7, s6, $0x38;
	[tilespmem:$0x18000] =	vst v63  }
0x17e: {  	s15 =	sld [smem:$0x7F4]  }
0x17f: {  	[hbm4b:s11+s6] =	stream.strided.scatter [tilespmem:s16], [sflag:$0x3], $0x4000, s7, s6, $0x38;
	[tilespmem:$0x18000] =	vst v63  }
0x180: {  	s11 =	sld [smem:$0x7F5]  }
0x181: {  	[hbm4b:s15+s6] =	stream.strided.scatter [tilespmem:s2], [sflag:$0x3], $0x4000, s7, s6, $0x38;
	[tilespmem:$0x18000] =	vst v63  }
0x182: {  	_ = 	snop  }
0x183: {  	[hbm4b:s11+s6] =	stream.strided.scatter [tilespmem:s10], [sflag:$0x3], $0x8000, s7, s6, $0x38;
	[tilespmem:$0x18000] =	vst v63  }
0x184: {  	_ =	swait.ge [sflag:s3], $0x8000  }
0x185: {  	[sflag:s3] =	ssyncset.done $0x0  }
0x186: {  	[sflag:s3] =	ssyncadd.s32 $0xFFFF8000  }
0x187: {  	_ =	swait.ge [sflag:s3], $0x8000  }
0x188: {  	[sflag:s3] =	ssyncset.done $0x0  }
0x189: {  	[sflag:s3] =	ssyncadd.s32 $0xFFFF8000  }
0x18a: {  	_ =	swait.ge [sflag:s3], $0x8000  }
0x18b: {  	s15 =	sld [smem:$0x7F6]  }
0x18c: {  	[sflag:s3] =	ssyncset.done $0x0  }
0x18d: {  	[sflag:s3] =	ssyncadd.s32 $0xFFFF8000  }
0x18e: {  	[tilespmem:s5], [sflag:$0x4] =	stream.linear.gather [hbm4b:s15+s2], $0x8000, $0x38;
	[tilespmem:$0x18000] =	vst v63  }
0x18f: {  	_ =	swait.ge [sflag:s8], $0x8000  }
0x190: {  	s11 =	sld [smem:$0x7F7]  }
0x191: {  	[sflag:s8] =	ssyncset.done $0x0  }
0x192: {  	s15 =	sld [smem:$0x7F8];
	[sflag:s8] =	ssyncadd.s32 $0xFFFF8000  }
0x193: {  	[hbm4b:s11+s6] =	stream.strided.scatter [tilespmem:s13], [sflag:$0x1], $0x8000, s7, s6, $0x38;
	[tilespmem:$0x18000] =	vst v63  }
0x194: {  	s11 =	sld [smem:$0x7F9]  }
0x195: {  	[hbm4b:s15+s6] =	stream.strided.scatter [tilespmem:s14], [sflag:$0x1], $0x8000, s7, s6, $0x38;
	[tilespmem:$0x18000] =	vst v63  }
0x196: {  	_ = 	snop  }
0x197: {  	[hbm4b:s11+s6] =	stream.strided.scatter [tilespmem:s2], [sflag:$0x1], $0x8000, s7, s6, $0x38;
	[tilespmem:$0x18000] =	vst v63  }
0x198: {  	_ =	swait.ge [sflag:s12], $0x2000  }
0x199: {  	[sflag:s12] =	ssyncset.done $0x0  }
0x19a: {  	[sflag:s12] =	ssyncadd.s32 $0xFFFFE000  }
0x19b: {  	_ =	swait.ge [sflag:s12], $0x6000  }
0x19c: {  	[sflag:s12] =	ssyncset.done $0x0  }
0x19d: {  	[sflag:s12] =	ssyncadd.s32 $0xFFFFA000  }
0x19e: {  	_ =	swait.ge [sflag:s12], $0x4000  }
0x19f: {  	[sflag:s12] =	ssyncset.done $0x0  }
0x1a0: {  	[sflag:s12] =	ssyncadd.s32 $0xFFFFC000  }
0x1a1: {  	_ =	swait.ge [sflag:s12], $0x4000  }
0x1a2: {  	[sflag:s12] =	ssyncset.done $0x0  }
0x1a3: {  	[sflag:s12] =	ssyncadd.s32 $0xFFFFC000  }
0x1a4: {  	_ =	swait.ge [sflag:s12], $0x8000  }
0x1a5: {  	s15 =	sld [smem:$0x7FA]  }
0x1a6: {  	[sflag:s12] =	ssyncset.done $0x0  }
0x1a7: {  	[sflag:s12] =	ssyncadd.s32 $0xFFFF8000  }
0x1a8: {  	[tilespmem:s10], [sflag:$0x4] =	stream.linear.gather [hbm4b:s15+s2], $0x8000, $0x38;
	[tilespmem:$0x18000] =	vst v63  }
0x1a9: {  	_ =	swait.ge [sflag:s8], $0x8000  }
0x1aa: {  	s11 =	sld [smem:$0x7FB]  }
0x1ab: {  	[sflag:s8] =	ssyncset.done $0x0  }
0x1ac: {  	s15 =	sld [smem:$0x7FC];
	[sflag:s8] =	ssyncadd.s32 $0xFFFF8000  }
0x1ad: {  	[hbm4b:s11+s6] =	stream.strided.scatter [tilespmem:s9], [sflag:$0x2], $0x8000, s7, s6, $0x38;
	[tilespmem:$0x18000] =	vst v63  }
0x1ae: {  	s11 =	sld [smem:$0x7FD]  }
0x1af: {  	[hbm4b:s15+s6] =	stream.strided.scatter [tilespmem:s7], [sflag:$0x2], $0x8000, s7, s6, $0x38;
	[tilespmem:$0x18000] =	vst v63  }
0x1b0: {  	_ = 	snop  }
0x1b1: {  	[hbm4b:s11+s6] =	stream.strided.scatter [tilespmem:s5], [sflag:$0x2], $0x8000, s7, s6, $0x38;
	[tilespmem:$0x18000] =	vst v63  }
0x1b2: {  	_ =	swait.ge [sflag:s4], $0x8000  }
0x1b3: {  	[sflag:s4] =	ssyncset.done $0x0  }
0x1b4: {  	[sflag:s4] =	ssyncadd.s32 $0xFFFF8000  }
0x1b5: {  	_ =	swait.ge [sflag:s4], $0x8000  }
0x1b6: {  	[sflag:s4] =	ssyncset.done $0x0  }
0x1b7: {  	[sflag:s4] =	ssyncadd.s32 $0xFFFF8000  }
0x1b8: {  	_ =	swait.ge [sflag:s4], $0x8000  }
0x1b9: {  	[sflag:s4] =	ssyncset.done $0x0  }
0x1ba: {  	[sflag:s4] =	ssyncadd.s32 $0xFFFF8000  }
0x1bb: {  	_ =	swait.ge [sflag:s3], $0x8000  }
0x1bc: {  	s0 =	sadd.s32 $0xFFFFFFFF, s0;
	[sflag:s3] =	ssyncset.done $0x0  }
0x1bd: {  	p2 =	sne.s32 s0, $0x0;
	[sflag:s3] =	ssyncadd.s32 $0xFFFF8000  }
.Ltmp2:
0x1be: {  	_ =	swait.ge [sflag:s3], $0x8000;
	(pc) =	sbr.rel @p2 .LBB2_3-.Ltmp2, $4  }
0x1bf: {  	[sflag:s3] =	ssyncset.done $0x0  }
0x1c0: {  	[sflag:s3] =	ssyncadd.s32 $0xFFFF8000  }
0x1c1: {  	_ =	swait.ge [sflag:s3], $0x8000  }
0x1c2: {  	s11 =	rddreg [dreg:$0x3];
	[sflag:s3] =	ssyncset.done $0x0  }
0x1c3: {  	s22 =	rddreg [dreg:$0x2]  }
0x1c4: {  	s30 =	sld [smem:$0x7F1]  }
0x1c5: {  	s21 =	stileid.u32;
	s31 =	sld [smem:$0x7F2]  }
.LBB2_5:
0x1c6: {  	[sflag:s3] =	ssyncadd.s32 @p1 $0xFFFF8000;
	s0 =	simm.s32 @!p0 $0x0;
	s1 =	simm.s32 @!p0 $0x4  }
0x1c7: {  	[tilespmem:s0], [sflag:$0x4] =	stream.linear.gather @!p0 [hbm4b:s11+s0], $0x8000, $0x38;
	[tilespmem:$0x18000] =	vst v63  }
0x1c8: {  	_ =	swait.ge @!p0 [sflag:s1], $0x8000  }
0x1c9: {  	[sflag:s1] =	ssyncset.done @!p0 $0x0  }
0x1ca: {  	s25 =	rddreg [dreg:$0x4];
	[sflag:s1] =	ssyncadd.s32 @!p0 $0xFFFF8000  }
0x1cb: {  	[tilespmem:s5], [sflag:$0x4] =	stream.linear.gather [hbm4b:s25+s2], $0x8000, $0x38;
	[tilespmem:$0x18000] =	vst v63  }
0x1cc: {  	_ =	swait.ge [sflag:s8], $0x8000  }
0x1cd: {  	s15 =	simm.s32 @p0 $0x0;
	s1 =	rddreg [dreg:$0x7];
	[sflag:s8] =	ssyncset.done $0x0  }
0x1ce: {  	s11 =	simm.s32 @p0 $0x8000;
	s18 =	rddreg [dreg:$0x8];
	[sflag:s8] =	ssyncadd.s32 $0xFFFF8000  }
0x1cf: {  	[hbm4b:s1+s15] =	stream.linear.scatter @p0 [tilespmem:s11], [sflag:$0x1], $0x2000, $0x38;
	[tilespmem:$0x18000] =	vst v63  }
0x1d0: {  	s19 =	rddreg [dreg:$0x9];
	s1 =	simm.s32 @p0 $0x2000;
	s15 =	simm.s32 @p0 $0xC000  }
0x1d1: {  	[hbm4b:s18+s1] =	stream.strided.scatter @p0 [tilespmem:s11], [sflag:$0x1], $0x6000, s15, s1, $0x38;
	[tilespmem:$0x18000] =	vst v63  }
0x1d2: {  	s20 =	rddreg [dreg:$0x5]  }
0x1d3: {  	[hbm4b:s19+s1] =	stream.strided.scatter @p0 [tilespmem:s11], [sflag:$0x1], $0x4000, s15, s1, $0x38;
	[tilespmem:$0x18000] =	vst v63  }
0x1d4: {  	s18 =	rddreg [dreg:$0xa]  }
0x1d5: {  	[hbm4b:s18+s1] =	stream.strided.scatter @p0 [tilespmem:s11], [sflag:$0x1], $0x4000, s15, s1, $0x38;
	[tilespmem:$0x18000] =	vst v63  }
0x1d6: {  	s19 =	simm.s32 @!p0 $0x6000;
	s1 =	simm.s32 @!p0 $0x2000;
	s11 =	simm.s32 @!p0 $0xC000  }
0x1d7: {  	[hbm4b:s20+s1] =	stream.strided.scatter @!p0 [tilespmem:s19], [sflag:$0x1], $0x8000, s11, s1, $0x38;
	[tilespmem:$0x18000] =	vst v63  }
0x1d8: {  	s15 =	rddreg [dreg:$0x6];
	s18 =	simm.s32 @!p0 $0x4000  }
0x1d9: {  	[hbm4b:s15+s1] =	stream.strided.scatter @!p0 [tilespmem:s18], [sflag:$0x1], $0x8000, s11, s1, $0x38;
	[tilespmem:$0x18000] =	vst v63  }
0x1da: {  	s0 =	simm.s32 @p0 $0x8000;
	s26 =	sadd.s32 s30, s31  }
0x1db: {  	[hbm4b:s26+s6] =	stream.strided.scatter [tilespmem:s0], [sflag:$0x1], $0x8000, s7, s6, $0x38;
	[tilespmem:$0x18000] =	vst v63  }
0x1dc: {  	s28 =	rddreg [dreg:$0xb]  }
0x1dd: {  	[tilespmem:s10], [sflag:$0x4] =	stream.linear.gather [hbm4b:s28+s2], $0x8000, $0x38;
	[tilespmem:$0x18000] =	vst v63  }
0x1de: {  	_ =	swait.ge [sflag:s8], $0x8000  }
0x1df: {  	[sflag:s8] =	ssyncset.done $0x0  }
0x1e0: {  	s29 =	rddreg [dreg:$0xc];
	[sflag:s8] =	ssyncadd.s32 $0xFFFF8000  }
0x1e1: {  	[hbm4b:s29+s6] =	stream.strided.scatter [tilespmem:s9], [sflag:$0x2], $0x8000, s7, s6, $0x38;
	[tilespmem:$0x18000] =	vst v63  }
0x1e2: {  	s30 =	rddreg [dreg:$0xd]  }
0x1e3: {  	[hbm4b:s30+s6] =	stream.strided.scatter [tilespmem:s7], [sflag:$0x2], $0x8000, s7, s6, $0x38;
	[tilespmem:$0x18000] =	vst v63  }
0x1e4: {  	s1 =	simm.s32 @p0 $0x1;
	s31 =	rddreg [dreg:$0xe]  }
0x1e5: {  	[hbm4b:s31+s6] =	stream.strided.scatter [tilespmem:s5], [sflag:$0x2], $0x8000, s7, s6, $0x38;
	[tilespmem:$0x18000] =	vst v63  }
0x1e6: {  	_ =	swait.ge @p0 [sflag:s1], $0x2000  }
0x1e7: {  	[sflag:s1] =	ssyncset.done @p0 $0x0  }
0x1e8: {  	[sflag:s1] =	ssyncadd.s32 @p0 $0xFFFFE000  }
0x1e9: {  	_ =	swait.ge @p0 [sflag:s1], $0x6000  }
0x1ea: {  	[sflag:s1] =	ssyncset.done @p0 $0x0  }
0x1eb: {  	[sflag:s1] =	ssyncadd.s32 @p0 $0xFFFFA000  }
0x1ec: {  	_ =	swait.ge @p0 [sflag:s1], $0x4000  }
0x1ed: {  	[sflag:s1] =	ssyncset.done @p0 $0x0  }
0x1ee: {  	[sflag:s1] =	ssyncadd.s32 @p0 $0xFFFFC000  }
0x1ef: {  	_ =	swait.ge @p0 [sflag:s1], $0x4000  }
0x1f0: {  	[sflag:s1] =	ssyncset.done @p0 $0x0  }
0x1f1: {  	s0 =	simm.s32 @!p0 $0x1;
	[sflag:s1] =	ssyncadd.s32 @p0 $0xFFFFC000  }
0x1f2: {  	_ =	swait.ge @!p0 [sflag:s0], $0x8000  }
0x1f3: {  	[sflag:s0] =	ssyncset.done @!p0 $0x0  }
0x1f4: {  	[sflag:s0] =	ssyncadd.s32 @!p0 $0xFFFF8000  }
0x1f5: {  	_ =	swait.ge @!p0 [sflag:s0], $0x8000  }
0x1f6: {  	[sflag:s0] =	ssyncset.done @!p0 $0x0  }
0x1f7: {  	[sflag:s0] =	ssyncadd.s32 @!p0 $0xFFFF8000  }
0x1f8: {  	_ =	swait.ge [sflag:s4], $0x8000  }
0x1f9: {  	[sflag:s4] =	ssyncset.done $0x0  }
0x1fa: {  	s1 =	rddreg [dreg:$0xf];
	[sflag:s4] =	ssyncadd.s32 $0xFFFF8000  }
0x1fb: {  	[tilespmem:s2], [sflag:$0x4] =	stream.linear.gather [hbm4b:s1+s2], $0x8000, $0x38;
	[tilespmem:$0x18000] =	vst v63  }
0x1fc: {  	_ =	swait.ge [sflag:s8], $0x8000  }
0x1fd: {  	[sflag:s8] =	ssyncset.done $0x0  }
0x1fe: {  	s11 =	rddreg [dreg:$0x10];
	[sflag:s8] =	ssyncadd.s32 $0xFFFF8000  }
0x1ff: {  	[hbm4b:s11+s2] =	stream.linear.scatter [tilespmem:s17], [sflag:$0x3], $0x2000, $0x38;
	[tilespmem:$0x18000] =	vst v63  }
0x200: {  	s15 =	rddreg [dreg:$0x11]  }
0x201: {  	[hbm4b:s15+s6] =	stream.strided.scatter [tilespmem:s2], [sflag:$0x3], $0x6000, s7, s6, $0x38;
	[tilespmem:$0x18000] =	vst v63  }
0x202: {  	s18 =	rddreg [dreg:$0x12]  }
0x203: {  	[hbm4b:s18+s6] =	stream.strided.scatter [tilespmem:s16], [sflag:$0x3], $0x4000, s7, s6, $0x38;
	[tilespmem:$0x18000] =	vst v63  }
0x204: {  	s19 =	rddreg [dreg:$0x13]  }
0x205: {  	[hbm4b:s19+s6] =	stream.strided.scatter [tilespmem:s2], [sflag:$0x3], $0x4000, s7, s6, $0x38;
	[tilespmem:$0x18000] =	vst v63  }
0x206: {  	s20 =	rddreg [dreg:$0x14]  }
0x207: {  	[hbm4b:s20+s6] =	stream.strided.scatter [tilespmem:s10], [sflag:$0x3], $0x8000, s7, s6, $0x38;
	[tilespmem:$0x18000] =	vst v63  }
0x208: {  	_ =	swait.ge [sflag:s3], $0x8000  }
0x209: {  	[sflag:s3] =	ssyncset.done $0x0  }
0x20a: {  	[sflag:s3] =	ssyncadd.s32 $0xFFFF8000  }
0x20b: {  	_ =	swait.ge [sflag:s3], $0x8000  }
0x20c: {  	[sflag:s3] =	ssyncset.done $0x0  }
0x20d: {  	[sflag:s3] =	ssyncadd.s32 $0xFFFF8000  }
0x20e: {  	_ =	swait.ge [sflag:s3], $0x8000  }
0x20f: {  	[sflag:s3] =	ssyncset.done $0x0  }
0x210: {  	s23 =	rddreg [dreg:$0x15];
	[sflag:s3] =	ssyncadd.s32 $0xFFFF8000  }
0x211: {  	[tilespmem:s5], [sflag:$0x4] =	stream.linear.gather [hbm4b:s23+s2], $0x8000, $0x38;
	[tilespmem:$0x18000] =	vst v63  }
0x212: {  	_ =	swait.ge [sflag:s8], $0x8000  }
0x213: {  	[sflag:s8] =	ssyncset.done $0x0  }
0x214: {  	s24 =	rddreg [dreg:$0x16];
	[sflag:s8] =	ssyncadd.s32 $0xFFFF8000  }
0x215: {  	[hbm4b:s24+s6] =	stream.strided.scatter [tilespmem:s13], [sflag:$0x1], $0x8000, s7, s6, $0x38;
	[tilespmem:$0x18000] =	vst v63  }
0x216: {  	s25 =	rddreg [dreg:$0x17]  }
0x217: {  	[hbm4b:s25+s6] =	stream.strided.scatter [tilespmem:s14], [sflag:$0x1], $0x8000, s7, s6, $0x38;
	[tilespmem:$0x18000] =	vst v63  }
0x218: {  	s26 =	rddreg [dreg:$0x18]  }
0x219: {  	[hbm4b:s26+s6] =	stream.strided.scatter [tilespmem:s2], [sflag:$0x1], $0x8000, s7, s6, $0x38;
	[tilespmem:$0x18000] =	vst v63  }
0x21a: {  	_ =	swait.ge [sflag:s12], $0x2000  }
0x21b: {  	[sflag:s12] =	ssyncset.done $0x0  }
0x21c: {  	[sflag:s12] =	ssyncadd.s32 $0xFFFFE000  }
0x21d: {  	_ =	swait.ge [sflag:s12], $0x6000  }
0x21e: {  	[sflag:s12] =	ssyncset.done $0x0  }
0x21f: {  	[sflag:s12] =	ssyncadd.s32 $0xFFFFA000  }
0x220: {  	_ =	swait.ge [sflag:s12], $0x4000  }
0x221: {  	[sflag:s12] =	ssyncset.done $0x0  }
0x222: {  	[sflag:s12] =	ssyncadd.s32 $0xFFFFC000  }
0x223: {  	_ =	swait.ge [sflag:s12], $0x4000  }
0x224: {  	[sflag:s12] =	ssyncset.done $0x0  }
0x225: {  	[sflag:s12] =	ssyncadd.s32 $0xFFFFC000  }
0x226: {  	_ =	swait.ge [sflag:s12], $0x8000  }
0x227: {  	[sflag:s12] =	ssyncset.done $0x0  }
0x228: {  	s28 =	rddreg [dreg:$0x19];
	[sflag:s12] =	ssyncadd.s32 $0xFFFF8000  }
0x229: {  	[tilespmem:s10], [sflag:$0x4] =	stream.linear.gather [hbm4b:s28+s2], $0x8000, $0x38;
	[tilespmem:$0x18000] =	vst v63  }
0x22a: {  	_ =	swait.ge [sflag:s8], $0x8000  }
0x22b: {  	[sflag:s8] =	ssyncset.done $0x0  }
0x22c: {  	s29 =	rddreg [dreg:$0x1a];
	[sflag:s8] =	ssyncadd.s32 $0xFFFF8000  }
0x22d: {  	[hbm4b:s29+s6] =	stream.strided.scatter [tilespmem:s9], [sflag:$0x2], $0x8000, s7, s6, $0x38;
	[tilespmem:$0x18000] =	vst v63  }
0x22e: {  	s30 =	rddreg [dreg:$0x1b]  }
0x22f: {  	[hbm4b:s30+s6] =	stream.strided.scatter [tilespmem:s7], [sflag:$0x2], $0x8000, s7, s6, $0x38;
	[tilespmem:$0x18000] =	vst v63  }
0x230: {  	s31 =	rddreg [dreg:$0x1c]  }
0x231: {  	[hbm4b:s31+s6] =	stream.strided.scatter [tilespmem:s5], [sflag:$0x2], $0x8000, s7, s6, $0x38;
	[tilespmem:$0x18000] =	vst v63  }
0x232: {  	_ =	swait.ge [sflag:s4], $0x8000  }
0x233: {  	[sflag:s4] =	ssyncset.done $0x0  }
0x234: {  	[sflag:s4] =	ssyncadd.s32 $0xFFFF8000  }
0x235: {  	_ =	swait.ge [sflag:s4], $0x8000  }
0x236: {  	[sflag:s4] =	ssyncset.done $0x0  }
0x237: {  	[sflag:s4] =	ssyncadd.s32 $0xFFFF8000  }
0x238: {  	_ =	swait.ge [sflag:s4], $0x8000  }
0x239: {  	[sflag:s4] =	ssyncset.done $0x0  }
0x23a: {  	s1 =	rddreg [dreg:$0x1d];
	[sflag:s4] =	ssyncadd.s32 $0xFFFF8000  }
0x23b: {  	[tilespmem:s2], [sflag:$0x4] =	stream.linear.gather [hbm4b:s1+s2], $0x8000, $0x38;
	[tilespmem:$0x18000] =	vst v63  }
0x23c: {  	_ =	swait.ge [sflag:s8], $0x8000  }
0x23d: {  	s11 =	rddreg [dreg:$0x1e];
	[sflag:s8] =	ssyncset.done $0x0  }
0x23e: {  	s15 =	rddreg [dreg:$0x1f];
	[sflag:s8] =	ssyncadd.s32 $0xFFFF8000  }
0x23f: {  	[hbm4b:s11+s2] =	stream.linear.scatter [tilespmem:s17], [sflag:$0x3], $0x2000, $0x38;
	[tilespmem:$0x18000] =	vst v63  }
0x240: {  	s18 =	sld [smem:$0x7F3]  }
0x241: {  	[hbm4b:s15+s6] =	stream.strided.scatter [tilespmem:s2], [sflag:$0x3], $0x6000, s7, s6, $0x38;
	[tilespmem:$0x18000] =	vst v63  }
0x242: {  	s19 =	sld [smem:$0x7F4]  }
0x243: {  	[hbm4b:s18+s6] =	stream.strided.scatter [tilespmem:s16], [sflag:$0x3], $0x4000, s7, s6, $0x38;
	[tilespmem:$0x18000] =	vst v63  }
0x244: {  	s20 =	sld [smem:$0x7F5]  }
0x245: {  	[hbm4b:s19+s6] =	stream.strided.scatter [tilespmem:s2], [sflag:$0x3], $0x4000, s7, s6, $0x38;
	[tilespmem:$0x18000] =	vst v63  }
0x246: {  	_ = 	snop  }
0x247: {  	[hbm4b:s20+s6] =	stream.strided.scatter [tilespmem:s10], [sflag:$0x3], $0x8000, s7, s6, $0x38;
	[tilespmem:$0x18000] =	vst v63  }
0x248: {  	_ =	swait.ge [sflag:s3], $0x8000  }
0x249: {  	[sflag:s3] =	ssyncset.done $0x0  }
0x24a: {  	[sflag:s3] =	ssyncadd.s32 $0xFFFF8000  }
0x24b: {  	_ =	swait.ge [sflag:s3], $0x8000  }
0x24c: {  	[sflag:s3] =	ssyncset.done $0x0  }
0x24d: {  	[sflag:s3] =	ssyncadd.s32 $0xFFFF8000  }
0x24e: {  	_ =	swait.ge [sflag:s3], $0x8000  }
0x24f: {  	s23 =	sld [smem:$0x7F6]  }
0x250: {  	[sflag:s3] =	ssyncset.done $0x0  }
0x251: {  	[sflag:s3] =	ssyncadd.s32 $0xFFFF8000  }
0x252: {  	[tilespmem:s5], [sflag:$0x4] =	stream.linear.gather [hbm4b:s23+s2], $0x8000, $0x38;
	[tilespmem:$0x18000] =	vst v63  }
0x253: {  	_ =	swait.ge [sflag:s8], $0x8000  }
0x254: {  	s24 =	sld [smem:$0x7F7]  }
0x255: {  	[sflag:s8] =	ssyncset.done $0x0  }
0x256: {  	s25 =	sld [smem:$0x7F8];
	[sflag:s8] =	ssyncadd.s32 $0xFFFF8000  }
0x257: {  	[hbm4b:s24+s6] =	stream.strided.scatter [tilespmem:s13], [sflag:$0x1], $0x8000, s7, s6, $0x38;
	[tilespmem:$0x18000] =	vst v63  }
0x258: {  	s26 =	sld [smem:$0x7F9]  }
0x259: {  	[hbm4b:s25+s6] =	stream.strided.scatter [tilespmem:s14], [sflag:$0x1], $0x8000, s7, s6, $0x38;
	[tilespmem:$0x18000] =	vst v63  }
0x25a: {  	_ = 	snop  }
0x25b: {  	[hbm4b:s26+s6] =	stream.strided.scatter [tilespmem:s2], [sflag:$0x1], $0x8000, s7, s6, $0x38;
	[tilespmem:$0x18000] =	vst v63  }
0x25c: {  	_ =	swait.ge [sflag:s12], $0x2000  }
0x25d: {  	[sflag:s12] =	ssyncset.done $0x0  }
0x25e: {  	[sflag:s12] =	ssyncadd.s32 $0xFFFFE000  }
0x25f: {  	_ =	swait.ge [sflag:s12], $0x6000  }
0x260: {  	[sflag:s12] =	ssyncset.done $0x0  }
0x261: {  	[sflag:s12] =	ssyncadd.s32 $0xFFFFA000  }
0x262: {  	_ =	swait.ge [sflag:s12], $0x4000  }
0x263: {  	[sflag:s12] =	ssyncset.done $0x0  }
0x264: {  	[sflag:s12] =	ssyncadd.s32 $0xFFFFC000  }
0x265: {  	_ =	swait.ge [sflag:s12], $0x4000  }
0x266: {  	[sflag:s12] =	ssyncset.done $0x0  }
0x267: {  	[sflag:s12] =	ssyncadd.s32 $0xFFFFC000  }
0x268: {  	_ =	swait.ge [sflag:s12], $0x8000  }
0x269: {  	s28 =	sld [smem:$0x7FA]  }
0x26a: {  	[sflag:s12] =	ssyncset.done $0x0  }
0x26b: {  	[sflag:s12] =	ssyncadd.s32 $0xFFFF8000  }
0x26c: {  	[tilespmem:s10], [sflag:$0x4] =	stream.linear.gather [hbm4b:s28+s2], $0x8000, $0x38;
	[tilespmem:$0x18000] =	vst v63  }
0x26d: {  	_ =	swait.ge [sflag:s8], $0x8000  }
0x26e: {  	s29 =	sld [smem:$0x7FB]  }
0x26f: {  	[sflag:s8] =	ssyncset.done $0x0  }
0x270: {  	s30 =	sld [smem:$0x7FC];
	[sflag:s8] =	ssyncadd.s32 $0xFFFF8000  }
0x271: {  	[hbm4b:s29+s6] =	stream.strided.scatter [tilespmem:s9], [sflag:$0x2], $0x8000, s7, s6, $0x38;
	[tilespmem:$0x18000] =	vst v63  }
0x272: {  	s31 =	sld [smem:$0x7FD]  }
0x273: {  	[hbm4b:s30+s6] =	stream.strided.scatter [tilespmem:s7], [sflag:$0x2], $0x8000, s7, s6, $0x38;
	[tilespmem:$0x18000] =	vst v63  }
0x274: {  	_ = 	snop  }
0x275: {  	[hbm4b:s31+s6] =	stream.strided.scatter [tilespmem:s5], [sflag:$0x2], $0x8000, s7, s6, $0x38;
	[tilespmem:$0x18000] =	vst v63  }
0x276: {  	_ =	swait.ge [sflag:s4], $0x8000  }
0x277: {  	[sflag:s4] =	ssyncset.done $0x0  }
0x278: {  	[sflag:s4] =	ssyncadd.s32 $0xFFFF8000  }
0x279: {  	_ =	swait.ge [sflag:s4], $0x8000  }
0x27a: {  	[sflag:s4] =	ssyncset.done $0x0  }
0x27b: {  	[sflag:s4] =	ssyncadd.s32 $0xFFFF8000  }
0x27c: {  	_ =	swait.ge [sflag:s4], $0x8000  }
0x27d: {  	[sflag:s4] =	ssyncset.done $0x0  }
0x27e: {  	[sflag:s4] =	ssyncadd.s32 $0xFFFF8000  }
0x27f: {  	_ =	swait.ge [sflag:s3], $0x8000  }
0x280: {  	[sflag:s3] =	ssyncset.done $0x0  }
0x281: {  	[sflag:s3] =	ssyncadd.s32 $0xFFFF8000  }
0x282: {  	_ =	swait.ge [sflag:s3], $0x8000  }
0x283: {  	[sflag:s3] =	ssyncset.done $0x0  }
0x284: {  	[sflag:s3] =	ssyncadd.s32 $0xFFFF8000  }
0x285: {  	_ =	swait.ge [sflag:s3], $0x8000  }
0x286: {  	[sflag:s3] =	ssyncset.done $0x0  }
0x287: {  	[sflag:s3] =	ssyncadd.s32 $0xFFFF8000  }
0x288: {  	_ =	sfence.sel $0x180000  }
0x289: {  	[bflag:$0x0] =	sbarrier.arrive $0xFFFF  }
0x28a: {  	p0 =	sne.s32 s21, $0x0;
	_ =	strace $0x90000047  }
0x28b: {  	s0 =	sadd.s32 @!p0 $0x100000, s22;
	[bflag:$0x2] =	sbarrier.arrive $0xFFFF  }
0x28c: {  	[sflag:s0] =	ssyncadd.tile.s32 @!p0 $0x1;
	_ =	shalt  }
.LBB2_2:
.Ltmp3:
0x28d: {  	(pc) =	sbr.rel .LBB2_5-.Ltmp3, $4  }
0x28e: {  	_ = 	snop  }
0x28f: {  	s22 =	rddreg [dreg:$0x2]  }
0x290: {  	s30 =	sld [smem:$0x7F1]  }
0x291: {  	s21 =	stileid.u32;
	s31 =	sld [smem:$0x7F2]  }
.Lfunc_end2:
_tile_overlayer_lowered:
.L_overlay_start_2:
0x292: {  	(tag) =	ssettag $0x2  }
0x293: {  	s0 =	rddreg [dreg:$0x0];
	s2 =	stileid.u32  }
0x294: {  	s1 =	rddreg [dreg:$0x1];
	p0 =	sne.s32 s2, $0x0  }
0x295: {  	s3 =	rddreg [dreg:$0x2];
	[bflag:$0x3] =	sbarrier.arrive $0xFFFF;
	s2 =	simm.s32 @!p0 $0x1C04  }
0x296: {  	[timem:s3], [sflag:s2] =	dma.local @!p0 [hbm:s0], s1  }
0x297: {  	s0 =	simm.s32 @!p0 $0x4  }
0x298: {  	_ =	swait.ge @!p0 [sflag:s0], s1  }
0x299: {  	s1 =	ssub.s32 @!p0 $0x0, s1;
	[sflag:s0] =	ssyncset.done @!p0 $0x0  }
0x29a: {  	[sflag:s0] =	ssyncadd.s32 @!p0 s1  }
0x29b: {  	[bflag:$0x3] =	sbarrier.arrive $0xFFFF  }
0x29c: {  	_ =	shalt  }

</sc_bundles>
